<compile_context>
chip_gen: v7x
topology: tpu7x:2x2x1
jax: 0.10.2.dev20260603
libtpu: 0.0.44.dev20260713+nightly
codegen_flags: <defaults>
</compile_context>

<pallas_src>
import functools

import jax
import jax.numpy as jnp
from jax import lax
from jax.experimental import pallas as pl
from jax.experimental.pallas import tpu as pltpu
from jax.experimental.pallas import tpu_sc as plsc

N = 10000
D = 128
K = 5000
NPAD = 10240
NROW = NPAD // 128
IC = 256
NC = 2
NS = 16
NW = NC * NS
L = 16
RPT = 160
HPT = RPT // 2
KPAD = NW * RPT
NMAIN = 9984
NPADC = 10112
P = 256
HC = NPAD // 2


def _compact_body(spad_hbm, tvec_hbm, cs_hbm, coi_hbm,
                  sv, tv, buf, outs_v, outi_v):
    cid = lax.axis_index("c")
    sid = lax.axis_index("s")
    wid = sid * NC + cid

    @pl.when(wid == 0)
    def _():
        pltpu.sync_copy(spad_hbm, sv)
        pltpu.sync_copy(tvec_hbm, tv)
        tval = tv[pl.ds(0, L)]
        pad_f = jnp.full((L,), -2.0, jnp.float32)
        pad_i = jnp.zeros((L,), jnp.int32)

        def init(t, c):
            outs_v[pl.ds(t * L, L)] = pad_f
            outi_v[pl.ds(t * L, L)] = pad_i
            return c
        lax.fori_loop(0, NPAD // L, init, 0)

        lanes = lax.iota(jnp.int32, L)

        def chunk(t, runb):
            sv_c = sv[pl.ds(t * L, L)]
            m = sv_c >= tval
            mi = jnp.where(m, 1, 0).astype(jnp.int32)
            cur = mi
            buf[pl.ds(0, L)] = cur
            for k in (1, 2, 4, 8):
                g = plsc.load_gather(buf, [jnp.maximum(lanes - k, 0)])
                cur = cur + jnp.where(lanes >= k, g, 0)
                buf[pl.ds(0, L)] = cur
            excl = cur - mi
            pos = runb + excl
            oi = lanes + t * L
            plsc.store_scatter(outs_v, [pos], sv_c, mask=m)
            plsc.store_scatter(outi_v, [pos], oi, mask=m)
            tot = plsc.load_gather(buf, [jnp.full((L,), L - 1, jnp.int32)])
            return runb + tot
        lax.fori_loop(0, NPAD // L, chunk, jnp.zeros((L,), jnp.int32))

        pltpu.sync_copy(outs_v, cs_hbm)
        pltpu.sync_copy(outi_v, coi_hbm)


def _compact_call(s_pad, tvec):
    mesh = plsc.VectorSubcoreMesh(core_axis_name="c", subcore_axis_name="s")
    f = pl.kernel(
        _compact_body,
        out_type=(
            jax.ShapeDtypeStruct((NPAD,), jnp.float32),
            jax.ShapeDtypeStruct((NPAD,), jnp.int32),
        ),
        mesh=mesh,
        compiler_params=pltpu.CompilerParams(needs_layout_passes=False),
        scratch_types=[
            pltpu.VMEM((NPAD,), jnp.float32),
            pltpu.VMEM((L,), jnp.float32),
            pltpu.VMEM((L,), jnp.int32),
            pltpu.VMEM((NPAD,), jnp.float32),
            pltpu.VMEM((NPAD,), jnp.int32),
        ],
    )
    return f(s_pad, tvec)


def _rank_body(sref, scol_ref, s2d_ref, rank_ref):
    m_live = sref[0]
    nrow = sref[1]
    ic = pl.program_id(0)

    @pl.when(ic * IC < m_live)
    def _():
        si = scol_ref[...]
        SI = jnp.broadcast_to(si, (IC, 128))
        II = lax.broadcasted_iota(jnp.int32, (IC, 128), 0) + ic * IC
        JL = lax.broadcasted_iota(jnp.int32, (IC, 128), 1)
        d0 = ic * (IC // 128)

        def ge_body(r, acc):
            row = s2d_ref[pl.ds(r, 1), :]
            SJ = jnp.broadcast_to(row, (IC, 128))
            return acc + (SJ >= SI).astype(jnp.int32)

        def diag_body(r, acc):
            row = s2d_ref[pl.ds(r, 1), :]
            SJ = jnp.broadcast_to(row, (IC, 128))
            JJ = JL + r * 128
            beats = (SJ > SI) | ((SJ == SI) & (JJ < II))
            return acc + beats.astype(jnp.int32)

        def gt_body(r, acc):
            row = s2d_ref[pl.ds(r, 1), :]
            SJ = jnp.broadcast_to(row, (IC, 128))
            return acc + (SJ > SI).astype(jnp.int32)

        d1 = jnp.minimum(d0 + IC // 128, nrow)
        acc = lax.fori_loop(0, d0, ge_body, jnp.zeros((IC, 128), jnp.int32))
        acc = lax.fori_loop(d0, d1, diag_body, acc)
        acc = lax.fori_loop(d1, nrow, gt_body, acc)
        rank_ref[...] = jnp.sum(acc, axis=1, keepdims=True)


def _rank_call(scalars, s_col, s2d):
    return pl.pallas_call(
        _rank_body,
        grid_spec=pltpu.PrefetchScalarGridSpec(
            num_scalar_prefetch=1,
            grid=(NPAD // IC,),
            in_specs=[
                pl.BlockSpec((IC, 1), lambda i, sref: (i, 0)),
                pl.BlockSpec((NROW, 128), lambda i, sref: (0, 0)),
            ],
            out_specs=pl.BlockSpec((IC, 1), lambda i, sref: (i, 0)),
        ),
        out_shape=jax.ShapeDtypeStruct((NPAD, 1), jnp.int32),
    )(scalars, s_col, s2d)


def _sc_body(cs_hbm, rank_hbm, coi_hbm, x_hbm, A_hbm, Atail_hbm, m_hbm,
             newx_hbm, newA_hbm, idx_hbm,
             sA, rA, oA, m_v, idx_v, vals_v, myidx_v, myidxp_v, xrows_v,
             tailstage_v, tails16_v,
             arow0_v, arow1_v, arow2_v, arow3_v,
             orow0_v, orow1_v, orow2_v, orow3_v,
             insem0, insem1, insem2, insem3,
             outsem0, outsem1, outsem2, outsem3, gsem):
    cid = lax.axis_index("c")
    sid = lax.axis_index("s")
    wid = sid * NC + cid
    base = wid * RPT
    insems = (insem0, insem1, insem2, insem3)
    outsems = (outsem0, outsem1, outsem2, outsem3)
    arows = (arow0_v, arow1_v, arow2_v, arow3_v)
    orows = (orow0_v, orow1_v, orow2_v, orow3_v)

    pltpu.sync_copy(m_hbm, m_v)
    mval = m_v[pl.ds(0, L)]
    zi = jnp.zeros((L,), jnp.int32)
    zf = jnp.zeros((L,), jnp.float32)
    for t in range(8):
        idx_v[pl.ds(4992 + t * L, L)] = zi
        vals_v[pl.ds(4992 + t * L, L)] = zf

    for h in range(2):
        pltpu.sync_copy(cs_hbm.at[pl.ds(h * HC, HC)], sA)
        pltpu.sync_copy(rank_hbm.at[pl.ds(h * HC, HC)], rA)
        pltpu.sync_copy(coi_hbm.at[pl.ds(h * HC, HC)], oA)

        def scat(t, c):
            rv = rA[pl.ds(t * L, L)]
            sv = sA[pl.ds(t * L, L)]
            ov = oA[pl.ds(t * L, L)]
            cpos = lax.iota(jnp.int32, L) + (h * HC + t * L)
            m = (rv < K) & (cpos < mval)
            rvc = jnp.minimum(jnp.maximum(rv, 0), KPAD - 1)
            plsc.store_scatter(idx_v, [rvc], ov, mask=m)
            plsc.store_scatter(vals_v, [rvc], sv, mask=m)
            return c
        lax.fori_loop(0, HC // L, scat, 0)

    @pl.when(wid == 0)
    def _():
        pltpu.sync_copy(idx_v.at[pl.ds(0, K)], idx_hbm)

    for t in range(RPT // L):
        myidx_v[pl.ds(t * L, L)] = idx_v[pl.ds(base + t * L, L)]

    def pad8(t, c):
        iv = myidx_v[pl.ds(t * L, L)]
        slots = (lax.iota(jnp.int32, L) + t * L) * 8
        plsc.store_scatter(myidxp_v, [slots], iv)
        return c
    lax.fori_loop(0, RPT // L, pad8, 0)

    pltpu.async_copy(x_hbm.at[myidx_v.at[pl.ds(0, HPT)]],
                     xrows_v.at[pl.ds(0, HPT)], gsem).wait()
    pltpu.async_copy(x_hbm.at[myidx_v.at[pl.ds(HPT, HPT)]],
                     xrows_v.at[pl.ds(HPT, HPT)], gsem).wait()

    lanes = lax.iota(jnp.int32, L)
    for h in range(2):
        pltpu.async_copy(Atail_hbm.at[myidx_v.at[pl.ds(h * HPT, HPT)]],
                         tailstage_v, gsem).wait()

        def tcomp(r, c):
            v = plsc.load_gather(tailstage_v, [jnp.zeros((L,), jnp.int32) + r,
                                               lanes])
            tails16_v[pl.ds((h * HPT + r) * L, L)] = v
            return c
        lax.fori_loop(0, HPT, tcomp, 0)

    def xrow(r, c):
        rr = jnp.zeros((L,), jnp.int32) + r
        v = plsc.load_gather(vals_v, [jnp.zeros((L,), jnp.int32) + base + r])
        for cc in range(D // L):
            col = lax.iota(jnp.int32, L) + cc * L
            val = plsc.load_gather(xrows_v, [rr, col])
            plsc.store_scatter(xrows_v, [rr, col], val * v)
        return c
    lax.fori_loop(0, RPT, xrow, 0)

    nlast = K - (NW - 1) * RPT
    @pl.when(wid < NW - 1)
    def _():
        pltpu.sync_copy(xrows_v.at[pl.ds(0, RPT)], newx_hbm.at[pl.ds(base, RPT)])

    @pl.when(wid == NW - 1)
    def _():
        pltpu.sync_copy(xrows_v.at[pl.ds(0, nlast)],
                        newx_hbm.at[pl.ds((NW - 1) * RPT, nlast)])

    def start_in(r, b):
        pltpu.make_async_copy(
            A_hbm.at[myidxp_v.at[pl.ds(r * 8, 1)], pl.ds(0, NMAIN)],
            arows[b].at[:, pl.ds(0, NMAIN)], insems[b]).start()

    def wait_in(r, b):
        pltpu.make_async_copy(
            A_hbm.at[myidxp_v.at[pl.ds(r * 8, 1)], pl.ds(0, NMAIN)],
            arows[b].at[:, pl.ds(0, NMAIN)], insems[b]).wait()

    def start_out(r, b):
        pltpu.make_async_copy(
            orows[b].at[pl.ds(0, K)],
            newA_hbm.at[pl.ds((base + r) * K, K)], outsems[b]).start()

    def wait_out(r, b):
        pltpu.make_async_copy(
            orows[b].at[pl.ds(0, K)],
            newA_hbm.at[pl.ds((base + r) * K, K)], outsems[b]).wait()

    for q in range(4):
        start_in(q, q)

    def dbody(gg, c):
        for pb in range(2):
            p = gg * 2 + pb
            r0 = 2 * p
            r1 = r0 + 1
            b0 = 2 * pb
            b1 = b0 + 1
            wait_in(r0, b0)
            wait_in(r1, b1)

            @pl.when((p >= 2) & (base + r0 - 4 < K))
            def _():
                wait_out(r0 - 4, b0)

            @pl.when((p >= 2) & (base + r1 - 4 < K))
            def _():
                wait_out(r1 - 4, b1)

            a0 = arows[b0]
            a1 = arows[b1]
            o0 = orows[b0]
            o1 = orows[b1]
            zr = jnp.zeros((L,), jnp.int32)

            tl0 = plsc.load_gather(tails16_v, [r0 * L + lanes])
            plsc.store_scatter(a0, [zr, lanes + NMAIN], tl0)
            tl1 = plsc.load_gather(tails16_v, [r1 * L + lanes])
            plsc.store_scatter(a1, [zr, lanes + NMAIN], tl1)

            def cg(t, cc):
                for u in range(4):
                    o = (t * 4 + u) * L
                    cv = idx_v[pl.ds(o, L)]
                    o0[pl.ds(o, L)] = plsc.load_gather(a0, [zr, cv])
                    o1[pl.ds(o, L)] = plsc.load_gather(a1, [zr, cv])
                return cc
            lax.fori_loop(0, KPAD // (L * 4), cg, 0)

            @pl.when(base + r0 < K)
            def _():
                start_out(r0, b0)

            @pl.when(base + r1 < K)
            def _():
                start_out(r1, b1)

            @pl.when(r0 + 4 < RPT)
            def _():
                start_in(r0 + 4, b0)

            @pl.when(r1 + 4 < RPT)
            def _():
                start_in(r1 + 4, b1)
        return c
    lax.fori_loop(0, RPT // 4, dbody, 0)

    for q in range(4):
        @pl.when(base + RPT - 4 + q < K)
        def _():
            wait_out(RPT - 4 + q, q)


def _sc_call(cs, rank, coi, x, A, A_tail, mvec):
    mesh = plsc.VectorSubcoreMesh(core_axis_name="c", subcore_axis_name="s")
    f = pl.kernel(
        _sc_body,
        out_type=(
            jax.ShapeDtypeStruct((K, D), jnp.float32),
            jax.ShapeDtypeStruct((K * K,), jnp.float32),
            jax.ShapeDtypeStruct((K,), jnp.int32),
        ),
        mesh=mesh,
        compiler_params=pltpu.CompilerParams(needs_layout_passes=False),
        scratch_types=[
            pltpu.VMEM((HC,), jnp.float32),
            pltpu.VMEM((HC,), jnp.int32),
            pltpu.VMEM((HC,), jnp.int32),
            pltpu.VMEM((L,), jnp.int32),
            pltpu.VMEM((KPAD,), jnp.int32),
            pltpu.VMEM((KPAD,), jnp.float32),
            pltpu.VMEM((RPT,), jnp.int32),
            pltpu.VMEM((RPT * 8,), jnp.int32),
            pltpu.VMEM((RPT, D), jnp.float32),
            pltpu.VMEM((HPT, 128), jnp.float32),
            pltpu.VMEM((RPT * L,), jnp.float32),
            pltpu.VMEM((1, NPADC), jnp.float32),
            pltpu.VMEM((1, NPADC), jnp.float32),
            pltpu.VMEM((1, NPADC), jnp.float32),
            pltpu.VMEM((1, NPADC), jnp.float32),
            pltpu.VMEM((KPAD,), jnp.float32),
            pltpu.VMEM((KPAD,), jnp.float32),
            pltpu.VMEM((KPAD,), jnp.float32),
            pltpu.VMEM((KPAD,), jnp.float32),
            pltpu.SemaphoreType.DMA,
            pltpu.SemaphoreType.DMA,
            pltpu.SemaphoreType.DMA,
            pltpu.SemaphoreType.DMA,
            pltpu.SemaphoreType.DMA,
            pltpu.SemaphoreType.DMA,
            pltpu.SemaphoreType.DMA,
            pltpu.SemaphoreType.DMA,
            pltpu.SemaphoreType.DMA,
        ],
    )
    return f(cs, rank, coi, x, A, A_tail, mvec)


def kernel(x, A, W):
    score = x @ W.T
    score = score / jnp.sqrt(jnp.sum(score ** 2))
    score = jnp.squeeze(score, -1)
    s = jnp.tanh(score)

    smin = jnp.min(s)
    smax = jnp.max(s)
    probes = smin + (smax - smin) * (
        jnp.arange(P, dtype=jnp.float32) / jnp.float32(P))
    counts = jnp.sum(s[None, :] >= probes[:, None], axis=1).astype(jnp.int32)
    kidx = jnp.sum((counts >= K).astype(jnp.int32)) - 1
    t = probes[kidx]
    m_live = counts[kidx]
    nrow = (m_live + 127) // 128

    s_pad = jnp.concatenate([s, jnp.full((NPAD - N,), -2.0, jnp.float32)])
    cs, coi = _compact_call(s_pad, jnp.full((L,), t, jnp.float32))
    scalars = jnp.stack([m_live, nrow]).astype(jnp.int32)
    rank_col = _rank_call(scalars, cs.reshape(NPAD, 1), cs.reshape(NROW, 128))
    rank = rank_col[:, 0]
    A_tail = jnp.pad(A[:, NMAIN:], ((0, 0), (0, 128 - (N - NMAIN))))
    mvec = jnp.full((L,), m_live, jnp.int32)
    new_x, new_A_flat, idx = _sc_call(cs, rank, coi, x, A, A_tail, mvec)
    return (new_x, new_A_flat.reshape(K, K), idx)

# --- scband reference (transcript-rebuilt; emitter-appended) ---
"""Pipeline reference for scband-g-pool-88364657147965 (READ-ONLY COPY).

The authoritative reference and input builder live on the scoring server;
editing this copy changes nothing except your own understanding.
"""

import jax, jax.numpy as jnp
import numpy as np

N = 10000
D = 128
RATIO = 0.5

def setup_inputs(seed: int = 0) -> dict:
    key = jax.random.key(seed)
    k1, k2, k3 = jax.random.split(key, 3)
    x = jax.random.normal(k1, (N, D), dtype=jnp.float32)
    A = jax.random.uniform(k2, (N, N), dtype=jnp.float32)
    bound = 1.0 / np.sqrt(D)
    W = jax.random.uniform(k3, (1, D), minval=-bound, maxval=bound, dtype=jnp.float32)
    return {"x": x, "A": A, "W": W}

def reference(x, A, W):
    # score = drop(x) -> identity (dropout p=0.0)
    # fc: Linear(in_features=D, out=1, bias=False)
    score = x @ W.T                                   # [N, 1]
    score = score / jnp.sqrt(jnp.sum(score ** 2))     # normalize by global L2 norm
    score = jnp.squeeze(score, -1)                    # [N]
    score = jnp.tanh(score)                           # activation_gPool = torch.tanh
    k = max(2, int(RATIO * x.shape[0]))               # k = 5000
    values, idx = jax.lax.top_k(score, k)             # topk over N nodes
    new_x = x[idx, :] * values[:, None]               # gather rows + scale
    new_A = A[idx, :][:, idx]                         # dense adjacency row/col gather
    return (new_x, new_A, idx)

if __name__ == "__main__":
    import jax
    _d = setup_inputs()
    print(jax.jit(kernel)(*tuple(_d.values())))

</pallas_src>

<mosaic_0001>
#map = affine_map<(d0, d1) -> (0)>
#map1 = affine_map<(d0, d1) -> (0, 0)>
module attributes {stable_mosaic.version = 14 : i64} {
  func.func @_sc_body(%arg0: i32, %arg1: i32, %arg2: memref<10240xf32, #tpu.memory_space<hbm>>, %arg3: memref<10240xi32, #tpu.memory_space<hbm>>, %arg4: memref<10240xi32, #tpu.memory_space<hbm>>, %arg5: memref<10000x128xf32, #tpu.memory_space<hbm>>, %arg6: memref<10000x10000xf32, #tpu.memory_space<hbm>>, %arg7: memref<10000x128xf32, #tpu.memory_space<hbm>>, %arg8: memref<16xi32, #tpu.memory_space<hbm>>, %arg9: memref<5000x128xf32, #tpu.memory_space<hbm>>, %arg10: memref<25000000xf32, #tpu.memory_space<hbm>>, %arg11: memref<5000xi32, #tpu.memory_space<hbm>>, %arg12: memref<5120xf32, #tpu.memory_space<vmem>>, %arg13: memref<5120xi32, #tpu.memory_space<vmem>>, %arg14: memref<5120xi32, #tpu.memory_space<vmem>>, %arg15: memref<16xi32, #tpu.memory_space<vmem>>, %arg16: memref<5120xi32, #tpu.memory_space<vmem>>, %arg17: memref<5120xf32, #tpu.memory_space<vmem>>, %arg18: memref<160xi32, #tpu.memory_space<vmem>>, %arg19: memref<1280xi32, #tpu.memory_space<vmem>>, %arg20: memref<160x128xf32, #tpu.memory_space<vmem>>, %arg21: memref<80x128xf32, #tpu.memory_space<vmem>>, %arg22: memref<2560xf32, #tpu.memory_space<vmem>>, %arg23: memref<1x10112xf32, #tpu.memory_space<vmem>>, %arg24: memref<1x10112xf32, #tpu.memory_space<vmem>>, %arg25: memref<1x10112xf32, #tpu.memory_space<vmem>>, %arg26: memref<1x10112xf32, #tpu.memory_space<vmem>>, %arg27: memref<5120xf32, #tpu.memory_space<vmem>>, %arg28: memref<5120xf32, #tpu.memory_space<vmem>>, %arg29: memref<5120xf32, #tpu.memory_space<vmem>>, %arg30: memref<5120xf32, #tpu.memory_space<vmem>>, %arg31: memref<!tpu.dma_semaphore, #tpu.memory_space<semaphore_mem>>, %arg32: memref<!tpu.dma_semaphore, #tpu.memory_space<semaphore_mem>>, %arg33: memref<!tpu.dma_semaphore, #tpu.memory_space<semaphore_mem>>, %arg34: memref<!tpu.dma_semaphore, #tpu.memory_space<semaphore_mem>>, %arg35: memref<!tpu.dma_semaphore, #tpu.memory_space<semaphore_mem>>, %arg36: memref<!tpu.dma_semaphore, #tpu.memory_space<semaphore_mem>>, %arg37: memref<!tpu.dma_semaphore, #tpu.memory_space<semaphore_mem>>, %arg38: memref<!tpu.dma_semaphore, #tpu.memory_space<semaphore_mem>>, %arg39: memref<!tpu.dma_semaphore, #tpu.memory_space<semaphore_mem>>) attributes {dimension_semantics = [#tpu.dimension_semantics<core_parallel>, #tpu.dimension_semantics<subcore_parallel>], iteration_bounds = array<i64: 2, 16>, scalar_prefetch = 0 : i64, scratch_operands = 28 : i64, tpu.core_type = #tpu.core_type<sc_vector_subcore>, window_params = [{transform_indices = #map}, {transform_indices = #map}, {transform_indices = #map}, {transform_indices = #map1}, {transform_indices = #map1}, {transform_indices = #map1}, {transform_indices = #map}, {transform_indices = #map1}, {transform_indices = #map}, {transform_indices = #map}]} {
    %mul3A = arith.constant 2 : i32
    %mul3A_0 = arith.muli %arg1, %mul3A : i32
    %add3A = arith.addi %mul3A_0, %arg0 : i32
    %mul3A_1 = arith.constant 160 : i32
    %mul3A_2 = arith.muli %add3A, %mul3A_1 : i32
    "tpu.region"() ({
      %run_scoped3A = tpu.sem_alloc : memref<!tpu.dma_semaphore, #tpu.memory_space<semaphore_mem>>
      tpu.enqueue_dma source(%arg8 : memref<16xi32, #tpu.memory_space<hbm>>) target(%arg15 : memref<16xi32, #tpu.memory_space<vmem>>) target_semaphore(%run_scoped3A : memref<!tpu.dma_semaphore, #tpu.memory_space<semaphore_mem>>)
      tpu.wait_dma2 semaphore(%run_scoped3A : memref<!tpu.dma_semaphore, #tpu.memory_space<semaphore_mem>>) src(%arg8 : memref<16xi32, #tpu.memory_space<hbm>>) dst(%arg15 : memref<16xi32, #tpu.memory_space<vmem>>)
      tpu.yield
    }) : () -> ()
    %get3A = arith.constant 0 : index
    %get3A_3 = tpu.vector_load %arg15[%get3A] {strides = array<i32>} : memref<16xi32, #tpu.memory_space<vmem>>, vector<16xi32>,
    %broadcast_in_dim3A = arith.constant 0 : i32
    %broadcast_in_dim3A_4 = vector.broadcast %broadcast_in_dim3A : i32 to vector<16xi32>
    %broadcast_in_dim3A_5 = arith.constant 0.000000e+00 : f32
    %broadcast_in_dim3A_6 = vector.broadcast %broadcast_in_dim3A_5 : f32 to vector<16xf32>
    %swap3A = arith.constant 4992 : index
    %swap3A_7 = tpu.vector_load %arg16[%swap3A] {strides = array<i32>} : memref<5120xi32, #tpu.memory_space<vmem>>, vector<16xi32>,
    tpu.vector_store %arg16[%swap3A], %broadcast_in_dim3A_4 {strides = array<i32>} : memref<5120xi32, #tpu.memory_space<vmem>>, vector<16xi32>,
    %swap3A_8 = arith.constant 4992 : index
    %swap3A_9 = tpu.vector_load %arg17[%swap3A_8] {strides = array<i32>} : memref<5120xf32, #tpu.memory_space<vmem>>, vector<16xf32>,
    tpu.vector_store %arg17[%swap3A_8], %broadcast_in_dim3A_6 {strides = array<i32>} : memref<5120xf32, #tpu.memory_space<vmem>>, vector<16xf32>,
    %swap3A_10 = arith.constant 5008 : index
    %swap3A_11 = tpu.vector_load %arg16[%swap3A_10] {strides = array<i32>} : memref<5120xi32, #tpu.memory_space<vmem>>, vector<16xi32>,
    tpu.vector_store %arg16[%swap3A_10], %broadcast_in_dim3A_4 {strides = array<i32>} : memref<5120xi32, #tpu.memory_space<vmem>>, vector<16xi32>,
    %swap3A_12 = arith.constant 5008 : index
    %swap3A_13 = tpu.vector_load %arg17[%swap3A_12] {strides = array<i32>} : memref<5120xf32, #tpu.memory_space<vmem>>, vector<16xf32>,
    tpu.vector_store %arg17[%swap3A_12], %broadcast_in_dim3A_6 {strides = array<i32>} : memref<5120xf32, #tpu.memory_space<vmem>>, vector<16xf32>,
    %swap3A_14 = arith.constant 5024 : index
    %swap3A_15 = tpu.vector_load %arg16[%swap3A_14] {strides = array<i32>} : memref<5120xi32, #tpu.memory_space<vmem>>, vector<16xi32>,
    tpu.vector_store %arg16[%swap3A_14], %broadcast_in_dim3A_4 {strides = array<i32>} : memref<5120xi32, #tpu.memory_space<vmem>>, vector<16xi32>,
    %swap3A_16 = arith.constant 5024 : index
    %swap3A_17 = tpu.vector_load %arg17[%swap3A_16] {strides = array<i32>} : memref<5120xf32, #tpu.memory_space<vmem>>, vector<16xf32>,
    tpu.vector_store %arg17[%swap3A_16], %broadcast_in_dim3A_6 {strides = array<i32>} : memref<5120xf32, #tpu.memory_space<vmem>>, vector<16xf32>,
    %swap3A_18 = arith.constant 5040 : index
    %swap3A_19 = tpu.vector_load %arg16[%swap3A_18] {strides = array<i32>} : memref<5120xi32, #tpu.memory_space<vmem>>, vector<16xi32>,
    tpu.vector_store %arg16[%swap3A_18], %broadcast_in_dim3A_4 {strides = array<i32>} : memref<5120xi32, #tpu.memory_space<vmem>>, vector<16xi32>,
    %swap3A_20 = arith.constant 5040 : index
    %swap3A_21 = tpu.vector_load %arg17[%swap3A_20] {strides = array<i32>} : memref<5120xf32, #tpu.memory_space<vmem>>, vector<16xf32>,
    tpu.vector_store %arg17[%swap3A_20], %broadcast_in_dim3A_6 {strides = array<i32>} : memref<5120xf32, #tpu.memory_space<vmem>>, vector<16xf32>,
    %swap3A_22 = arith.constant 5056 : index
    %swap3A_23 = tpu.vector_load %arg16[%swap3A_22] {strides = array<i32>} : memref<5120xi32, #tpu.memory_space<vmem>>, vector<16xi32>,
    tpu.vector_store %arg16[%swap3A_22], %broadcast_in_dim3A_4 {strides = array<i32>} : memref<5120xi32, #tpu.memory_space<vmem>>, vector<16xi32>,
    %swap3A_24 = arith.constant 5056 : index
    %swap3A_25 = tpu.vector_load %arg17[%swap3A_24] {strides = array<i32>} : memref<5120xf32, #tpu.memory_space<vmem>>, vector<16xf32>,
    tpu.vector_store %arg17[%swap3A_24], %broadcast_in_dim3A_6 {strides = array<i32>} : memref<5120xf32, #tpu.memory_space<vmem>>, vector<16xf32>,
    %swap3A_26 = arith.constant 5072 : index
    %swap3A_27 = tpu.vector_load %arg16[%swap3A_26] {strides = array<i32>} : memref<5120xi32, #tpu.memory_space<vmem>>, vector<16xi32>,
    tpu.vector_store %arg16[%swap3A_26], %broadcast_in_dim3A_4 {strides = array<i32>} : memref<5120xi32, #tpu.memory_space<vmem>>, vector<16xi32>,
    %swap3A_28 = arith.constant 5072 : index
    %swap3A_29 = tpu.vector_load %arg17[%swap3A_28] {strides = array<i32>} : memref<5120xf32, #tpu.memory_space<vmem>>, vector<16xf32>,
    tpu.vector_store %arg17[%swap3A_28], %broadcast_in_dim3A_6 {strides = array<i32>} : memref<5120xf32, #tpu.memory_space<vmem>>, vector<16xf32>,
    %swap3A_30 = arith.constant 5088 : index
    %swap3A_31 = tpu.vector_load %arg16[%swap3A_30] {strides = array<i32>} : memref<5120xi32, #tpu.memory_space<vmem>>, vector<16xi32>,
    tpu.vector_store %arg16[%swap3A_30], %broadcast_in_dim3A_4 {strides = array<i32>} : memref<5120xi32, #tpu.memory_space<vmem>>, vector<16xi32>,
    %swap3A_32 = arith.constant 5088 : index
    %swap3A_33 = tpu.vector_load %arg17[%swap3A_32] {strides = array<i32>} : memref<5120xf32, #tpu.memory_space<vmem>>, vector<16xf32>,
    tpu.vector_store %arg17[%swap3A_32], %broadcast_in_dim3A_6 {strides = array<i32>} : memref<5120xf32, #tpu.memory_space<vmem>>, vector<16xf32>,
    %swap3A_34 = arith.constant 5104 : index
    %swap3A_35 = tpu.vector_load %arg16[%swap3A_34] {strides = array<i32>} : memref<5120xi32, #tpu.memory_space<vmem>>, vector<16xi32>,
    tpu.vector_store %arg16[%swap3A_34], %broadcast_in_dim3A_4 {strides = array<i32>} : memref<5120xi32, #tpu.memory_space<vmem>>, vector<16xi32>,
    %swap3A_36 = arith.constant 5104 : index
    %swap3A_37 = tpu.vector_load %arg17[%swap3A_36] {strides = array<i32>} : memref<5120xf32, #tpu.memory_space<vmem>>, vector<16xf32>,
    tpu.vector_store %arg17[%swap3A_36], %broadcast_in_dim3A_6 {strides = array<i32>} : memref<5120xf32, #tpu.memory_space<vmem>>, vector<16xf32>,
    "tpu.region"() ({
      %run_scoped3A = tpu.sem_alloc : memref<!tpu.dma_semaphore, #tpu.memory_space<semaphore_mem>>
      %dma_start3A_275 = arith.constant 0 : i32
      %dma_start3A_276 = tpu.memref_slice %arg2[%dma_start3A_275] : memref<10240xf32, #tpu.memory_space<hbm>> -> memref<5120xf32, #tpu.memory_space<hbm>>
      %dma_start3A_277 = arith.constant 0 : i32
      %dma_start3A_278 = tpu.memref_slice %arg2[%dma_start3A_277] : memref<10240xf32, #tpu.memory_space<hbm>> -> memref<5120xf32, #tpu.memory_space<hbm>>
      tpu.enqueue_dma source(%dma_start3A_278 : memref<5120xf32, #tpu.memory_space<hbm>>) target(%arg12 : memref<5120xf32, #tpu.memory_space<vmem>>) target_semaphore(%run_scoped3A : memref<!tpu.dma_semaphore, #tpu.memory_space<semaphore_mem>>)
      %dma_wait3A_279 = arith.constant 0 : i32
      %dma_wait3A_280 = tpu.memref_slice %arg2[%dma_wait3A_279] : memref<10240xf32, #tpu.memory_space<hbm>> -> memref<5120xf32, #tpu.memory_space<hbm>>
      %dma_wait3A_281 = arith.constant 0 : i32
      %dma_wait3A_282 = tpu.memref_slice %arg2[%dma_wait3A_281] : memref<10240xf32, #tpu.memory_space<hbm>> -> memref<5120xf32, #tpu.memory_space<hbm>>
      tpu.wait_dma2 semaphore(%run_scoped3A : memref<!tpu.dma_semaphore, #tpu.memory_space<semaphore_mem>>) src(%dma_wait3A_282 : memref<5120xf32, #tpu.memory_space<hbm>>) dst(%arg12 : memref<5120xf32, #tpu.memory_space<vmem>>)
      tpu.yield
    }) : () -> ()
    "tpu.region"() ({
      %run_scoped3A = tpu.sem_alloc : memref<!tpu.dma_semaphore, #tpu.memory_space<semaphore_mem>>
      %dma_start3A_275 = arith.constant 0 : i32
      %dma_start3A_276 = tpu.memref_slice %arg3[%dma_start3A_275] : memref<10240xi32, #tpu.memory_space<hbm>> -> memref<5120xi32, #tpu.memory_space<hbm>>
      %dma_start3A_277 = arith.constant 0 : i32
      %dma_start3A_278 = tpu.memref_slice %arg3[%dma_start3A_277] : memref<10240xi32, #tpu.memory_space<hbm>> -> memref<5120xi32, #tpu.memory_space<hbm>>
      tpu.enqueue_dma source(%dma_start3A_278 : memref<5120xi32, #tpu.memory_space<hbm>>) target(%arg13 : memref<5120xi32, #tpu.memory_space<vmem>>) target_semaphore(%run_scoped3A : memref<!tpu.dma_semaphore, #tpu.memory_space<semaphore_mem>>)
      %dma_wait3A_279 = arith.constant 0 : i32
      %dma_wait3A_280 = tpu.memref_slice %arg3[%dma_wait3A_279] : memref<10240xi32, #tpu.memory_space<hbm>> -> memref<5120xi32, #tpu.memory_space<hbm>>
      %dma_wait3A_281 = arith.constant 0 : i32
      %dma_wait3A_282 = tpu.memref_slice %arg3[%dma_wait3A_281] : memref<10240xi32, #tpu.memory_space<hbm>> -> memref<5120xi32, #tpu.memory_space<hbm>>
      tpu.wait_dma2 semaphore(%run_scoped3A : memref<!tpu.dma_semaphore, #tpu.memory_space<semaphore_mem>>) src(%dma_wait3A_282 : memref<5120xi32, #tpu.memory_space<hbm>>) dst(%arg13 : memref<5120xi32, #tpu.memory_space<vmem>>)
      tpu.yield
    }) : () -> ()
    "tpu.region"() ({
      %run_scoped3A = tpu.sem_alloc : memref<!tpu.dma_semaphore, #tpu.memory_space<semaphore_mem>>
      %dma_start3A_275 = arith.constant 0 : i32
      %dma_start3A_276 = tpu.memref_slice %arg4[%dma_start3A_275] : memref<10240xi32, #tpu.memory_space<hbm>> -> memref<5120xi32, #tpu.memory_space<hbm>>
      %dma_start3A_277 = arith.constant 0 : i32
      %dma_start3A_278 = tpu.memref_slice %arg4[%dma_start3A_277] : memref<10240xi32, #tpu.memory_space<hbm>> -> memref<5120xi32, #tpu.memory_space<hbm>>
      tpu.enqueue_dma source(%dma_start3A_278 : memref<5120xi32, #tpu.memory_space<hbm>>) target(%arg14 : memref<5120xi32, #tpu.memory_space<vmem>>) target_semaphore(%run_scoped3A : memref<!tpu.dma_semaphore, #tpu.memory_space<semaphore_mem>>)
      %dma_wait3A_279 = arith.constant 0 : i32
      %dma_wait3A_280 = tpu.memref_slice %arg4[%dma_wait3A_279] : memref<10240xi32, #tpu.memory_space<hbm>> -> memref<5120xi32, #tpu.memory_space<hbm>>
      %dma_wait3A_281 = arith.constant 0 : i32
      %dma_wait3A_282 = tpu.memref_slice %arg4[%dma_wait3A_281] : memref<10240xi32, #tpu.memory_space<hbm>> -> memref<5120xi32, #tpu.memory_space<hbm>>
      tpu.wait_dma2 semaphore(%run_scoped3A : memref<!tpu.dma_semaphore, #tpu.memory_space<semaphore_mem>>) src(%dma_wait3A_282 : memref<5120xi32, #tpu.memory_space<hbm>>) dst(%arg14 : memref<5120xi32, #tpu.memory_space<vmem>>)
      tpu.yield
    }) : () -> ()
    %scan3A = arith.constant 0 : i32
    %scan3A_38 = arith.constant 0 : i32
    %scan3A_39 = arith.constant 320 : i32
    %scan3A_40 = arith.addi %scan3A_38, %scan3A_39 : i32
    %scan3A_41 = arith.constant 1 : i32
    scf.for %scan3A_275 = %scan3A_38 to %scan3A_40 step %scan3A_41  : i32 {
      %mul3A_276 = arith.constant 16 : i32
      %mul3A_277 = arith.muli %scan3A_275, %mul3A_276 : i32
      %get3A_278 = arith.index_cast %mul3A_277 : i32 to index
      %get3A_279 = tpu.vector_load %arg13[%get3A_278] {strides = array<i32>} : memref<5120xi32, #tpu.memory_space<vmem>>, vector<16xi32>,
      %mul3A_280 = arith.constant 16 : i32
      %mul3A_281 = arith.muli %scan3A_275, %mul3A_280 : i32
      %get3A_282 = arith.index_cast %mul3A_281 : i32 to index
      %get3A_283 = tpu.vector_load %arg12[%get3A_282] {strides = array<i32>} : memref<5120xf32, #tpu.memory_space<vmem>>, vector<16xf32>,
      %mul3A_284 = arith.constant 16 : i32
      %mul3A_285 = arith.muli %scan3A_275, %mul3A_284 : i32
      %get3A_286 = arith.index_cast %mul3A_285 : i32 to index
      %get3A_287 = tpu.vector_load %arg14[%get3A_286] {strides = array<i32>} : memref<5120xi32, #tpu.memory_space<vmem>>, vector<16xi32>,
      %iota3A_288 = tpu.iota {dimensions = array<i32: 0>} : vector<16xi32>
      %mul3A_289 = arith.constant 16 : i32
      %mul3A_290 = arith.muli %scan3A_275, %mul3A_289 : i32
      %add3A_291 = arith.constant 0 : i32
      %add3A_292 = arith.addi %add3A_291, %mul3A_290 : i32
      %add3A_293 = vector.broadcast %add3A_292 : i32 to vector<16xi32>
      %add3A_294 = arith.addi %iota3A_288, %add3A_293 : vector<16xi32>
      %lt3A_295 = arith.constant 5000 : i32
      %lt3A_296 = vector.broadcast %lt3A_295 : i32 to vector<16xi32>
      %lt3A_297 = arith.cmpi slt, %get3A_279, %lt3A_296 : vector<16xi32>
      %lt3A_298 = arith.cmpi slt, %add3A_294, %get3A_3 : vector<16xi32>
      %and3A = arith.andi %lt3A_297, %lt3A_298 : vector<16xi1>
      %max3A = arith.constant 0 : i32
      %max3A_299 = vector.broadcast %max3A : i32 to vector<16xi32>
      %max3A_300 = arith.maxsi %get3A_279, %max3A_299 : vector<16xi32>
      %min3A = arith.constant 5119 : i32
      %min3A_301 = vector.broadcast %min3A : i32 to vector<16xi32>
      %min3A_302 = arith.minsi %max3A_300, %min3A_301 : vector<16xi32>
      tpu.vector_store_idx %arg16[%min3A_302], %get3A_287 masked %and3A : memref<5120xi32, #tpu.memory_space<vmem>>[vector<16xi32>], vector<16xi32>, vector<16xi1>
      tpu.vector_store_idx %arg17[%min3A_302], %get3A_283 masked %and3A : memref<5120xf32, #tpu.memory_space<vmem>>[vector<16xi32>], vector<16xf32>, vector<16xi1>
    }
    %scan3A_42 = arith.constant 320 : i32
    "tpu.region"() ({
      %run_scoped3A = tpu.sem_alloc : memref<!tpu.dma_semaphore, #tpu.memory_space<semaphore_mem>>
      %dma_start3A_275 = arith.constant 5120 : i32
      %dma_start3A_276 = tpu.memref_slice %arg2[%dma_start3A_275] : memref<10240xf32, #tpu.memory_space<hbm>> -> memref<5120xf32, #tpu.memory_space<hbm>>
      %dma_start3A_277 = arith.constant 5120 : i32
      %dma_start3A_278 = tpu.memref_slice %arg2[%dma_start3A_277] : memref<10240xf32, #tpu.memory_space<hbm>> -> memref<5120xf32, #tpu.memory_space<hbm>>
      tpu.enqueue_dma source(%dma_start3A_278 : memref<5120xf32, #tpu.memory_space<hbm>>) target(%arg12 : memref<5120xf32, #tpu.memory_space<vmem>>) target_semaphore(%run_scoped3A : memref<!tpu.dma_semaphore, #tpu.memory_space<semaphore_mem>>)
      %dma_wait3A_279 = arith.constant 5120 : i32
      %dma_wait3A_280 = tpu.memref_slice %arg2[%dma_wait3A_279] : memref<10240xf32, #tpu.memory_space<hbm>> -> memref<5120xf32, #tpu.memory_space<hbm>>
      %dma_wait3A_281 = arith.constant 5120 : i32
      %dma_wait3A_282 = tpu.memref_slice %arg2[%dma_wait3A_281] : memref<10240xf32, #tpu.memory_space<hbm>> -> memref<5120xf32, #tpu.memory_space<hbm>>
      tpu.wait_dma2 semaphore(%run_scoped3A : memref<!tpu.dma_semaphore, #tpu.memory_space<semaphore_mem>>) src(%dma_wait3A_282 : memref<5120xf32, #tpu.memory_space<hbm>>) dst(%arg12 : memref<5120xf32, #tpu.memory_space<vmem>>)
      tpu.yield
    }) : () -> ()
    "tpu.region"() ({
      %run_scoped3A = tpu.sem_alloc : memref<!tpu.dma_semaphore, #tpu.memory_space<semaphore_mem>>
      %dma_start3A_275 = arith.constant 5120 : i32
      %dma_start3A_276 = tpu.memref_slice %arg3[%dma_start3A_275] : memref<10240xi32, #tpu.memory_space<hbm>> -> memref<5120xi32, #tpu.memory_space<hbm>>
      %dma_start3A_277 = arith.constant 5120 : i32
      %dma_start3A_278 = tpu.memref_slice %arg3[%dma_start3A_277] : memref<10240xi32, #tpu.memory_space<hbm>> -> memref<5120xi32, #tpu.memory_space<hbm>>
      tpu.enqueue_dma source(%dma_start3A_278 : memref<5120xi32, #tpu.memory_space<hbm>>) target(%arg13 : memref<5120xi32, #tpu.memory_space<vmem>>) target_semaphore(%run_scoped3A : memref<!tpu.dma_semaphore, #tpu.memory_space<semaphore_mem>>)
      %dma_wait3A_279 = arith.constant 5120 : i32
      %dma_wait3A_280 = tpu.memref_slice %arg3[%dma_wait3A_279] : memref<10240xi32, #tpu.memory_space<hbm>> -> memref<5120xi32, #tpu.memory_space<hbm>>
      %dma_wait3A_281 = arith.constant 5120 : i32
      %dma_wait3A_282 = tpu.memref_slice %arg3[%dma_wait3A_281] : memref<10240xi32, #tpu.memory_space<hbm>> -> memref<5120xi32, #tpu.memory_space<hbm>>
      tpu.wait_dma2 semaphore(%run_scoped3A : memref<!tpu.dma_semaphore, #tpu.memory_space<semaphore_mem>>) src(%dma_wait3A_282 : memref<5120xi32, #tpu.memory_space<hbm>>) dst(%arg13 : memref<5120xi32, #tpu.memory_space<vmem>>)
      tpu.yield
    }) : () -> ()
    "tpu.region"() ({
      %run_scoped3A = tpu.sem_alloc : memref<!tpu.dma_semaphore, #tpu.memory_space<semaphore_mem>>
      %dma_start3A_275 = arith.constant 5120 : i32
      %dma_start3A_276 = tpu.memref_slice %arg4[%dma_start3A_275] : memref<10240xi32, #tpu.memory_space<hbm>> -> memref<5120xi32, #tpu.memory_space<hbm>>
      %dma_start3A_277 = arith.constant 5120 : i32
      %dma_start3A_278 = tpu.memref_slice %arg4[%dma_start3A_277] : memref<10240xi32, #tpu.memory_space<hbm>> -> memref<5120xi32, #tpu.memory_space<hbm>>
      tpu.enqueue_dma source(%dma_start3A_278 : memref<5120xi32, #tpu.memory_space<hbm>>) target(%arg14 : memref<5120xi32, #tpu.memory_space<vmem>>) target_semaphore(%run_scoped3A : memref<!tpu.dma_semaphore, #tpu.memory_space<semaphore_mem>>)
      %dma_wait3A_279 = arith.constant 5120 : i32
      %dma_wait3A_280 = tpu.memref_slice %arg4[%dma_wait3A_279] : memref<10240xi32, #tpu.memory_space<hbm>> -> memref<5120xi32, #tpu.memory_space<hbm>>
      %dma_wait3A_281 = arith.constant 5120 : i32
      %dma_wait3A_282 = tpu.memref_slice %arg4[%dma_wait3A_281] : memref<10240xi32, #tpu.memory_space<hbm>> -> memref<5120xi32, #tpu.memory_space<hbm>>
      tpu.wait_dma2 semaphore(%run_scoped3A : memref<!tpu.dma_semaphore, #tpu.memory_space<semaphore_mem>>) src(%dma_wait3A_282 : memref<5120xi32, #tpu.memory_space<hbm>>) dst(%arg14 : memref<5120xi32, #tpu.memory_space<vmem>>)
      tpu.yield
    }) : () -> ()
    %scan3A_43 = arith.constant 0 : i32
    %scan3A_44 = arith.constant 0 : i32
    %scan3A_45 = arith.constant 320 : i32
    %scan3A_46 = arith.addi %scan3A_44, %scan3A_45 : i32
    %scan3A_47 = arith.constant 1 : i32
    scf.for %scan3A_275 = %scan3A_44 to %scan3A_46 step %scan3A_47  : i32 {
      %mul3A_276 = arith.constant 16 : i32
      %mul3A_277 = arith.muli %scan3A_275, %mul3A_276 : i32
      %get3A_278 = arith.index_cast %mul3A_277 : i32 to index
      %get3A_279 = tpu.vector_load %arg13[%get3A_278] {strides = array<i32>} : memref<5120xi32, #tpu.memory_space<vmem>>, vector<16xi32>,
      %mul3A_280 = arith.constant 16 : i32
      %mul3A_281 = arith.muli %scan3A_275, %mul3A_280 : i32
      %get3A_282 = arith.index_cast %mul3A_281 : i32 to index
      %get3A_283 = tpu.vector_load %arg12[%get3A_282] {strides = array<i32>} : memref<5120xf32, #tpu.memory_space<vmem>>, vector<16xf32>,
      %mul3A_284 = arith.constant 16 : i32
      %mul3A_285 = arith.muli %scan3A_275, %mul3A_284 : i32
      %get3A_286 = arith.index_cast %mul3A_285 : i32 to index
      %get3A_287 = tpu.vector_load %arg14[%get3A_286] {strides = array<i32>} : memref<5120xi32, #tpu.memory_space<vmem>>, vector<16xi32>,
      %iota3A_288 = tpu.iota {dimensions = array<i32: 0>} : vector<16xi32>
      %mul3A_289 = arith.constant 16 : i32
      %mul3A_290 = arith.muli %scan3A_275, %mul3A_289 : i32
      %add3A_291 = arith.constant 5120 : i32
      %add3A_292 = arith.addi %add3A_291, %mul3A_290 : i32
      %add3A_293 = vector.broadcast %add3A_292 : i32 to vector<16xi32>
      %add3A_294 = arith.addi %iota3A_288, %add3A_293 : vector<16xi32>
      %lt3A_295 = arith.constant 5000 : i32
      %lt3A_296 = vector.broadcast %lt3A_295 : i32 to vector<16xi32>
      %lt3A_297 = arith.cmpi slt, %get3A_279, %lt3A_296 : vector<16xi32>
      %lt3A_298 = arith.cmpi slt, %add3A_294, %get3A_3 : vector<16xi32>
      %and3A = arith.andi %lt3A_297, %lt3A_298 : vector<16xi1>
      %max3A = arith.constant 0 : i32
      %max3A_299 = vector.broadcast %max3A : i32 to vector<16xi32>
      %max3A_300 = arith.maxsi %get3A_279, %max3A_299 : vector<16xi32>
      %min3A = arith.constant 5119 : i32
      %min3A_301 = vector.broadcast %min3A : i32 to vector<16xi32>
      %min3A_302 = arith.minsi %max3A_300, %min3A_301 : vector<16xi32>
      tpu.vector_store_idx %arg16[%min3A_302], %get3A_287 masked %and3A : memref<5120xi32, #tpu.memory_space<vmem>>[vector<16xi32>], vector<16xi32>, vector<16xi1>
      tpu.vector_store_idx %arg17[%min3A_302], %get3A_283 masked %and3A : memref<5120xf32, #tpu.memory_space<vmem>>[vector<16xi32>], vector<16xf32>, vector<16xi1>
    }
    %scan3A_48 = arith.constant 320 : i32
    %eq3A = arith.constant 0 : i32
    %eq3A_49 = arith.cmpi eq, %add3A, %eq3A : i32
    %convert_element_type3A = arith.extui %eq3A_49 : i1 to i32
    %cond3A = arith.constant 0 : i32
    %cond3A_50 = arith.cmpi ne, %convert_element_type3A, %cond3A : i32
    scf.if %cond3A_50 {
      "tpu.region"() ({
        %run_scoped3A = tpu.sem_alloc : memref<!tpu.dma_semaphore, #tpu.memory_space<semaphore_mem>>
        %dma_start3A_275 = arith.constant 0 : i32
        %dma_start3A_276 = tpu.memref_slice %arg16[%dma_start3A_275] : memref<5120xi32, #tpu.memory_space<vmem>> -> memref<5000xi32, #tpu.memory_space<vmem>>
        %dma_start3A_277 = arith.constant 0 : i32
        %dma_start3A_278 = tpu.memref_slice %arg16[%dma_start3A_277] : memref<5120xi32, #tpu.memory_space<vmem>> -> memref<5000xi32, #tpu.memory_space<vmem>>
        tpu.enqueue_dma source(%dma_start3A_278 : memref<5000xi32, #tpu.memory_space<vmem>>) target(%arg11 : memref<5000xi32, #tpu.memory_space<hbm>>) target_semaphore(%run_scoped3A : memref<!tpu.dma_semaphore, #tpu.memory_space<semaphore_mem>>)
        %dma_wait3A_279 = arith.constant 0 : i32
        %dma_wait3A_280 = tpu.memref_slice %arg16[%dma_wait3A_279] : memref<5120xi32, #tpu.memory_space<vmem>> -> memref<5000xi32, #tpu.memory_space<vmem>>
        %dma_wait3A_281 = arith.constant 0 : i32
        %dma_wait3A_282 = tpu.memref_slice %arg16[%dma_wait3A_281] : memref<5120xi32, #tpu.memory_space<vmem>> -> memref<5000xi32, #tpu.memory_space<vmem>>
        tpu.wait_dma2 semaphore(%run_scoped3A : memref<!tpu.dma_semaphore, #tpu.memory_space<semaphore_mem>>) src(%dma_wait3A_282 : memref<5000xi32, #tpu.memory_space<vmem>>) dst(%arg11 : memref<5000xi32, #tpu.memory_space<hbm>>)
        tpu.yield
      }) : () -> ()
    } else {
    }
    %add3A_51 = arith.constant 0 : i32
    %add3A_52 = arith.addi %mul3A_2, %add3A_51 : i32
    %get3A_53 = arith.index_cast %add3A_52 : i32 to index
    %get3A_54 = tpu.vector_load %arg16[%get3A_53] {strides = array<i32>} : memref<5120xi32, #tpu.memory_space<vmem>>, vector<16xi32>,
    %swap3A_55 = arith.constant 0 : index
    %swap3A_56 = tpu.vector_load %arg18[%swap3A_55] {strides = array<i32>} : memref<160xi32, #tpu.memory_space<vmem>>, vector<16xi32>,
    tpu.vector_store %arg18[%swap3A_55], %get3A_54 {strides = array<i32>} : memref<160xi32, #tpu.memory_space<vmem>>, vector<16xi32>,
    %add3A_57 = arith.constant 16 : i32
    %add3A_58 = arith.addi %mul3A_2, %add3A_57 : i32
    %get3A_59 = arith.index_cast %add3A_58 : i32 to index
    %get3A_60 = tpu.vector_load %arg16[%get3A_59] {strides = array<i32>} : memref<5120xi32, #tpu.memory_space<vmem>>, vector<16xi32>,
    %swap3A_61 = arith.constant 16 : index
    %swap3A_62 = tpu.vector_load %arg18[%swap3A_61] {strides = array<i32>} : memref<160xi32, #tpu.memory_space<vmem>>, vector<16xi32>,
    tpu.vector_store %arg18[%swap3A_61], %get3A_60 {strides = array<i32>} : memref<160xi32, #tpu.memory_space<vmem>>, vector<16xi32>,
    %add3A_63 = arith.constant 32 : i32
    %add3A_64 = arith.addi %mul3A_2, %add3A_63 : i32
    %get3A_65 = arith.index_cast %add3A_64 : i32 to index
    %get3A_66 = tpu.vector_load %arg16[%get3A_65] {strides = array<i32>} : memref<5120xi32, #tpu.memory_space<vmem>>, vector<16xi32>,
    %swap3A_67 = arith.constant 32 : index
    %swap3A_68 = tpu.vector_load %arg18[%swap3A_67] {strides = array<i32>} : memref<160xi32, #tpu.memory_space<vmem>>, vector<16xi32>,
    tpu.vector_store %arg18[%swap3A_67], %get3A_66 {strides = array<i32>} : memref<160xi32, #tpu.memory_space<vmem>>, vector<16xi32>,
    %add3A_69 = arith.constant 48 : i32
    %add3A_70 = arith.addi %mul3A_2, %add3A_69 : i32
    %get3A_71 = arith.index_cast %add3A_70 : i32 to index
    %get3A_72 = tpu.vector_load %arg16[%get3A_71] {strides = array<i32>} : memref<5120xi32, #tpu.memory_space<vmem>>, vector<16xi32>,
    %swap3A_73 = arith.constant 48 : index
    %swap3A_74 = tpu.vector_load %arg18[%swap3A_73] {strides = array<i32>} : memref<160xi32, #tpu.memory_space<vmem>>, vector<16xi32>,
    tpu.vector_store %arg18[%swap3A_73], %get3A_72 {strides = array<i32>} : memref<160xi32, #tpu.memory_space<vmem>>, vector<16xi32>,
    %add3A_75 = arith.constant 64 : i32
    %add3A_76 = arith.addi %mul3A_2, %add3A_75 : i32
    %get3A_77 = arith.index_cast %add3A_76 : i32 to index
    %get3A_78 = tpu.vector_load %arg16[%get3A_77] {strides = array<i32>} : memref<5120xi32, #tpu.memory_space<vmem>>, vector<16xi32>,
    %swap3A_79 = arith.constant 64 : index
    %swap3A_80 = tpu.vector_load %arg18[%swap3A_79] {strides = array<i32>} : memref<160xi32, #tpu.memory_space<vmem>>, vector<16xi32>,
    tpu.vector_store %arg18[%swap3A_79], %get3A_78 {strides = array<i32>} : memref<160xi32, #tpu.memory_space<vmem>>, vector<16xi32>,
    %add3A_81 = arith.constant 80 : i32
    %add3A_82 = arith.addi %mul3A_2, %add3A_81 : i32
    %get3A_83 = arith.index_cast %add3A_82 : i32 to index
    %get3A_84 = tpu.vector_load %arg16[%get3A_83] {strides = array<i32>} : memref<5120xi32, #tpu.memory_space<vmem>>, vector<16xi32>,
    %swap3A_85 = arith.constant 80 : index
    %swap3A_86 = tpu.vector_load %arg18[%swap3A_85] {strides = array<i32>} : memref<160xi32, #tpu.memory_space<vmem>>, vector<16xi32>,
    tpu.vector_store %arg18[%swap3A_85], %get3A_84 {strides = array<i32>} : memref<160xi32, #tpu.memory_space<vmem>>, vector<16xi32>,
    %add3A_87 = arith.constant 96 : i32
    %add3A_88 = arith.addi %mul3A_2, %add3A_87 : i32
    %get3A_89 = arith.index_cast %add3A_88 : i32 to index
    %get3A_90 = tpu.vector_load %arg16[%get3A_89] {strides = array<i32>} : memref<5120xi32, #tpu.memory_space<vmem>>, vector<16xi32>,
    %swap3A_91 = arith.constant 96 : index
    %swap3A_92 = tpu.vector_load %arg18[%swap3A_91] {strides = array<i32>} : memref<160xi32, #tpu.memory_space<vmem>>, vector<16xi32>,
    tpu.vector_store %arg18[%swap3A_91], %get3A_90 {strides = array<i32>} : memref<160xi32, #tpu.memory_space<vmem>>, vector<16xi32>,
    %add3A_93 = arith.constant 112 : i32
    %add3A_94 = arith.addi %mul3A_2, %add3A_93 : i32
    %get3A_95 = arith.index_cast %add3A_94 : i32 to index
    %get3A_96 = tpu.vector_load %arg16[%get3A_95] {strides = array<i32>} : memref<5120xi32, #tpu.memory_space<vmem>>, vector<16xi32>,
    %swap3A_97 = arith.constant 112 : index
    %swap3A_98 = tpu.vector_load %arg18[%swap3A_97] {strides = array<i32>} : memref<160xi32, #tpu.memory_space<vmem>>, vector<16xi32>,
    tpu.vector_store %arg18[%swap3A_97], %get3A_96 {strides = array<i32>} : memref<160xi32, #tpu.memory_space<vmem>>, vector<16xi32>,
    %add3A_99 = arith.constant 128 : i32
    %add3A_100 = arith.addi %mul3A_2, %add3A_99 : i32
    %get3A_101 = arith.index_cast %add3A_100 : i32 to index
    %get3A_102 = tpu.vector_load %arg16[%get3A_101] {strides = array<i32>} : memref<5120xi32, #tpu.memory_space<vmem>>, vector<16xi32>,
    %swap3A_103 = arith.constant 128 : index
    %swap3A_104 = tpu.vector_load %arg18[%swap3A_103] {strides = array<i32>} : memref<160xi32, #tpu.memory_space<vmem>>, vector<16xi32>,
    tpu.vector_store %arg18[%swap3A_103], %get3A_102 {strides = array<i32>} : memref<160xi32, #tpu.memory_space<vmem>>, vector<16xi32>,
    %add3A_105 = arith.constant 144 : i32
    %add3A_106 = arith.addi %mul3A_2, %add3A_105 : i32
    %get3A_107 = arith.index_cast %add3A_106 : i32 to index
    %get3A_108 = tpu.vector_load %arg16[%get3A_107] {strides = array<i32>} : memref<5120xi32, #tpu.memory_space<vmem>>, vector<16xi32>,
    %swap3A_109 = arith.constant 144 : index
    %swap3A_110 = tpu.vector_load %arg18[%swap3A_109] {strides = array<i32>} : memref<160xi32, #tpu.memory_space<vmem>>, vector<16xi32>,
    tpu.vector_store %arg18[%swap3A_109], %get3A_108 {strides = array<i32>} : memref<160xi32, #tpu.memory_space<vmem>>, vector<16xi32>,
    %scan3A_111 = arith.constant 0 : i32
    %scan3A_112 = arith.constant 0 : i32
    %scan3A_113 = arith.constant 10 : i32
    %scan3A_114 = arith.addi %scan3A_112, %scan3A_113 : i32
    %scan3A_115 = arith.constant 1 : i32
    scf.for %scan3A_275 = %scan3A_112 to %scan3A_114 step %scan3A_115  : i32 {
      %mul3A_276 = arith.constant 16 : i32
      %mul3A_277 = arith.muli %scan3A_275, %mul3A_276 : i32
      %get3A_278 = arith.index_cast %mul3A_277 : i32 to index
      %get3A_279 = tpu.vector_load %arg18[%get3A_278] {strides = array<i32>} : memref<160xi32, #tpu.memory_space<vmem>>, vector<16xi32>,
      %iota3A_280 = tpu.iota {dimensions = array<i32: 0>} : vector<16xi32>
      %mul3A_281 = arith.constant 16 : i32
      %mul3A_282 = arith.muli %scan3A_275, %mul3A_281 : i32
      %add3A_283 = vector.broadcast %mul3A_282 : i32 to vector<16xi32>
      %add3A_284 = arith.addi %iota3A_280, %add3A_283 : vector<16xi32>
      %mul3A_285 = arith.constant 8 : i32
      %mul3A_286 = vector.broadcast %mul3A_285 : i32 to vector<16xi32>
      %mul3A_287 = arith.muli %add3A_284, %mul3A_286 : vector<16xi32>
      tpu.vector_store_idx %arg19[%mul3A_287], %get3A_279 : memref<1280xi32, #tpu.memory_space<vmem>>[vector<16xi32>], vector<16xi32>,
    }
    %scan3A_116 = arith.constant 10 : i32
    %dma_start3A = arith.constant 0 : i32
    %dma_start3A_117 = arith.constant 0 : i32
    %dma_start3A_118 = tpu.memref_slice %arg20[%dma_start3A, %dma_start3A_117] : memref<160x128xf32, #tpu.memory_space<vmem>> -> memref<80x128xf32, #tpu.memory_space<vmem>>
    %dma_start3A_119 = arith.constant 0 : i32
    %dma_start3A_120 = tpu.memref_slice %arg18[%dma_start3A_119] : memref<160xi32, #tpu.memory_space<vmem>> -> memref<80xi32, #tpu.memory_space<vmem>>
    %dma_start3A_121 = arith.constant 0 : i32
    %dma_start3A_122 = arith.constant 0 : i32
    %dma_start3A_123 = tpu.memref_slice %arg5[%dma_start3A_121, %dma_start3A_122] : memref<10000x128xf32, #tpu.memory_space<hbm>> -> memref<10000x128xf32, #tpu.memory_space<hbm>>
    tpu.enqueue_indirect_dma source(%dma_start3A_123 : memref<10000x128xf32, #tpu.memory_space<hbm>>) target(%dma_start3A_118 : memref<80x128xf32, #tpu.memory_space<vmem>>) offsets(%dma_start3A_120 : memref<80xi32, #tpu.memory_space<vmem>>) semaphore(%arg39 : memref<!tpu.dma_semaphore, #tpu.memory_space<semaphore_mem>>)
    %dma_wait3A = arith.constant 0 : i32
    %dma_wait3A_124 = arith.constant 0 : i32
    %dma_wait3A_125 = tpu.memref_slice %arg20[%dma_wait3A, %dma_wait3A_124] : memref<160x128xf32, #tpu.memory_space<vmem>> -> memref<80x128xf32, #tpu.memory_space<vmem>>
    %dma_wait3A_126 = arith.constant 0 : i32
    %dma_wait3A_127 = tpu.memref_slice %arg18[%dma_wait3A_126] : memref<160xi32, #tpu.memory_space<vmem>> -> memref<80xi32, #tpu.memory_space<vmem>>
    %dma_wait3A_128 = arith.constant 0 : i32
    %dma_wait3A_129 = arith.constant 0 : i32
    %dma_wait3A_130 = tpu.memref_slice %arg5[%dma_wait3A_128, %dma_wait3A_129] : memref<10000x128xf32, #tpu.memory_space<hbm>> -> memref<10000x128xf32, #tpu.memory_space<hbm>>
    tpu.wait_indirect_dma semaphore(%arg39 : memref<!tpu.dma_semaphore, #tpu.memory_space<semaphore_mem>>) src(%dma_wait3A_130 : memref<10000x128xf32, #tpu.memory_space<hbm>>) dst(%dma_wait3A_125 : memref<80x128xf32, #tpu.memory_space<vmem>>)
    %dma_start3A_131 = arith.constant 80 : i32
    %dma_start3A_132 = arith.constant 0 : i32
    %dma_start3A_133 = tpu.memref_slice %arg20[%dma_start3A_131, %dma_start3A_132] : memref<160x128xf32, #tpu.memory_space<vmem>> -> memref<80x128xf32, #tpu.memory_space<vmem>>
    %dma_start3A_134 = arith.constant 80 : i32
    %dma_start3A_135 = tpu.memref_slice %arg18[%dma_start3A_134] : memref<160xi32, #tpu.memory_space<vmem>> -> memref<80xi32, #tpu.memory_space<vmem>>
    %dma_start3A_136 = arith.constant 0 : i32
    %dma_start3A_137 = arith.constant 0 : i32
    %dma_start3A_138 = tpu.memref_slice %arg5[%dma_start3A_136, %dma_start3A_137] : memref<10000x128xf32, #tpu.memory_space<hbm>> -> memref<10000x128xf32, #tpu.memory_space<hbm>>
    tpu.enqueue_indirect_dma source(%dma_start3A_138 : memref<10000x128xf32, #tpu.memory_space<hbm>>) target(%dma_start3A_133 : memref<80x128xf32, #tpu.memory_space<vmem>>) offsets(%dma_start3A_135 : memref<80xi32, #tpu.memory_space<vmem>>) semaphore(%arg39 : memref<!tpu.dma_semaphore, #tpu.memory_space<semaphore_mem>>)
    %dma_wait3A_139 = arith.constant 80 : i32
    %dma_wait3A_140 = arith.constant 0 : i32
    %dma_wait3A_141 = tpu.memref_slice %arg20[%dma_wait3A_139, %dma_wait3A_140] : memref<160x128xf32, #tpu.memory_space<vmem>> -> memref<80x128xf32, #tpu.memory_space<vmem>>
    %dma_wait3A_142 = arith.constant 80 : i32
    %dma_wait3A_143 = tpu.memref_slice %arg18[%dma_wait3A_142] : memref<160xi32, #tpu.memory_space<vmem>> -> memref<80xi32, #tpu.memory_space<vmem>>
    %dma_wait3A_144 = arith.constant 0 : i32
    %dma_wait3A_145 = arith.constant 0 : i32
    %dma_wait3A_146 = tpu.memref_slice %arg5[%dma_wait3A_144, %dma_wait3A_145] : memref<10000x128xf32, #tpu.memory_space<hbm>> -> memref<10000x128xf32, #tpu.memory_space<hbm>>
    tpu.wait_indirect_dma semaphore(%arg39 : memref<!tpu.dma_semaphore, #tpu.memory_space<semaphore_mem>>) src(%dma_wait3A_146 : memref<10000x128xf32, #tpu.memory_space<hbm>>) dst(%dma_wait3A_141 : memref<80x128xf32, #tpu.memory_space<vmem>>)
    %iota3A = tpu.iota {dimensions = array<i32: 0>} : vector<16xi32>
    %dma_start3A_147 = arith.constant 0 : i32
    %dma_start3A_148 = tpu.memref_slice %arg18[%dma_start3A_147] : memref<160xi32, #tpu.memory_space<vmem>> -> memref<80xi32, #tpu.memory_space<vmem>>
    %dma_start3A_149 = arith.constant 0 : i32
    %dma_start3A_150 = arith.constant 0 : i32
    %dma_start3A_151 = tpu.memref_slice %arg7[%dma_start3A_149, %dma_start3A_150] : memref<10000x128xf32, #tpu.memory_space<hbm>> -> memref<10000x128xf32, #tpu.memory_space<hbm>>
    tpu.enqueue_indirect_dma source(%dma_start3A_151 : memref<10000x128xf32, #tpu.memory_space<hbm>>) target(%arg21 : memref<80x128xf32, #tpu.memory_space<vmem>>) offsets(%dma_start3A_148 : memref<80xi32, #tpu.memory_space<vmem>>) semaphore(%arg39 : memref<!tpu.dma_semaphore, #tpu.memory_space<semaphore_mem>>)
    %dma_wait3A_152 = arith.constant 0 : i32
    %dma_wait3A_153 = tpu.memref_slice %arg18[%dma_wait3A_152] : memref<160xi32, #tpu.memory_space<vmem>> -> memref<80xi32, #tpu.memory_space<vmem>>
    %dma_wait3A_154 = arith.constant 0 : i32
    %dma_wait3A_155 = arith.constant 0 : i32
    %dma_wait3A_156 = tpu.memref_slice %arg7[%dma_wait3A_154, %dma_wait3A_155] : memref<10000x128xf32, #tpu.memory_space<hbm>> -> memref<10000x128xf32, #tpu.memory_space<hbm>>
    tpu.wait_indirect_dma semaphore(%arg39 : memref<!tpu.dma_semaphore, #tpu.memory_space<semaphore_mem>>) src(%dma_wait3A_156 : memref<10000x128xf32, #tpu.memory_space<hbm>>) dst(%arg21 : memref<80x128xf32, #tpu.memory_space<vmem>>)
    %scan3A_157 = arith.constant 0 : i32
    %scan3A_158 = arith.constant 0 : i32
    %scan3A_159 = arith.constant 80 : i32
    %scan3A_160 = arith.addi %scan3A_158, %scan3A_159 : i32
    %scan3A_161 = arith.constant 1 : i32
    scf.for %scan3A_275 = %scan3A_158 to %scan3A_160 step %scan3A_161  : i32 {
      %broadcast_in_dim3A_276 = arith.constant 0 : i32
      %broadcast_in_dim3A_277 = vector.broadcast %broadcast_in_dim3A_276 : i32 to vector<16xi32>
      %add3A_278 = vector.broadcast %scan3A_275 : i32 to vector<16xi32>
      %add3A_279 = arith.addi %broadcast_in_dim3A_277, %add3A_278 : vector<16xi32>
      %gather3A = tpu.vector_load_idx %arg21[%add3A_279, %iota3A] : memref<80x128xf32, #tpu.memory_space<vmem>>[vector<16xi32>, vector<16xi32>], vector<16xf32>,
      %add3A_280 = arith.constant 0 : i32
      %add3A_281 = arith.addi %add3A_280, %scan3A_275 : i32
      %mul3A_282 = arith.constant 16 : i32
      %mul3A_283 = arith.muli %add3A_281, %mul3A_282 : i32
      %swap3A_284 = arith.index_cast %mul3A_283 : i32 to index
      %swap3A_285 = tpu.vector_load %arg22[%swap3A_284] {strides = array<i32>} : memref<2560xf32, #tpu.memory_space<vmem>>, vector<16xf32>,
      tpu.vector_store %arg22[%swap3A_284], %gather3A {strides = array<i32>} : memref<2560xf32, #tpu.memory_space<vmem>>, vector<16xf32>,
    }
    %scan3A_162 = arith.constant 80 : i32
    %dma_start3A_163 = arith.constant 80 : i32
    %dma_start3A_164 = tpu.memref_slice %arg18[%dma_start3A_163] : memref<160xi32, #tpu.memory_space<vmem>> -> memref<80xi32, #tpu.memory_space<vmem>>
    %dma_start3A_165 = arith.constant 0 : i32
    %dma_start3A_166 = arith.constant 0 : i32
    %dma_start3A_167 = tpu.memref_slice %arg7[%dma_start3A_165, %dma_start3A_166] : memref<10000x128xf32, #tpu.memory_space<hbm>> -> memref<10000x128xf32, #tpu.memory_space<hbm>>
    tpu.enqueue_indirect_dma source(%dma_start3A_167 : memref<10000x128xf32, #tpu.memory_space<hbm>>) target(%arg21 : memref<80x128xf32, #tpu.memory_space<vmem>>) offsets(%dma_start3A_164 : memref<80xi32, #tpu.memory_space<vmem>>) semaphore(%arg39 : memref<!tpu.dma_semaphore, #tpu.memory_space<semaphore_mem>>)
    %dma_wait3A_168 = arith.constant 80 : i32
    %dma_wait3A_169 = tpu.memref_slice %arg18[%dma_wait3A_168] : memref<160xi32, #tpu.memory_space<vmem>> -> memref<80xi32, #tpu.memory_space<vmem>>
    %dma_wait3A_170 = arith.constant 0 : i32
    %dma_wait3A_171 = arith.constant 0 : i32
    %dma_wait3A_172 = tpu.memref_slice %arg7[%dma_wait3A_170, %dma_wait3A_171] : memref<10000x128xf32, #tpu.memory_space<hbm>> -> memref<10000x128xf32, #tpu.memory_space<hbm>>
    tpu.wait_indirect_dma semaphore(%arg39 : memref<!tpu.dma_semaphore, #tpu.memory_space<semaphore_mem>>) src(%dma_wait3A_172 : memref<10000x128xf32, #tpu.memory_space<hbm>>) dst(%arg21 : memref<80x128xf32, #tpu.memory_space<vmem>>)
    %scan3A_173 = arith.constant 0 : i32
    %scan3A_174 = arith.constant 0 : i32
    %scan3A_175 = arith.constant 80 : i32
    %scan3A_176 = arith.addi %scan3A_174, %scan3A_175 : i32
    %scan3A_177 = arith.constant 1 : i32
    scf.for %scan3A_275 = %scan3A_174 to %scan3A_176 step %scan3A_177  : i32 {
      %broadcast_in_dim3A_276 = arith.constant 0 : i32
      %broadcast_in_dim3A_277 = vector.broadcast %broadcast_in_dim3A_276 : i32 to vector<16xi32>
      %add3A_278 = vector.broadcast %scan3A_275 : i32 to vector<16xi32>
      %add3A_279 = arith.addi %broadcast_in_dim3A_277, %add3A_278 : vector<16xi32>
      %gather3A = tpu.vector_load_idx %arg21[%add3A_279, %iota3A] : memref<80x128xf32, #tpu.memory_space<vmem>>[vector<16xi32>, vector<16xi32>], vector<16xf32>,
      %add3A_280 = arith.constant 80 : i32
      %add3A_281 = arith.addi %add3A_280, %scan3A_275 : i32
      %mul3A_282 = arith.constant 16 : i32
      %mul3A_283 = arith.muli %add3A_281, %mul3A_282 : i32
      %swap3A_284 = arith.index_cast %mul3A_283 : i32 to index
      %swap3A_285 = tpu.vector_load %arg22[%swap3A_284] {strides = array<i32>} : memref<2560xf32, #tpu.memory_space<vmem>>, vector<16xf32>,
      tpu.vector_store %arg22[%swap3A_284], %gather3A {strides = array<i32>} : memref<2560xf32, #tpu.memory_space<vmem>>, vector<16xf32>,
    }
    %scan3A_178 = arith.constant 80 : i32
    %scan3A_179 = arith.constant 0 : i32
    %scan3A_180 = arith.constant 0 : i32
    %scan3A_181 = arith.constant 160 : i32
    %scan3A_182 = arith.addi %scan3A_180, %scan3A_181 : i32
    %scan3A_183 = arith.constant 1 : i32
    scf.for %scan3A_275 = %scan3A_180 to %scan3A_182 step %scan3A_183  : i32 {
      %broadcast_in_dim3A_276 = arith.constant 0 : i32
      %broadcast_in_dim3A_277 = vector.broadcast %broadcast_in_dim3A_276 : i32 to vector<16xi32>
      %add3A_278 = vector.broadcast %scan3A_275 : i32 to vector<16xi32>
      %add3A_279 = arith.addi %broadcast_in_dim3A_277, %add3A_278 : vector<16xi32>
      %broadcast_in_dim3A_280 = arith.constant 0 : i32
      %broadcast_in_dim3A_281 = vector.broadcast %broadcast_in_dim3A_280 : i32 to vector<16xi32>
      %add3A_282 = vector.broadcast %mul3A_2 : i32 to vector<16xi32>
      %add3A_283 = arith.addi %broadcast_in_dim3A_281, %add3A_282 : vector<16xi32>
      %add3A_284 = vector.broadcast %scan3A_275 : i32 to vector<16xi32>
      %add3A_285 = arith.addi %add3A_283, %add3A_284 : vector<16xi32>
      %gather3A = tpu.vector_load_idx %arg17[%add3A_285] : memref<5120xf32, #tpu.memory_space<vmem>>[vector<16xi32>], vector<16xf32>,
      %iota3A_286 = tpu.iota {dimensions = array<i32: 0>} : vector<16xi32>
      %add3A_287 = arith.constant 0 : i32
      %add3A_288 = vector.broadcast %add3A_287 : i32 to vector<16xi32>
      %add3A_289 = arith.addi %iota3A_286, %add3A_288 : vector<16xi32>
      %gather3A_290 = tpu.vector_load_idx %arg20[%add3A_279, %add3A_289] : memref<160x128xf32, #tpu.memory_space<vmem>>[vector<16xi32>, vector<16xi32>], vector<16xf32>,
      %mul3A_291 = arith.mulf %gather3A_290, %gather3A : vector<16xf32>
      tpu.vector_store_idx %arg20[%add3A_279, %add3A_289], %mul3A_291 : memref<160x128xf32, #tpu.memory_space<vmem>>[vector<16xi32>, vector<16xi32>], vector<16xf32>,
      %iota3A_292 = tpu.iota {dimensions = array<i32: 0>} : vector<16xi32>
      %add3A_293 = arith.constant 16 : i32
      %add3A_294 = vector.broadcast %add3A_293 : i32 to vector<16xi32>
      %add3A_295 = arith.addi %iota3A_292, %add3A_294 : vector<16xi32>
      %gather3A_296 = tpu.vector_load_idx %arg20[%add3A_279, %add3A_295] : memref<160x128xf32, #tpu.memory_space<vmem>>[vector<16xi32>, vector<16xi32>], vector<16xf32>,
      %mul3A_297 = arith.mulf %gather3A_296, %gather3A : vector<16xf32>
      tpu.vector_store_idx %arg20[%add3A_279, %add3A_295], %mul3A_297 : memref<160x128xf32, #tpu.memory_space<vmem>>[vector<16xi32>, vector<16xi32>], vector<16xf32>,
      %iota3A_298 = tpu.iota {dimensions = array<i32: 0>} : vector<16xi32>
      %add3A_299 = arith.constant 32 : i32
      %add3A_300 = vector.broadcast %add3A_299 : i32 to vector<16xi32>
      %add3A_301 = arith.addi %iota3A_298, %add3A_300 : vector<16xi32>
      %gather3A_302 = tpu.vector_load_idx %arg20[%add3A_279, %add3A_301] : memref<160x128xf32, #tpu.memory_space<vmem>>[vector<16xi32>, vector<16xi32>], vector<16xf32>,
      %mul3A_303 = arith.mulf %gather3A_302, %gather3A : vector<16xf32>
      tpu.vector_store_idx %arg20[%add3A_279, %add3A_301], %mul3A_303 : memref<160x128xf32, #tpu.memory_space<vmem>>[vector<16xi32>, vector<16xi32>], vector<16xf32>,
      %iota3A_304 = tpu.iota {dimensions = array<i32: 0>} : vector<16xi32>
      %add3A_305 = arith.constant 48 : i32
      %add3A_306 = vector.broadcast %add3A_305 : i32 to vector<16xi32>
      %add3A_307 = arith.addi %iota3A_304, %add3A_306 : vector<16xi32>
      %gather3A_308 = tpu.vector_load_idx %arg20[%add3A_279, %add3A_307] : memref<160x128xf32, #tpu.memory_space<vmem>>[vector<16xi32>, vector<16xi32>], vector<16xf32>,
      %mul3A_309 = arith.mulf %gather3A_308, %gather3A : vector<16xf32>
      tpu.vector_store_idx %arg20[%add3A_279, %add3A_307], %mul3A_309 : memref<160x128xf32, #tpu.memory_space<vmem>>[vector<16xi32>, vector<16xi32>], vector<16xf32>,
      %iota3A_310 = tpu.iota {dimensions = array<i32: 0>} : vector<16xi32>
      %add3A_311 = arith.constant 64 : i32
      %add3A_312 = vector.broadcast %add3A_311 : i32 to vector<16xi32>
      %add3A_313 = arith.addi %iota3A_310, %add3A_312 : vector<16xi32>
      %gather3A_314 = tpu.vector_load_idx %arg20[%add3A_279, %add3A_313] : memref<160x128xf32, #tpu.memory_space<vmem>>[vector<16xi32>, vector<16xi32>], vector<16xf32>,
      %mul3A_315 = arith.mulf %gather3A_314, %gather3A : vector<16xf32>
      tpu.vector_store_idx %arg20[%add3A_279, %add3A_313], %mul3A_315 : memref<160x128xf32, #tpu.memory_space<vmem>>[vector<16xi32>, vector<16xi32>], vector<16xf32>,
      %iota3A_316 = tpu.iota {dimensions = array<i32: 0>} : vector<16xi32>
      %add3A_317 = arith.constant 80 : i32
      %add3A_318 = vector.broadcast %add3A_317 : i32 to vector<16xi32>
      %add3A_319 = arith.addi %iota3A_316, %add3A_318 : vector<16xi32>
      %gather3A_320 = tpu.vector_load_idx %arg20[%add3A_279, %add3A_319] : memref<160x128xf32, #tpu.memory_space<vmem>>[vector<16xi32>, vector<16xi32>], vector<16xf32>,
      %mul3A_321 = arith.mulf %gather3A_320, %gather3A : vector<16xf32>
      tpu.vector_store_idx %arg20[%add3A_279, %add3A_319], %mul3A_321 : memref<160x128xf32, #tpu.memory_space<vmem>>[vector<16xi32>, vector<16xi32>], vector<16xf32>,
      %iota3A_322 = tpu.iota {dimensions = array<i32: 0>} : vector<16xi32>
      %add3A_323 = arith.constant 96 : i32
      %add3A_324 = vector.broadcast %add3A_323 : i32 to vector<16xi32>
      %add3A_325 = arith.addi %iota3A_322, %add3A_324 : vector<16xi32>
      %gather3A_326 = tpu.vector_load_idx %arg20[%add3A_279, %add3A_325] : memref<160x128xf32, #tpu.memory_space<vmem>>[vector<16xi32>, vector<16xi32>], vector<16xf32>,
      %mul3A_327 = arith.mulf %gather3A_326, %gather3A : vector<16xf32>
      tpu.vector_store_idx %arg20[%add3A_279, %add3A_325], %mul3A_327 : memref<160x128xf32, #tpu.memory_space<vmem>>[vector<16xi32>, vector<16xi32>], vector<16xf32>,
      %iota3A_328 = tpu.iota {dimensions = array<i32: 0>} : vector<16xi32>
      %add3A_329 = arith.constant 112 : i32
      %add3A_330 = vector.broadcast %add3A_329 : i32 to vector<16xi32>
      %add3A_331 = arith.addi %iota3A_328, %add3A_330 : vector<16xi32>
      %gather3A_332 = tpu.vector_load_idx %arg20[%add3A_279, %add3A_331] : memref<160x128xf32, #tpu.memory_space<vmem>>[vector<16xi32>, vector<16xi32>], vector<16xf32>,
      %mul3A_333 = arith.mulf %gather3A_332, %gather3A : vector<16xf32>
      tpu.vector_store_idx %arg20[%add3A_279, %add3A_331], %mul3A_333 : memref<160x128xf32, #tpu.memory_space<vmem>>[vector<16xi32>, vector<16xi32>], vector<16xf32>,
    }
    %scan3A_184 = arith.constant 160 : i32
    %lt3A = arith.constant 31 : i32
    %lt3A_185 = arith.cmpi slt, %add3A, %lt3A : i32
    %convert_element_type3A_186 = arith.extui %lt3A_185 : i1 to i32
    %cond3A_187 = arith.constant 0 : i32
    %cond3A_188 = arith.cmpi ne, %convert_element_type3A_186, %cond3A_187 : i32
    scf.if %cond3A_188 {
      "tpu.region"() ({
        %run_scoped3A = tpu.sem_alloc : memref<!tpu.dma_semaphore, #tpu.memory_space<semaphore_mem>>
        %dma_start3A_275 = arith.constant 0 : i32
        %dma_start3A_276 = arith.constant 0 : i32
        %dma_start3A_277 = tpu.memref_slice %arg20[%dma_start3A_275, %dma_start3A_276] : memref<160x128xf32, #tpu.memory_space<vmem>> -> memref<160x128xf32, #tpu.memory_space<vmem>>
        %dma_start3A_278 = arith.constant 0 : i32
        %dma_start3A_279 = tpu.memref_slice %arg9[%mul3A_2, %dma_start3A_278] : memref<5000x128xf32, #tpu.memory_space<hbm>> -> memref<160x128xf32, #tpu.memory_space<hbm>>
        %dma_start3A_280 = arith.constant 0 : i32
        %dma_start3A_281 = tpu.memref_slice %arg9[%mul3A_2, %dma_start3A_280] : memref<5000x128xf32, #tpu.memory_space<hbm>> -> memref<160x128xf32, #tpu.memory_space<hbm>>
        %dma_start3A_282 = arith.constant 0 : i32
        %dma_start3A_283 = arith.constant 0 : i32
        %dma_start3A_284 = tpu.memref_slice %arg20[%dma_start3A_282, %dma_start3A_283] : memref<160x128xf32, #tpu.memory_space<vmem>> -> memref<160x128xf32, #tpu.memory_space<vmem>>
        tpu.enqueue_dma source(%dma_start3A_284 : memref<160x128xf32, #tpu.memory_space<vmem>>) target(%dma_start3A_281 : memref<160x128xf32, #tpu.memory_space<hbm>>) target_semaphore(%run_scoped3A : memref<!tpu.dma_semaphore, #tpu.memory_space<semaphore_mem>>)
        %dma_wait3A_285 = arith.constant 0 : i32
        %dma_wait3A_286 = arith.constant 0 : i32
        %dma_wait3A_287 = tpu.memref_slice %arg20[%dma_wait3A_285, %dma_wait3A_286] : memref<160x128xf32, #tpu.memory_space<vmem>> -> memref<160x128xf32, #tpu.memory_space<vmem>>
        %dma_wait3A_288 = arith.constant 0 : i32
        %dma_wait3A_289 = tpu.memref_slice %arg9[%mul3A_2, %dma_wait3A_288] : memref<5000x128xf32, #tpu.memory_space<hbm>> -> memref<160x128xf32, #tpu.memory_space<hbm>>
        %dma_wait3A_290 = arith.constant 0 : i32
        %dma_wait3A_291 = tpu.memref_slice %arg9[%mul3A_2, %dma_wait3A_290] : memref<5000x128xf32, #tpu.memory_space<hbm>> -> memref<160x128xf32, #tpu.memory_space<hbm>>
        %dma_wait3A_292 = arith.constant 0 : i32
        %dma_wait3A_293 = arith.constant 0 : i32
        %dma_wait3A_294 = tpu.memref_slice %arg20[%dma_wait3A_292, %dma_wait3A_293] : memref<160x128xf32, #tpu.memory_space<vmem>> -> memref<160x128xf32, #tpu.memory_space<vmem>>
        tpu.wait_dma2 semaphore(%run_scoped3A : memref<!tpu.dma_semaphore, #tpu.memory_space<semaphore_mem>>) src(%dma_wait3A_294 : memref<160x128xf32, #tpu.memory_space<vmem>>) dst(%dma_wait3A_291 : memref<160x128xf32, #tpu.memory_space<hbm>>)
        tpu.yield
      }) : () -> ()
    } else {
    }
    %eq3A_189 = arith.constant 31 : i32
    %eq3A_190 = arith.cmpi eq, %add3A, %eq3A_189 : i32
    %convert_element_type3A_191 = arith.extui %eq3A_190 : i1 to i32
    %cond3A_192 = arith.constant 0 : i32
    %cond3A_193 = arith.cmpi ne, %convert_element_type3A_191, %cond3A_192 : i32
    scf.if %cond3A_193 {
      "tpu.region"() ({
        %run_scoped3A = tpu.sem_alloc : memref<!tpu.dma_semaphore, #tpu.memory_space<semaphore_mem>>
        %dma_start3A_275 = arith.constant 0 : i32
        %dma_start3A_276 = arith.constant 0 : i32
        %dma_start3A_277 = tpu.memref_slice %arg20[%dma_start3A_275, %dma_start3A_276] : memref<160x128xf32, #tpu.memory_space<vmem>> -> memref<40x128xf32, #tpu.memory_space<vmem>>
        %dma_start3A_278 = arith.constant 4960 : i32
        %dma_start3A_279 = arith.constant 0 : i32
        %dma_start3A_280 = tpu.memref_slice %arg9[%dma_start3A_278, %dma_start3A_279] : memref<5000x128xf32, #tpu.memory_space<hbm>> -> memref<40x128xf32, #tpu.memory_space<hbm>>
        %dma_start3A_281 = arith.constant 4960 : i32
        %dma_start3A_282 = arith.constant 0 : i32
        %dma_start3A_283 = tpu.memref_slice %arg9[%dma_start3A_281, %dma_start3A_282] : memref<5000x128xf32, #tpu.memory_space<hbm>> -> memref<40x128xf32, #tpu.memory_space<hbm>>
        %dma_start3A_284 = arith.constant 0 : i32
        %dma_start3A_285 = arith.constant 0 : i32
        %dma_start3A_286 = tpu.memref_slice %arg20[%dma_start3A_284, %dma_start3A_285] : memref<160x128xf32, #tpu.memory_space<vmem>> -> memref<40x128xf32, #tpu.memory_space<vmem>>
        tpu.enqueue_dma source(%dma_start3A_286 : memref<40x128xf32, #tpu.memory_space<vmem>>) target(%dma_start3A_283 : memref<40x128xf32, #tpu.memory_space<hbm>>) target_semaphore(%run_scoped3A : memref<!tpu.dma_semaphore, #tpu.memory_space<semaphore_mem>>)
        %dma_wait3A_287 = arith.constant 0 : i32
        %dma_wait3A_288 = arith.constant 0 : i32
        %dma_wait3A_289 = tpu.memref_slice %arg20[%dma_wait3A_287, %dma_wait3A_288] : memref<160x128xf32, #tpu.memory_space<vmem>> -> memref<40x128xf32, #tpu.memory_space<vmem>>
        %dma_wait3A_290 = arith.constant 4960 : i32
        %dma_wait3A_291 = arith.constant 0 : i32
        %dma_wait3A_292 = tpu.memref_slice %arg9[%dma_wait3A_290, %dma_wait3A_291] : memref<5000x128xf32, #tpu.memory_space<hbm>> -> memref<40x128xf32, #tpu.memory_space<hbm>>
        %dma_wait3A_293 = arith.constant 4960 : i32
        %dma_wait3A_294 = arith.constant 0 : i32
        %dma_wait3A_295 = tpu.memref_slice %arg9[%dma_wait3A_293, %dma_wait3A_294] : memref<5000x128xf32, #tpu.memory_space<hbm>> -> memref<40x128xf32, #tpu.memory_space<hbm>>
        %dma_wait3A_296 = arith.constant 0 : i32
        %dma_wait3A_297 = arith.constant 0 : i32
        %dma_wait3A_298 = tpu.memref_slice %arg20[%dma_wait3A_296, %dma_wait3A_297] : memref<160x128xf32, #tpu.memory_space<vmem>> -> memref<40x128xf32, #tpu.memory_space<vmem>>
        tpu.wait_dma2 semaphore(%run_scoped3A : memref<!tpu.dma_semaphore, #tpu.memory_space<semaphore_mem>>) src(%dma_wait3A_298 : memref<40x128xf32, #tpu.memory_space<vmem>>) dst(%dma_wait3A_295 : memref<40x128xf32, #tpu.memory_space<hbm>>)
        tpu.yield
      }) : () -> ()
    } else {
    }
    %dma_start3A_194 = arith.constant 0 : i32
    %dma_start3A_195 = arith.constant 0 : i32
    %dma_start3A_196 = tpu.memref_slice %arg23[%dma_start3A_194, %dma_start3A_195] : memref<1x10112xf32, #tpu.memory_space<vmem>> -> memref<1x9984xf32, #tpu.memory_space<vmem>>
    %dma_start3A_197 = arith.constant 0 : i32
    %dma_start3A_198 = tpu.memref_slice %arg19[%dma_start3A_197] : memref<1280xi32, #tpu.memory_space<vmem>> -> memref<1xi32, #tpu.memory_space<vmem>>
    %dma_start3A_199 = arith.constant 0 : i32
    %dma_start3A_200 = arith.constant 0 : i32
    %dma_start3A_201 = tpu.memref_slice %arg6[%dma_start3A_199, %dma_start3A_200] : memref<10000x10000xf32, #tpu.memory_space<hbm>> -> memref<10000x9984xf32, #tpu.memory_space<hbm>>
    tpu.enqueue_indirect_dma source(%dma_start3A_201 : memref<10000x9984xf32, #tpu.memory_space<hbm>>) target(%dma_start3A_196 : memref<1x9984xf32, #tpu.memory_space<vmem>>) offsets(%dma_start3A_198 : memref<1xi32, #tpu.memory_space<vmem>>) semaphore(%arg31 : memref<!tpu.dma_semaphore, #tpu.memory_space<semaphore_mem>>)
    %dma_start3A_202 = arith.constant 0 : i32
    %dma_start3A_203 = arith.constant 0 : i32
    %dma_start3A_204 = tpu.memref_slice %arg24[%dma_start3A_202, %dma_start3A_203] : memref<1x10112xf32, #tpu.memory_space<vmem>> -> memref<1x9984xf32, #tpu.memory_space<vmem>>
    %dma_start3A_205 = arith.constant 8 : i32
    %dma_start3A_206 = tpu.memref_slice %arg19[%dma_start3A_205] : memref<1280xi32, #tpu.memory_space<vmem>> -> memref<1xi32, #tpu.memory_space<vmem>>
    %dma_start3A_207 = arith.constant 0 : i32
    %dma_start3A_208 = arith.constant 0 : i32
    %dma_start3A_209 = tpu.memref_slice %arg6[%dma_start3A_207, %dma_start3A_208] : memref<10000x10000xf32, #tpu.memory_space<hbm>> -> memref<10000x9984xf32, #tpu.memory_space<hbm>>
    tpu.enqueue_indirect_dma source(%dma_start3A_209 : memref<10000x9984xf32, #tpu.memory_space<hbm>>) target(%dma_start3A_204 : memref<1x9984xf32, #tpu.memory_space<vmem>>) offsets(%dma_start3A_206 : memref<1xi32, #tpu.memory_space<vmem>>) semaphore(%arg32 : memref<!tpu.dma_semaphore, #tpu.memory_space<semaphore_mem>>)
    %dma_start3A_210 = arith.constant 0 : i32
    %dma_start3A_211 = arith.constant 0 : i32
    %dma_start3A_212 = tpu.memref_slice %arg25[%dma_start3A_210, %dma_start3A_211] : memref<1x10112xf32, #tpu.memory_space<vmem>> -> memref<1x9984xf32, #tpu.memory_space<vmem>>
    %dma_start3A_213 = arith.constant 16 : i32
    %dma_start3A_214 = tpu.memref_slice %arg19[%dma_start3A_213] : memref<1280xi32, #tpu.memory_space<vmem>> -> memref<1xi32, #tpu.memory_space<vmem>>
    %dma_start3A_215 = arith.constant 0 : i32
    %dma_start3A_216 = arith.constant 0 : i32
    %dma_start3A_217 = tpu.memref_slice %arg6[%dma_start3A_215, %dma_start3A_216] : memref<10000x10000xf32, #tpu.memory_space<hbm>> -> memref<10000x9984xf32, #tpu.memory_space<hbm>>
    tpu.enqueue_indirect_dma source(%dma_start3A_217 : memref<10000x9984xf32, #tpu.memory_space<hbm>>) target(%dma_start3A_212 : memref<1x9984xf32, #tpu.memory_space<vmem>>) offsets(%dma_start3A_214 : memref<1xi32, #tpu.memory_space<vmem>>) semaphore(%arg33 : memref<!tpu.dma_semaphore, #tpu.memory_space<semaphore_mem>>)
    %dma_start3A_218 = arith.constant 0 : i32
    %dma_start3A_219 = arith.constant 0 : i32
    %dma_start3A_220 = tpu.memref_slice %arg26[%dma_start3A_218, %dma_start3A_219] : memref<1x10112xf32, #tpu.memory_space<vmem>> -> memref<1x9984xf32, #tpu.memory_space<vmem>>
    %dma_start3A_221 = arith.constant 24 : i32
    %dma_start3A_222 = tpu.memref_slice %arg19[%dma_start3A_221] : memref<1280xi32, #tpu.memory_space<vmem>> -> memref<1xi32, #tpu.memory_space<vmem>>
    %dma_start3A_223 = arith.constant 0 : i32
    %dma_start3A_224 = arith.constant 0 : i32
    %dma_start3A_225 = tpu.memref_slice %arg6[%dma_start3A_223, %dma_start3A_224] : memref<10000x10000xf32, #tpu.memory_space<hbm>> -> memref<10000x9984xf32, #tpu.memory_space<hbm>>
    tpu.enqueue_indirect_dma source(%dma_start3A_225 : memref<10000x9984xf32, #tpu.memory_space<hbm>>) target(%dma_start3A_220 : memref<1x9984xf32, #tpu.memory_space<vmem>>) offsets(%dma_start3A_222 : memref<1xi32, #tpu.memory_space<vmem>>) semaphore(%arg34 : memref<!tpu.dma_semaphore, #tpu.memory_space<semaphore_mem>>)
    %scan3A_226 = arith.constant 0 : i32
    %scan3A_227 = arith.constant 0 : i32
    %scan3A_228 = arith.constant 40 : i32
    %scan3A_229 = arith.addi %scan3A_227, %scan3A_228 : i32
    %scan3A_230 = arith.constant 1 : i32
    scf.for %scan3A_275 = %scan3A_227 to %scan3A_229 step %scan3A_230  : i32 {
      %mul3A_276 = arith.constant 2 : i32
      %mul3A_277 = arith.muli %scan3A_275, %mul3A_276 : i32
      %add3A_278 = arith.constant 0 : i32
      %add3A_279 = arith.addi %mul3A_277, %add3A_278 : i32
      %mul3A_280 = arith.constant 2 : i32
      %mul3A_281 = arith.muli %mul3A_280, %add3A_279 : i32
      %add3A_282 = arith.constant 1 : i32
      %add3A_283 = arith.addi %mul3A_281, %add3A_282 : i32
      %mul3A_284 = arith.constant 8 : i32
      %mul3A_285 = arith.muli %mul3A_281, %mul3A_284 : i32
      %dma_wait3A_286 = arith.constant 0 : i32
      %dma_wait3A_287 = arith.constant 0 : i32
      %dma_wait3A_288 = tpu.memref_slice %arg23[%dma_wait3A_286, %dma_wait3A_287] : memref<1x10112xf32, #tpu.memory_space<vmem>> -> memref<1x9984xf32, #tpu.memory_space<vmem>>
      %dma_wait3A_289 = tpu.memref_slice %arg19[%mul3A_285] : memref<1280xi32, #tpu.memory_space<vmem>> -> memref<1xi32, #tpu.memory_space<vmem>>
      %dma_wait3A_290 = arith.constant 0 : i32
      %dma_wait3A_291 = arith.constant 0 : i32
      %dma_wait3A_292 = tpu.memref_slice %arg6[%dma_wait3A_290, %dma_wait3A_291] : memref<10000x10000xf32, #tpu.memory_space<hbm>> -> memref<10000x9984xf32, #tpu.memory_space<hbm>>
      tpu.wait_indirect_dma semaphore(%arg31 : memref<!tpu.dma_semaphore, #tpu.memory_space<semaphore_mem>>) src(%dma_wait3A_292 : memref<10000x9984xf32, #tpu.memory_space<hbm>>) dst(%dma_wait3A_288 : memref<1x9984xf32, #tpu.memory_space<vmem>>)
      %mul3A_293 = arith.constant 8 : i32
      %mul3A_294 = arith.muli %add3A_283, %mul3A_293 : i32
      %dma_wait3A_295 = arith.constant 0 : i32
      %dma_wait3A_296 = arith.constant 0 : i32
      %dma_wait3A_297 = tpu.memref_slice %arg24[%dma_wait3A_295, %dma_wait3A_296] : memref<1x10112xf32, #tpu.memory_space<vmem>> -> memref<1x9984xf32, #tpu.memory_space<vmem>>
      %dma_wait3A_298 = tpu.memref_slice %arg19[%mul3A_294] : memref<1280xi32, #tpu.memory_space<vmem>> -> memref<1xi32, #tpu.memory_space<vmem>>
      %dma_wait3A_299 = arith.constant 0 : i32
      %dma_wait3A_300 = arith.constant 0 : i32
      %dma_wait3A_301 = tpu.memref_slice %arg6[%dma_wait3A_299, %dma_wait3A_300] : memref<10000x10000xf32, #tpu.memory_space<hbm>> -> memref<10000x9984xf32, #tpu.memory_space<hbm>>
      tpu.wait_indirect_dma semaphore(%arg32 : memref<!tpu.dma_semaphore, #tpu.memory_space<semaphore_mem>>) src(%dma_wait3A_301 : memref<10000x9984xf32, #tpu.memory_space<hbm>>) dst(%dma_wait3A_297 : memref<1x9984xf32, #tpu.memory_space<vmem>>)
      %ge3A = arith.constant 2 : i32
      %ge3A_302 = arith.cmpi sge, %add3A_279, %ge3A : i32
      %add3A_303 = arith.addi %mul3A_2, %mul3A_281 : i32
      %sub3A_304 = arith.constant 4 : i32
      %sub3A_305 = arith.subi %add3A_303, %sub3A_304 : i32
      %lt3A_306 = arith.constant 5000 : i32
      %lt3A_307 = arith.cmpi slt, %sub3A_305, %lt3A_306 : i32
      %and3A = arith.andi %ge3A_302, %lt3A_307 : i1
      %convert_element_type3A_308 = arith.extui %and3A : i1 to i32
      %cond3A_309 = arith.constant 0 : i32
      %cond3A_310 = arith.cmpi ne, %convert_element_type3A_308, %cond3A_309 : i32
      scf.if %cond3A_310 {
        %sub3A_469 = arith.constant 4 : i32
        %sub3A_470 = arith.subi %mul3A_281, %sub3A_469 : i32
        %add3A_471 = arith.addi %mul3A_2, %sub3A_470 : i32
        %mul3A_472 = arith.constant 5000 : i32
        %mul3A_473 = arith.muli %add3A_471, %mul3A_472 : i32
        %dma_wait3A_474 = arith.constant 0 : i32
        %dma_wait3A_475 = tpu.memref_slice %arg27[%dma_wait3A_474] : memref<5120xf32, #tpu.memory_space<vmem>> -> memref<5000xf32, #tpu.memory_space<vmem>>
        %dma_wait3A_476 = tpu.memref_slice %arg10[%mul3A_473] : memref<25000000xf32, #tpu.memory_space<hbm>> -> memref<5000xf32, #tpu.memory_space<hbm>>
        %dma_wait3A_477 = tpu.memref_slice %arg10[%mul3A_473] : memref<25000000xf32, #tpu.memory_space<hbm>> -> memref<5000xf32, #tpu.memory_space<hbm>>
        %dma_wait3A_478 = arith.constant 0 : i32
        %dma_wait3A_479 = tpu.memref_slice %arg27[%dma_wait3A_478] : memref<5120xf32, #tpu.memory_space<vmem>> -> memref<5000xf32, #tpu.memory_space<vmem>>
        tpu.wait_dma2 semaphore(%arg35 : memref<!tpu.dma_semaphore, #tpu.memory_space<semaphore_mem>>) src(%dma_wait3A_479 : memref<5000xf32, #tpu.memory_space<vmem>>) dst(%dma_wait3A_477 : memref<5000xf32, #tpu.memory_space<hbm>>)
      } else {
      }
      %ge3A_311 = arith.constant 2 : i32
      %ge3A_312 = arith.cmpi sge, %add3A_279, %ge3A_311 : i32
      %add3A_313 = arith.addi %mul3A_2, %add3A_283 : i32
      %sub3A_314 = arith.constant 4 : i32
      %sub3A_315 = arith.subi %add3A_313, %sub3A_314 : i32
      %lt3A_316 = arith.constant 5000 : i32
      %lt3A_317 = arith.cmpi slt, %sub3A_315, %lt3A_316 : i32
      %and3A_318 = arith.andi %ge3A_312, %lt3A_317 : i1
      %convert_element_type3A_319 = arith.extui %and3A_318 : i1 to i32
      %cond3A_320 = arith.constant 0 : i32
      %cond3A_321 = arith.cmpi ne, %convert_element_type3A_319, %cond3A_320 : i32
      scf.if %cond3A_321 {
        %sub3A_469 = arith.constant 4 : i32
        %sub3A_470 = arith.subi %add3A_283, %sub3A_469 : i32
        %add3A_471 = arith.addi %mul3A_2, %sub3A_470 : i32
        %mul3A_472 = arith.constant 5000 : i32
        %mul3A_473 = arith.muli %add3A_471, %mul3A_472 : i32
        %dma_wait3A_474 = arith.constant 0 : i32
        %dma_wait3A_475 = tpu.memref_slice %arg28[%dma_wait3A_474] : memref<5120xf32, #tpu.memory_space<vmem>> -> memref<5000xf32, #tpu.memory_space<vmem>>
        %dma_wait3A_476 = tpu.memref_slice %arg10[%mul3A_473] : memref<25000000xf32, #tpu.memory_space<hbm>> -> memref<5000xf32, #tpu.memory_space<hbm>>
        %dma_wait3A_477 = tpu.memref_slice %arg10[%mul3A_473] : memref<25000000xf32, #tpu.memory_space<hbm>> -> memref<5000xf32, #tpu.memory_space<hbm>>
        %dma_wait3A_478 = arith.constant 0 : i32
        %dma_wait3A_479 = tpu.memref_slice %arg28[%dma_wait3A_478] : memref<5120xf32, #tpu.memory_space<vmem>> -> memref<5000xf32, #tpu.memory_space<vmem>>
        tpu.wait_dma2 semaphore(%arg36 : memref<!tpu.dma_semaphore, #tpu.memory_space<semaphore_mem>>) src(%dma_wait3A_479 : memref<5000xf32, #tpu.memory_space<vmem>>) dst(%dma_wait3A_477 : memref<5000xf32, #tpu.memory_space<hbm>>)
      } else {
      }
      %broadcast_in_dim3A_322 = arith.constant 0 : i32
      %broadcast_in_dim3A_323 = vector.broadcast %broadcast_in_dim3A_322 : i32 to vector<16xi32>
      %mul3A_324 = arith.constant 16 : i32
      %mul3A_325 = arith.muli %mul3A_281, %mul3A_324 : i32
      %add3A_326 = vector.broadcast %mul3A_325 : i32 to vector<16xi32>
      %add3A_327 = arith.addi %add3A_326, %iota3A : vector<16xi32>
      %gather3A = tpu.vector_load_idx %arg22[%add3A_327] : memref<2560xf32, #tpu.memory_space<vmem>>[vector<16xi32>], vector<16xf32>,
      %add3A_328 = arith.constant 9984 : i32
      %add3A_329 = vector.broadcast %add3A_328 : i32 to vector<16xi32>
      %add3A_330 = arith.addi %iota3A, %add3A_329 : vector<16xi32>
      tpu.vector_store_idx %arg23[%broadcast_in_dim3A_323, %add3A_330], %gather3A : memref<1x10112xf32, #tpu.memory_space<vmem>>[vector<16xi32>, vector<16xi32>], vector<16xf32>,
      %mul3A_331 = arith.constant 16 : i32
      %mul3A_332 = arith.muli %add3A_283, %mul3A_331 : i32
      %add3A_333 = vector.broadcast %mul3A_332 : i32 to vector<16xi32>
      %add3A_334 = arith.addi %add3A_333, %iota3A : vector<16xi32>
      %gather3A_335 = tpu.vector_load_idx %arg22[%add3A_334] : memref<2560xf32, #tpu.memory_space<vmem>>[vector<16xi32>], vector<16xf32>,
      %add3A_336 = arith.constant 9984 : i32
      %add3A_337 = vector.broadcast %add3A_336 : i32 to vector<16xi32>
      %add3A_338 = arith.addi %iota3A, %add3A_337 : vector<16xi32>
      tpu.vector_store_idx %arg24[%broadcast_in_dim3A_323, %add3A_338], %gather3A_335 : memref<1x10112xf32, #tpu.memory_space<vmem>>[vector<16xi32>, vector<16xi32>], vector<16xf32>,
      %scan3A_339 = arith.constant 0 : i32
      %scan3A_340 = arith.constant 0 : i32
      %scan3A_341 = arith.constant 80 : i32
      %scan3A_342 = arith.addi %scan3A_340, %scan3A_341 : i32
      %scan3A_343 = arith.constant 1 : i32
      scf.for %scan3A_469 = %scan3A_340 to %scan3A_342 step %scan3A_343  : i32 {
        %mul3A_470 = arith.constant 4 : i32
        %mul3A_471 = arith.muli %scan3A_469, %mul3A_470 : i32
        %add3A_472 = arith.constant 0 : i32
        %add3A_473 = arith.addi %mul3A_471, %add3A_472 : i32
        %mul3A_474 = arith.constant 16 : i32
        %mul3A_475 = arith.muli %add3A_473, %mul3A_474 : i32
        %get3A_476 = arith.index_cast %mul3A_475 : i32 to index
        %get3A_477 = tpu.vector_load %arg16[%get3A_476] {strides = array<i32>} : memref<5120xi32, #tpu.memory_space<vmem>>, vector<16xi32>,
        %gather3A_478 = tpu.vector_load_idx %arg23[%broadcast_in_dim3A_323, %get3A_477] : memref<1x10112xf32, #tpu.memory_space<vmem>>[vector<16xi32>, vector<16xi32>], vector<16xf32>,
        %swap3A_479 = arith.index_cast %mul3A_475 : i32 to index
        %swap3A_480 = tpu.vector_load %arg27[%swap3A_479] {strides = array<i32>} : memref<5120xf32, #tpu.memory_space<vmem>>, vector<16xf32>,
        tpu.vector_store %arg27[%swap3A_479], %gather3A_478 {strides = array<i32>} : memref<5120xf32, #tpu.memory_space<vmem>>, vector<16xf32>,
        %gather3A_481 = tpu.vector_load_idx %arg24[%broadcast_in_dim3A_323, %get3A_477] : memref<1x10112xf32, #tpu.memory_space<vmem>>[vector<16xi32>, vector<16xi32>], vector<16xf32>,
        %swap3A_482 = arith.index_cast %mul3A_475 : i32 to index
        %swap3A_483 = tpu.vector_load %arg28[%swap3A_482] {strides = array<i32>} : memref<5120xf32, #tpu.memory_space<vmem>>, vector<16xf32>,
        tpu.vector_store %arg28[%swap3A_482], %gather3A_481 {strides = array<i32>} : memref<5120xf32, #tpu.memory_space<vmem>>, vector<16xf32>,
        %mul3A_484 = arith.constant 4 : i32
        %mul3A_485 = arith.muli %scan3A_469, %mul3A_484 : i32
        %add3A_486 = arith.constant 1 : i32
        %add3A_487 = arith.addi %mul3A_485, %add3A_486 : i32
        %mul3A_488 = arith.constant 16 : i32
        %mul3A_489 = arith.muli %add3A_487, %mul3A_488 : i32
        %get3A_490 = arith.index_cast %mul3A_489 : i32 to index
        %get3A_491 = tpu.vector_load %arg16[%get3A_490] {strides = array<i32>} : memref<5120xi32, #tpu.memory_space<vmem>>, vector<16xi32>,
        %gather3A_492 = tpu.vector_load_idx %arg23[%broadcast_in_dim3A_323, %get3A_491] : memref<1x10112xf32, #tpu.memory_space<vmem>>[vector<16xi32>, vector<16xi32>], vector<16xf32>,
        %swap3A_493 = arith.index_cast %mul3A_489 : i32 to index
        %swap3A_494 = tpu.vector_load %arg27[%swap3A_493] {strides = array<i32>} : memref<5120xf32, #tpu.memory_space<vmem>>, vector<16xf32>,
        tpu.vector_store %arg27[%swap3A_493], %gather3A_492 {strides = array<i32>} : memref<5120xf32, #tpu.memory_space<vmem>>, vector<16xf32>,
        %gather3A_495 = tpu.vector_load_idx %arg24[%broadcast_in_dim3A_323, %get3A_491] : memref<1x10112xf32, #tpu.memory_space<vmem>>[vector<16xi32>, vector<16xi32>], vector<16xf32>,
        %swap3A_496 = arith.index_cast %mul3A_489 : i32 to index
        %swap3A_497 = tpu.vector_load %arg28[%swap3A_496] {strides = array<i32>} : memref<5120xf32, #tpu.memory_space<vmem>>, vector<16xf32>,
        tpu.vector_store %arg28[%swap3A_496], %gather3A_495 {strides = array<i32>} : memref<5120xf32, #tpu.memory_space<vmem>>, vector<16xf32>,
        %mul3A_498 = arith.constant 4 : i32
        %mul3A_499 = arith.muli %scan3A_469, %mul3A_498 : i32
        %add3A_500 = arith.constant 2 : i32
        %add3A_501 = arith.addi %mul3A_499, %add3A_500 : i32
        %mul3A_502 = arith.constant 16 : i32
        %mul3A_503 = arith.muli %add3A_501, %mul3A_502 : i32
        %get3A_504 = arith.index_cast %mul3A_503 : i32 to index
        %get3A_505 = tpu.vector_load %arg16[%get3A_504] {strides = array<i32>} : memref<5120xi32, #tpu.memory_space<vmem>>, vector<16xi32>,
        %gather3A_506 = tpu.vector_load_idx %arg23[%broadcast_in_dim3A_323, %get3A_505] : memref<1x10112xf32, #tpu.memory_space<vmem>>[vector<16xi32>, vector<16xi32>], vector<16xf32>,
        %swap3A_507 = arith.index_cast %mul3A_503 : i32 to index
        %swap3A_508 = tpu.vector_load %arg27[%swap3A_507] {strides = array<i32>} : memref<5120xf32, #tpu.memory_space<vmem>>, vector<16xf32>,
        tpu.vector_store %arg27[%swap3A_507], %gather3A_506 {strides = array<i32>} : memref<5120xf32, #tpu.memory_space<vmem>>, vector<16xf32>,
        %gather3A_509 = tpu.vector_load_idx %arg24[%broadcast_in_dim3A_323, %get3A_505] : memref<1x10112xf32, #tpu.memory_space<vmem>>[vector<16xi32>, vector<16xi32>], vector<16xf32>,
        %swap3A_510 = arith.index_cast %mul3A_503 : i32 to index
        %swap3A_511 = tpu.vector_load %arg28[%swap3A_510] {strides = array<i32>} : memref<5120xf32, #tpu.memory_space<vmem>>, vector<16xf32>,
        tpu.vector_store %arg28[%swap3A_510], %gather3A_509 {strides = array<i32>} : memref<5120xf32, #tpu.memory_space<vmem>>, vector<16xf32>,
        %mul3A_512 = arith.constant 4 : i32
        %mul3A_513 = arith.muli %scan3A_469, %mul3A_512 : i32
        %add3A_514 = arith.constant 3 : i32
        %add3A_515 = arith.addi %mul3A_513, %add3A_514 : i32
        %mul3A_516 = arith.constant 16 : i32
        %mul3A_517 = arith.muli %add3A_515, %mul3A_516 : i32
        %get3A_518 = arith.index_cast %mul3A_517 : i32 to index
        %get3A_519 = tpu.vector_load %arg16[%get3A_518] {strides = array<i32>} : memref<5120xi32, #tpu.memory_space<vmem>>, vector<16xi32>,
        %gather3A_520 = tpu.vector_load_idx %arg23[%broadcast_in_dim3A_323, %get3A_519] : memref<1x10112xf32, #tpu.memory_space<vmem>>[vector<16xi32>, vector<16xi32>], vector<16xf32>,
        %swap3A_521 = arith.index_cast %mul3A_517 : i32 to index
        %swap3A_522 = tpu.vector_load %arg27[%swap3A_521] {strides = array<i32>} : memref<5120xf32, #tpu.memory_space<vmem>>, vector<16xf32>,
        tpu.vector_store %arg27[%swap3A_521], %gather3A_520 {strides = array<i32>} : memref<5120xf32, #tpu.memory_space<vmem>>, vector<16xf32>,
        %gather3A_523 = tpu.vector_load_idx %arg24[%broadcast_in_dim3A_323, %get3A_519] : memref<1x10112xf32, #tpu.memory_space<vmem>>[vector<16xi32>, vector<16xi32>], vector<16xf32>,
        %swap3A_524 = arith.index_cast %mul3A_517 : i32 to index
        %swap3A_525 = tpu.vector_load %arg28[%swap3A_524] {strides = array<i32>} : memref<5120xf32, #tpu.memory_space<vmem>>, vector<16xf32>,
        tpu.vector_store %arg28[%swap3A_524], %gather3A_523 {strides = array<i32>} : memref<5120xf32, #tpu.memory_space<vmem>>, vector<16xf32>,
      }
      %scan3A_344 = arith.constant 80 : i32
      %add3A_345 = arith.addi %mul3A_2, %mul3A_281 : i32
      %lt3A_346 = arith.constant 5000 : i32
      %lt3A_347 = arith.cmpi slt, %add3A_345, %lt3A_346 : i32
      %convert_element_type3A_348 = arith.extui %lt3A_347 : i1 to i32
      %cond3A_349 = arith.constant 0 : i32
      %cond3A_350 = arith.cmpi ne, %convert_element_type3A_348, %cond3A_349 : i32
      scf.if %cond3A_350 {
        %add3A_469 = arith.addi %mul3A_2, %mul3A_281 : i32
        %mul3A_470 = arith.constant 5000 : i32
        %mul3A_471 = arith.muli %add3A_469, %mul3A_470 : i32
        %dma_start3A_472 = arith.constant 0 : i32
        %dma_start3A_473 = tpu.memref_slice %arg27[%dma_start3A_472] : memref<5120xf32, #tpu.memory_space<vmem>> -> memref<5000xf32, #tpu.memory_space<vmem>>
        %dma_start3A_474 = tpu.memref_slice %arg10[%mul3A_471] : memref<25000000xf32, #tpu.memory_space<hbm>> -> memref<5000xf32, #tpu.memory_space<hbm>>
        %dma_start3A_475 = tpu.memref_slice %arg10[%mul3A_471] : memref<25000000xf32, #tpu.memory_space<hbm>> -> memref<5000xf32, #tpu.memory_space<hbm>>
        %dma_start3A_476 = arith.constant 0 : i32
        %dma_start3A_477 = tpu.memref_slice %arg27[%dma_start3A_476] : memref<5120xf32, #tpu.memory_space<vmem>> -> memref<5000xf32, #tpu.memory_space<vmem>>
        tpu.enqueue_dma source(%dma_start3A_477 : memref<5000xf32, #tpu.memory_space<vmem>>) target(%dma_start3A_475 : memref<5000xf32, #tpu.memory_space<hbm>>) target_semaphore(%arg35 : memref<!tpu.dma_semaphore, #tpu.memory_space<semaphore_mem>>)
      } else {
      }
      %add3A_351 = arith.addi %mul3A_2, %add3A_283 : i32
      %lt3A_352 = arith.constant 5000 : i32
      %lt3A_353 = arith.cmpi slt, %add3A_351, %lt3A_352 : i32
      %convert_element_type3A_354 = arith.extui %lt3A_353 : i1 to i32
      %cond3A_355 = arith.constant 0 : i32
      %cond3A_356 = arith.cmpi ne, %convert_element_type3A_354, %cond3A_355 : i32
      scf.if %cond3A_356 {
        %add3A_469 = arith.addi %mul3A_2, %add3A_283 : i32
        %mul3A_470 = arith.constant 5000 : i32
        %mul3A_471 = arith.muli %add3A_469, %mul3A_470 : i32
        %dma_start3A_472 = arith.constant 0 : i32
        %dma_start3A_473 = tpu.memref_slice %arg28[%dma_start3A_472] : memref<5120xf32, #tpu.memory_space<vmem>> -> memref<5000xf32, #tpu.memory_space<vmem>>
        %dma_start3A_474 = tpu.memref_slice %arg10[%mul3A_471] : memref<25000000xf32, #tpu.memory_space<hbm>> -> memref<5000xf32, #tpu.memory_space<hbm>>
        %dma_start3A_475 = tpu.memref_slice %arg10[%mul3A_471] : memref<25000000xf32, #tpu.memory_space<hbm>> -> memref<5000xf32, #tpu.memory_space<hbm>>
        %dma_start3A_476 = arith.constant 0 : i32
        %dma_start3A_477 = tpu.memref_slice %arg28[%dma_start3A_476] : memref<5120xf32, #tpu.memory_space<vmem>> -> memref<5000xf32, #tpu.memory_space<vmem>>
        tpu.enqueue_dma source(%dma_start3A_477 : memref<5000xf32, #tpu.memory_space<vmem>>) target(%dma_start3A_475 : memref<5000xf32, #tpu.memory_space<hbm>>) target_semaphore(%arg36 : memref<!tpu.dma_semaphore, #tpu.memory_space<semaphore_mem>>)
      } else {
      }
      %add3A_357 = arith.constant 4 : i32
      %add3A_358 = arith.addi %mul3A_281, %add3A_357 : i32
      %lt3A_359 = arith.constant 160 : i32
      %lt3A_360 = arith.cmpi slt, %add3A_358, %lt3A_359 : i32
      %convert_element_type3A_361 = arith.extui %lt3A_360 : i1 to i32
      %cond3A_362 = arith.constant 0 : i32
      %cond3A_363 = arith.cmpi ne, %convert_element_type3A_361, %cond3A_362 : i32
      scf.if %cond3A_363 {
        %add3A_469 = arith.constant 4 : i32
        %add3A_470 = arith.addi %mul3A_281, %add3A_469 : i32
        %mul3A_471 = arith.constant 8 : i32
        %mul3A_472 = arith.muli %add3A_470, %mul3A_471 : i32
        %dma_start3A_473 = arith.constant 0 : i32
        %dma_start3A_474 = arith.constant 0 : i32
        %dma_start3A_475 = tpu.memref_slice %arg23[%dma_start3A_473, %dma_start3A_474] : memref<1x10112xf32, #tpu.memory_space<vmem>> -> memref<1x9984xf32, #tpu.memory_space<vmem>>
        %dma_start3A_476 = tpu.memref_slice %arg19[%mul3A_472] : memref<1280xi32, #tpu.memory_space<vmem>> -> memref<1xi32, #tpu.memory_space<vmem>>
        %dma_start3A_477 = arith.constant 0 : i32
        %dma_start3A_478 = arith.constant 0 : i32
        %dma_start3A_479 = tpu.memref_slice %arg6[%dma_start3A_477, %dma_start3A_478] : memref<10000x10000xf32, #tpu.memory_space<hbm>> -> memref<10000x9984xf32, #tpu.memory_space<hbm>>
        tpu.enqueue_indirect_dma source(%dma_start3A_479 : memref<10000x9984xf32, #tpu.memory_space<hbm>>) target(%dma_start3A_475 : memref<1x9984xf32, #tpu.memory_space<vmem>>) offsets(%dma_start3A_476 : memref<1xi32, #tpu.memory_space<vmem>>) semaphore(%arg31 : memref<!tpu.dma_semaphore, #tpu.memory_space<semaphore_mem>>)
      } else {
      }
      %add3A_364 = arith.constant 4 : i32
      %add3A_365 = arith.addi %add3A_283, %add3A_364 : i32
      %lt3A_366 = arith.constant 160 : i32
      %lt3A_367 = arith.cmpi slt, %add3A_365, %lt3A_366 : i32
      %convert_element_type3A_368 = arith.extui %lt3A_367 : i1 to i32
      %cond3A_369 = arith.constant 0 : i32
      %cond3A_370 = arith.cmpi ne, %convert_element_type3A_368, %cond3A_369 : i32
      scf.if %cond3A_370 {
        %add3A_469 = arith.constant 4 : i32
        %add3A_470 = arith.addi %add3A_283, %add3A_469 : i32
        %mul3A_471 = arith.constant 8 : i32
        %mul3A_472 = arith.muli %add3A_470, %mul3A_471 : i32
        %dma_start3A_473 = arith.constant 0 : i32
        %dma_start3A_474 = arith.constant 0 : i32
        %dma_start3A_475 = tpu.memref_slice %arg24[%dma_start3A_473, %dma_start3A_474] : memref<1x10112xf32, #tpu.memory_space<vmem>> -> memref<1x9984xf32, #tpu.memory_space<vmem>>
        %dma_start3A_476 = tpu.memref_slice %arg19[%mul3A_472] : memref<1280xi32, #tpu.memory_space<vmem>> -> memref<1xi32, #tpu.memory_space<vmem>>
        %dma_start3A_477 = arith.constant 0 : i32
        %dma_start3A_478 = arith.constant 0 : i32
        %dma_start3A_479 = tpu.memref_slice %arg6[%dma_start3A_477, %dma_start3A_478] : memref<10000x10000xf32, #tpu.memory_space<hbm>> -> memref<10000x9984xf32, #tpu.memory_space<hbm>>
        tpu.enqueue_indirect_dma source(%dma_start3A_479 : memref<10000x9984xf32, #tpu.memory_space<hbm>>) target(%dma_start3A_475 : memref<1x9984xf32, #tpu.memory_space<vmem>>) offsets(%dma_start3A_476 : memref<1xi32, #tpu.memory_space<vmem>>) semaphore(%arg32 : memref<!tpu.dma_semaphore, #tpu.memory_space<semaphore_mem>>)
      } else {
      }
      %mul3A_371 = arith.constant 2 : i32
      %mul3A_372 = arith.muli %scan3A_275, %mul3A_371 : i32
      %add3A_373 = arith.constant 1 : i32
      %add3A_374 = arith.addi %mul3A_372, %add3A_373 : i32
      %mul3A_375 = arith.constant 2 : i32
      %mul3A_376 = arith.muli %mul3A_375, %add3A_374 : i32
      %add3A_377 = arith.constant 1 : i32
      %add3A_378 = arith.addi %mul3A_376, %add3A_377 : i32
      %mul3A_379 = arith.constant 8 : i32
      %mul3A_380 = arith.muli %mul3A_376, %mul3A_379 : i32
      %dma_wait3A_381 = arith.constant 0 : i32
      %dma_wait3A_382 = arith.constant 0 : i32
      %dma_wait3A_383 = tpu.memref_slice %arg25[%dma_wait3A_381, %dma_wait3A_382] : memref<1x10112xf32, #tpu.memory_space<vmem>> -> memref<1x9984xf32, #tpu.memory_space<vmem>>
      %dma_wait3A_384 = tpu.memref_slice %arg19[%mul3A_380] : memref<1280xi32, #tpu.memory_space<vmem>> -> memref<1xi32, #tpu.memory_space<vmem>>
      %dma_wait3A_385 = arith.constant 0 : i32
      %dma_wait3A_386 = arith.constant 0 : i32
      %dma_wait3A_387 = tpu.memref_slice %arg6[%dma_wait3A_385, %dma_wait3A_386] : memref<10000x10000xf32, #tpu.memory_space<hbm>> -> memref<10000x9984xf32, #tpu.memory_space<hbm>>
      tpu.wait_indirect_dma semaphore(%arg33 : memref<!tpu.dma_semaphore, #tpu.memory_space<semaphore_mem>>) src(%dma_wait3A_387 : memref<10000x9984xf32, #tpu.memory_space<hbm>>) dst(%dma_wait3A_383 : memref<1x9984xf32, #tpu.memory_space<vmem>>)
      %mul3A_388 = arith.constant 8 : i32
      %mul3A_389 = arith.muli %add3A_378, %mul3A_388 : i32
      %dma_wait3A_390 = arith.constant 0 : i32
      %dma_wait3A_391 = arith.constant 0 : i32
      %dma_wait3A_392 = tpu.memref_slice %arg26[%dma_wait3A_390, %dma_wait3A_391] : memref<1x10112xf32, #tpu.memory_space<vmem>> -> memref<1x9984xf32, #tpu.memory_space<vmem>>
      %dma_wait3A_393 = tpu.memref_slice %arg19[%mul3A_389] : memref<1280xi32, #tpu.memory_space<vmem>> -> memref<1xi32, #tpu.memory_space<vmem>>
      %dma_wait3A_394 = arith.constant 0 : i32
      %dma_wait3A_395 = arith.constant 0 : i32
      %dma_wait3A_396 = tpu.memref_slice %arg6[%dma_wait3A_394, %dma_wait3A_395] : memref<10000x10000xf32, #tpu.memory_space<hbm>> -> memref<10000x9984xf32, #tpu.memory_space<hbm>>
      tpu.wait_indirect_dma semaphore(%arg34 : memref<!tpu.dma_semaphore, #tpu.memory_space<semaphore_mem>>) src(%dma_wait3A_396 : memref<10000x9984xf32, #tpu.memory_space<hbm>>) dst(%dma_wait3A_392 : memref<1x9984xf32, #tpu.memory_space<vmem>>)
      %ge3A_397 = arith.constant 2 : i32
      %ge3A_398 = arith.cmpi sge, %add3A_374, %ge3A_397 : i32
      %add3A_399 = arith.addi %mul3A_2, %mul3A_376 : i32
      %sub3A_400 = arith.constant 4 : i32
      %sub3A_401 = arith.subi %add3A_399, %sub3A_400 : i32
      %lt3A_402 = arith.constant 5000 : i32
      %lt3A_403 = arith.cmpi slt, %sub3A_401, %lt3A_402 : i32
      %and3A_404 = arith.andi %ge3A_398, %lt3A_403 : i1
      %convert_element_type3A_405 = arith.extui %and3A_404 : i1 to i32
      %cond3A_406 = arith.constant 0 : i32
      %cond3A_407 = arith.cmpi ne, %convert_element_type3A_405, %cond3A_406 : i32
      scf.if %cond3A_407 {
        %sub3A_469 = arith.constant 4 : i32
        %sub3A_470 = arith.subi %mul3A_376, %sub3A_469 : i32
        %add3A_471 = arith.addi %mul3A_2, %sub3A_470 : i32
        %mul3A_472 = arith.constant 5000 : i32
        %mul3A_473 = arith.muli %add3A_471, %mul3A_472 : i32
        %dma_wait3A_474 = arith.constant 0 : i32
        %dma_wait3A_475 = tpu.memref_slice %arg29[%dma_wait3A_474] : memref<5120xf32, #tpu.memory_space<vmem>> -> memref<5000xf32, #tpu.memory_space<vmem>>
        %dma_wait3A_476 = tpu.memref_slice %arg10[%mul3A_473] : memref<25000000xf32, #tpu.memory_space<hbm>> -> memref<5000xf32, #tpu.memory_space<hbm>>
        %dma_wait3A_477 = tpu.memref_slice %arg10[%mul3A_473] : memref<25000000xf32, #tpu.memory_space<hbm>> -> memref<5000xf32, #tpu.memory_space<hbm>>
        %dma_wait3A_478 = arith.constant 0 : i32
        %dma_wait3A_479 = tpu.memref_slice %arg29[%dma_wait3A_478] : memref<5120xf32, #tpu.memory_space<vmem>> -> memref<5000xf32, #tpu.memory_space<vmem>>
        tpu.wait_dma2 semaphore(%arg37 : memref<!tpu.dma_semaphore, #tpu.memory_space<semaphore_mem>>) src(%dma_wait3A_479 : memref<5000xf32, #tpu.memory_space<vmem>>) dst(%dma_wait3A_477 : memref<5000xf32, #tpu.memory_space<hbm>>)
      } else {
      }
      %ge3A_408 = arith.constant 2 : i32
      %ge3A_409 = arith.cmpi sge, %add3A_374, %ge3A_408 : i32
      %add3A_410 = arith.addi %mul3A_2, %add3A_378 : i32
      %sub3A_411 = arith.constant 4 : i32
      %sub3A_412 = arith.subi %add3A_410, %sub3A_411 : i32
      %lt3A_413 = arith.constant 5000 : i32
      %lt3A_414 = arith.cmpi slt, %sub3A_412, %lt3A_413 : i32
      %and3A_415 = arith.andi %ge3A_409, %lt3A_414 : i1
      %convert_element_type3A_416 = arith.extui %and3A_415 : i1 to i32
      %cond3A_417 = arith.constant 0 : i32
      %cond3A_418 = arith.cmpi ne, %convert_element_type3A_416, %cond3A_417 : i32
      scf.if %cond3A_418 {
        %sub3A_469 = arith.constant 4 : i32
        %sub3A_470 = arith.subi %add3A_378, %sub3A_469 : i32
        %add3A_471 = arith.addi %mul3A_2, %sub3A_470 : i32
        %mul3A_472 = arith.constant 5000 : i32
        %mul3A_473 = arith.muli %add3A_471, %mul3A_472 : i32
        %dma_wait3A_474 = arith.constant 0 : i32
        %dma_wait3A_475 = tpu.memref_slice %arg30[%dma_wait3A_474] : memref<5120xf32, #tpu.memory_space<vmem>> -> memref<5000xf32, #tpu.memory_space<vmem>>
        %dma_wait3A_476 = tpu.memref_slice %arg10[%mul3A_473] : memref<25000000xf32, #tpu.memory_space<hbm>> -> memref<5000xf32, #tpu.memory_space<hbm>>
        %dma_wait3A_477 = tpu.memref_slice %arg10[%mul3A_473] : memref<25000000xf32, #tpu.memory_space<hbm>> -> memref<5000xf32, #tpu.memory_space<hbm>>
        %dma_wait3A_478 = arith.constant 0 : i32
        %dma_wait3A_479 = tpu.memref_slice %arg30[%dma_wait3A_478] : memref<5120xf32, #tpu.memory_space<vmem>> -> memref<5000xf32, #tpu.memory_space<vmem>>
        tpu.wait_dma2 semaphore(%arg38 : memref<!tpu.dma_semaphore, #tpu.memory_space<semaphore_mem>>) src(%dma_wait3A_479 : memref<5000xf32, #tpu.memory_space<vmem>>) dst(%dma_wait3A_477 : memref<5000xf32, #tpu.memory_space<hbm>>)
      } else {
      }
      %broadcast_in_dim3A_419 = arith.constant 0 : i32
      %broadcast_in_dim3A_420 = vector.broadcast %broadcast_in_dim3A_419 : i32 to vector<16xi32>
      %mul3A_421 = arith.constant 16 : i32
      %mul3A_422 = arith.muli %mul3A_376, %mul3A_421 : i32
      %add3A_423 = vector.broadcast %mul3A_422 : i32 to vector<16xi32>
      %add3A_424 = arith.addi %add3A_423, %iota3A : vector<16xi32>
      %gather3A_425 = tpu.vector_load_idx %arg22[%add3A_424] : memref<2560xf32, #tpu.memory_space<vmem>>[vector<16xi32>], vector<16xf32>,
      %add3A_426 = arith.constant 9984 : i32
      %add3A_427 = vector.broadcast %add3A_426 : i32 to vector<16xi32>
      %add3A_428 = arith.addi %iota3A, %add3A_427 : vector<16xi32>
      tpu.vector_store_idx %arg25[%broadcast_in_dim3A_420, %add3A_428], %gather3A_425 : memref<1x10112xf32, #tpu.memory_space<vmem>>[vector<16xi32>, vector<16xi32>], vector<16xf32>,
      %mul3A_429 = arith.constant 16 : i32
      %mul3A_430 = arith.muli %add3A_378, %mul3A_429 : i32
      %add3A_431 = vector.broadcast %mul3A_430 : i32 to vector<16xi32>
      %add3A_432 = arith.addi %add3A_431, %iota3A : vector<16xi32>
      %gather3A_433 = tpu.vector_load_idx %arg22[%add3A_432] : memref<2560xf32, #tpu.memory_space<vmem>>[vector<16xi32>], vector<16xf32>,
      %add3A_434 = arith.constant 9984 : i32
      %add3A_435 = vector.broadcast %add3A_434 : i32 to vector<16xi32>
      %add3A_436 = arith.addi %iota3A, %add3A_435 : vector<16xi32>
      tpu.vector_store_idx %arg26[%broadcast_in_dim3A_420, %add3A_436], %gather3A_433 : memref<1x10112xf32, #tpu.memory_space<vmem>>[vector<16xi32>, vector<16xi32>], vector<16xf32>,
      %scan3A_437 = arith.constant 0 : i32
      %scan3A_438 = arith.constant 0 : i32
      %scan3A_439 = arith.constant 80 : i32
      %scan3A_440 = arith.addi %scan3A_438, %scan3A_439 : i32
      %scan3A_441 = arith.constant 1 : i32
      scf.for %scan3A_469 = %scan3A_438 to %scan3A_440 step %scan3A_441  : i32 {
        %mul3A_470 = arith.constant 4 : i32
        %mul3A_471 = arith.muli %scan3A_469, %mul3A_470 : i32
        %add3A_472 = arith.constant 0 : i32
        %add3A_473 = arith.addi %mul3A_471, %add3A_472 : i32
        %mul3A_474 = arith.constant 16 : i32
        %mul3A_475 = arith.muli %add3A_473, %mul3A_474 : i32
        %get3A_476 = arith.index_cast %mul3A_475 : i32 to index
        %get3A_477 = tpu.vector_load %arg16[%get3A_476] {strides = array<i32>} : memref<5120xi32, #tpu.memory_space<vmem>>, vector<16xi32>,
        %gather3A_478 = tpu.vector_load_idx %arg25[%broadcast_in_dim3A_420, %get3A_477] : memref<1x10112xf32, #tpu.memory_space<vmem>>[vector<16xi32>, vector<16xi32>], vector<16xf32>,
        %swap3A_479 = arith.index_cast %mul3A_475 : i32 to index
        %swap3A_480 = tpu.vector_load %arg29[%swap3A_479] {strides = array<i32>} : memref<5120xf32, #tpu.memory_space<vmem>>, vector<16xf32>,
        tpu.vector_store %arg29[%swap3A_479], %gather3A_478 {strides = array<i32>} : memref<5120xf32, #tpu.memory_space<vmem>>, vector<16xf32>,
        %gather3A_481 = tpu.vector_load_idx %arg26[%broadcast_in_dim3A_420, %get3A_477] : memref<1x10112xf32, #tpu.memory_space<vmem>>[vector<16xi32>, vector<16xi32>], vector<16xf32>,
        %swap3A_482 = arith.index_cast %mul3A_475 : i32 to index
        %swap3A_483 = tpu.vector_load %arg30[%swap3A_482] {strides = array<i32>} : memref<5120xf32, #tpu.memory_space<vmem>>, vector<16xf32>,
        tpu.vector_store %arg30[%swap3A_482], %gather3A_481 {strides = array<i32>} : memref<5120xf32, #tpu.memory_space<vmem>>, vector<16xf32>,
        %mul3A_484 = arith.constant 4 : i32
        %mul3A_485 = arith.muli %scan3A_469, %mul3A_484 : i32
        %add3A_486 = arith.constant 1 : i32
        %add3A_487 = arith.addi %mul3A_485, %add3A_486 : i32
        %mul3A_488 = arith.constant 16 : i32
        %mul3A_489 = arith.muli %add3A_487, %mul3A_488 : i32
        %get3A_490 = arith.index_cast %mul3A_489 : i32 to index
        %get3A_491 = tpu.vector_load %arg16[%get3A_490] {strides = array<i32>} : memref<5120xi32, #tpu.memory_space<vmem>>, vector<16xi32>,
        %gather3A_492 = tpu.vector_load_idx %arg25[%broadcast_in_dim3A_420, %get3A_491] : memref<1x10112xf32, #tpu.memory_space<vmem>>[vector<16xi32>, vector<16xi32>], vector<16xf32>,
        %swap3A_493 = arith.index_cast %mul3A_489 : i32 to index
        %swap3A_494 = tpu.vector_load %arg29[%swap3A_493] {strides = array<i32>} : memref<5120xf32, #tpu.memory_space<vmem>>, vector<16xf32>,
        tpu.vector_store %arg29[%swap3A_493], %gather3A_492 {strides = array<i32>} : memref<5120xf32, #tpu.memory_space<vmem>>, vector<16xf32>,
        %gather3A_495 = tpu.vector_load_idx %arg26[%broadcast_in_dim3A_420, %get3A_491] : memref<1x10112xf32, #tpu.memory_space<vmem>>[vector<16xi32>, vector<16xi32>], vector<16xf32>,
        %swap3A_496 = arith.index_cast %mul3A_489 : i32 to index
        %swap3A_497 = tpu.vector_load %arg30[%swap3A_496] {strides = array<i32>} : memref<5120xf32, #tpu.memory_space<vmem>>, vector<16xf32>,
        tpu.vector_store %arg30[%swap3A_496], %gather3A_495 {strides = array<i32>} : memref<5120xf32, #tpu.memory_space<vmem>>, vector<16xf32>,
        %mul3A_498 = arith.constant 4 : i32
        %mul3A_499 = arith.muli %scan3A_469, %mul3A_498 : i32
        %add3A_500 = arith.constant 2 : i32
        %add3A_501 = arith.addi %mul3A_499, %add3A_500 : i32
        %mul3A_502 = arith.constant 16 : i32
        %mul3A_503 = arith.muli %add3A_501, %mul3A_502 : i32
        %get3A_504 = arith.index_cast %mul3A_503 : i32 to index
        %get3A_505 = tpu.vector_load %arg16[%get3A_504] {strides = array<i32>} : memref<5120xi32, #tpu.memory_space<vmem>>, vector<16xi32>,
        %gather3A_506 = tpu.vector_load_idx %arg25[%broadcast_in_dim3A_420, %get3A_505] : memref<1x10112xf32, #tpu.memory_space<vmem>>[vector<16xi32>, vector<16xi32>], vector<16xf32>,
        %swap3A_507 = arith.index_cast %mul3A_503 : i32 to index
        %swap3A_508 = tpu.vector_load %arg29[%swap3A_507] {strides = array<i32>} : memref<5120xf32, #tpu.memory_space<vmem>>, vector<16xf32>,
        tpu.vector_store %arg29[%swap3A_507], %gather3A_506 {strides = array<i32>} : memref<5120xf32, #tpu.memory_space<vmem>>, vector<16xf32>,
        %gather3A_509 = tpu.vector_load_idx %arg26[%broadcast_in_dim3A_420, %get3A_505] : memref<1x10112xf32, #tpu.memory_space<vmem>>[vector<16xi32>, vector<16xi32>], vector<16xf32>,
        %swap3A_510 = arith.index_cast %mul3A_503 : i32 to index
        %swap3A_511 = tpu.vector_load %arg30[%swap3A_510] {strides = array<i32>} : memref<5120xf32, #tpu.memory_space<vmem>>, vector<16xf32>,
        tpu.vector_store %arg30[%swap3A_510], %gather3A_509 {strides = array<i32>} : memref<5120xf32, #tpu.memory_space<vmem>>, vector<16xf32>,
        %mul3A_512 = arith.constant 4 : i32
        %mul3A_513 = arith.muli %scan3A_469, %mul3A_512 : i32
        %add3A_514 = arith.constant 3 : i32
        %add3A_515 = arith.addi %mul3A_513, %add3A_514 : i32
        %mul3A_516 = arith.constant 16 : i32
        %mul3A_517 = arith.muli %add3A_515, %mul3A_516 : i32
        %get3A_518 = arith.index_cast %mul3A_517 : i32 to index
        %get3A_519 = tpu.vector_load %arg16[%get3A_518] {strides = array<i32>} : memref<5120xi32, #tpu.memory_space<vmem>>, vector<16xi32>,
        %gather3A_520 = tpu.vector_load_idx %arg25[%broadcast_in_dim3A_420, %get3A_519] : memref<1x10112xf32, #tpu.memory_space<vmem>>[vector<16xi32>, vector<16xi32>], vector<16xf32>,
        %swap3A_521 = arith.index_cast %mul3A_517 : i32 to index
        %swap3A_522 = tpu.vector_load %arg29[%swap3A_521] {strides = array<i32>} : memref<5120xf32, #tpu.memory_space<vmem>>, vector<16xf32>,
        tpu.vector_store %arg29[%swap3A_521], %gather3A_520 {strides = array<i32>} : memref<5120xf32, #tpu.memory_space<vmem>>, vector<16xf32>,
        %gather3A_523 = tpu.vector_load_idx %arg26[%broadcast_in_dim3A_420, %get3A_519] : memref<1x10112xf32, #tpu.memory_space<vmem>>[vector<16xi32>, vector<16xi32>], vector<16xf32>,
        %swap3A_524 = arith.index_cast %mul3A_517 : i32 to index
        %swap3A_525 = tpu.vector_load %arg30[%swap3A_524] {strides = array<i32>} : memref<5120xf32, #tpu.memory_space<vmem>>, vector<16xf32>,
        tpu.vector_store %arg30[%swap3A_524], %gather3A_523 {strides = array<i32>} : memref<5120xf32, #tpu.memory_space<vmem>>, vector<16xf32>,
      }
      %scan3A_442 = arith.constant 80 : i32
      %add3A_443 = arith.addi %mul3A_2, %mul3A_376 : i32
      %lt3A_444 = arith.constant 5000 : i32
      %lt3A_445 = arith.cmpi slt, %add3A_443, %lt3A_444 : i32
      %convert_element_type3A_446 = arith.extui %lt3A_445 : i1 to i32
      %cond3A_447 = arith.constant 0 : i32
      %cond3A_448 = arith.cmpi ne, %convert_element_type3A_446, %cond3A_447 : i32
      scf.if %cond3A_448 {
        %add3A_469 = arith.addi %mul3A_2, %mul3A_376 : i32
        %mul3A_470 = arith.constant 5000 : i32
        %mul3A_471 = arith.muli %add3A_469, %mul3A_470 : i32
        %dma_start3A_472 = arith.constant 0 : i32
        %dma_start3A_473 = tpu.memref_slice %arg29[%dma_start3A_472] : memref<5120xf32, #tpu.memory_space<vmem>> -> memref<5000xf32, #tpu.memory_space<vmem>>
        %dma_start3A_474 = tpu.memref_slice %arg10[%mul3A_471] : memref<25000000xf32, #tpu.memory_space<hbm>> -> memref<5000xf32, #tpu.memory_space<hbm>>
        %dma_start3A_475 = tpu.memref_slice %arg10[%mul3A_471] : memref<25000000xf32, #tpu.memory_space<hbm>> -> memref<5000xf32, #tpu.memory_space<hbm>>
        %dma_start3A_476 = arith.constant 0 : i32
        %dma_start3A_477 = tpu.memref_slice %arg29[%dma_start3A_476] : memref<5120xf32, #tpu.memory_space<vmem>> -> memref<5000xf32, #tpu.memory_space<vmem>>
        tpu.enqueue_dma source(%dma_start3A_477 : memref<5000xf32, #tpu.memory_space<vmem>>) target(%dma_start3A_475 : memref<5000xf32, #tpu.memory_space<hbm>>) target_semaphore(%arg37 : memref<!tpu.dma_semaphore, #tpu.memory_space<semaphore_mem>>)
      } else {
      }
      %add3A_449 = arith.addi %mul3A_2, %add3A_378 : i32
      %lt3A_450 = arith.constant 5000 : i32
      %lt3A_451 = arith.cmpi slt, %add3A_449, %lt3A_450 : i32
      %convert_element_type3A_452 = arith.extui %lt3A_451 : i1 to i32
      %cond3A_453 = arith.constant 0 : i32
      %cond3A_454 = arith.cmpi ne, %convert_element_type3A_452, %cond3A_453 : i32
      scf.if %cond3A_454 {
        %add3A_469 = arith.addi %mul3A_2, %add3A_378 : i32
        %mul3A_470 = arith.constant 5000 : i32
        %mul3A_471 = arith.muli %add3A_469, %mul3A_470 : i32
        %dma_start3A_472 = arith.constant 0 : i32
        %dma_start3A_473 = tpu.memref_slice %arg30[%dma_start3A_472] : memref<5120xf32, #tpu.memory_space<vmem>> -> memref<5000xf32, #tpu.memory_space<vmem>>
        %dma_start3A_474 = tpu.memref_slice %arg10[%mul3A_471] : memref<25000000xf32, #tpu.memory_space<hbm>> -> memref<5000xf32, #tpu.memory_space<hbm>>
        %dma_start3A_475 = tpu.memref_slice %arg10[%mul3A_471] : memref<25000000xf32, #tpu.memory_space<hbm>> -> memref<5000xf32, #tpu.memory_space<hbm>>
        %dma_start3A_476 = arith.constant 0 : i32
        %dma_start3A_477 = tpu.memref_slice %arg30[%dma_start3A_476] : memref<5120xf32, #tpu.memory_space<vmem>> -> memref<5000xf32, #tpu.memory_space<vmem>>
        tpu.enqueue_dma source(%dma_start3A_477 : memref<5000xf32, #tpu.memory_space<vmem>>) target(%dma_start3A_475 : memref<5000xf32, #tpu.memory_space<hbm>>) target_semaphore(%arg38 : memref<!tpu.dma_semaphore, #tpu.memory_space<semaphore_mem>>)
      } else {
      }
      %add3A_455 = arith.constant 4 : i32
      %add3A_456 = arith.addi %mul3A_376, %add3A_455 : i32
      %lt3A_457 = arith.constant 160 : i32
      %lt3A_458 = arith.cmpi slt, %add3A_456, %lt3A_457 : i32
      %convert_element_type3A_459 = arith.extui %lt3A_458 : i1 to i32
      %cond3A_460 = arith.constant 0 : i32
      %cond3A_461 = arith.cmpi ne, %convert_element_type3A_459, %cond3A_460 : i32
      scf.if %cond3A_461 {
        %add3A_469 = arith.constant 4 : i32
        %add3A_470 = arith.addi %mul3A_376, %add3A_469 : i32
        %mul3A_471 = arith.constant 8 : i32
        %mul3A_472 = arith.muli %add3A_470, %mul3A_471 : i32
        %dma_start3A_473 = arith.constant 0 : i32
        %dma_start3A_474 = arith.constant 0 : i32
        %dma_start3A_475 = tpu.memref_slice %arg25[%dma_start3A_473, %dma_start3A_474] : memref<1x10112xf32, #tpu.memory_space<vmem>> -> memref<1x9984xf32, #tpu.memory_space<vmem>>
        %dma_start3A_476 = tpu.memref_slice %arg19[%mul3A_472] : memref<1280xi32, #tpu.memory_space<vmem>> -> memref<1xi32, #tpu.memory_space<vmem>>
        %dma_start3A_477 = arith.constant 0 : i32
        %dma_start3A_478 = arith.constant 0 : i32
        %dma_start3A_479 = tpu.memref_slice %arg6[%dma_start3A_477, %dma_start3A_478] : memref<10000x10000xf32, #tpu.memory_space<hbm>> -> memref<10000x9984xf32, #tpu.memory_space<hbm>>
        tpu.enqueue_indirect_dma source(%dma_start3A_479 : memref<10000x9984xf32, #tpu.memory_space<hbm>>) target(%dma_start3A_475 : memref<1x9984xf32, #tpu.memory_space<vmem>>) offsets(%dma_start3A_476 : memref<1xi32, #tpu.memory_space<vmem>>) semaphore(%arg33 : memref<!tpu.dma_semaphore, #tpu.memory_space<semaphore_mem>>)
      } else {
      }
      %add3A_462 = arith.constant 4 : i32
      %add3A_463 = arith.addi %add3A_378, %add3A_462 : i32
      %lt3A_464 = arith.constant 160 : i32
      %lt3A_465 = arith.cmpi slt, %add3A_463, %lt3A_464 : i32
      %convert_element_type3A_466 = arith.extui %lt3A_465 : i1 to i32
      %cond3A_467 = arith.constant 0 : i32
      %cond3A_468 = arith.cmpi ne, %convert_element_type3A_466, %cond3A_467 : i32
      scf.if %cond3A_468 {
        %add3A_469 = arith.constant 4 : i32
        %add3A_470 = arith.addi %add3A_378, %add3A_469 : i32
        %mul3A_471 = arith.constant 8 : i32
        %mul3A_472 = arith.muli %add3A_470, %mul3A_471 : i32
        %dma_start3A_473 = arith.constant 0 : i32
        %dma_start3A_474 = arith.constant 0 : i32
        %dma_start3A_475 = tpu.memref_slice %arg26[%dma_start3A_473, %dma_start3A_474] : memref<1x10112xf32, #tpu.memory_space<vmem>> -> memref<1x9984xf32, #tpu.memory_space<vmem>>
        %dma_start3A_476 = tpu.memref_slice %arg19[%mul3A_472] : memref<1280xi32, #tpu.memory_space<vmem>> -> memref<1xi32, #tpu.memory_space<vmem>>
        %dma_start3A_477 = arith.constant 0 : i32
        %dma_start3A_478 = arith.constant 0 : i32
        %dma_start3A_479 = tpu.memref_slice %arg6[%dma_start3A_477, %dma_start3A_478] : memref<10000x10000xf32, #tpu.memory_space<hbm>> -> memref<10000x9984xf32, #tpu.memory_space<hbm>>
        tpu.enqueue_indirect_dma source(%dma_start3A_479 : memref<10000x9984xf32, #tpu.memory_space<hbm>>) target(%dma_start3A_475 : memref<1x9984xf32, #tpu.memory_space<vmem>>) offsets(%dma_start3A_476 : memref<1xi32, #tpu.memory_space<vmem>>) semaphore(%arg34 : memref<!tpu.dma_semaphore, #tpu.memory_space<semaphore_mem>>)
      } else {
      }
    }
    %scan3A_231 = arith.constant 40 : i32
    %add3A_232 = arith.constant 160 : i32
    %add3A_233 = arith.addi %mul3A_2, %add3A_232 : i32
    %sub3A = arith.constant 4 : i32
    %sub3A_234 = arith.subi %add3A_233, %sub3A : i32
    %add3A_235 = arith.constant 0 : i32
    %add3A_236 = arith.addi %sub3A_234, %add3A_235 : i32
    %lt3A_237 = arith.constant 5000 : i32
    %lt3A_238 = arith.cmpi slt, %add3A_236, %lt3A_237 : i32
    %convert_element_type3A_239 = arith.extui %lt3A_238 : i1 to i32
    %cond3A_240 = arith.constant 0 : i32
    %cond3A_241 = arith.cmpi ne, %convert_element_type3A_239, %cond3A_240 : i32
    scf.if %cond3A_241 {
      %add3A_275 = arith.constant 156 : i32
      %add3A_276 = arith.addi %mul3A_2, %add3A_275 : i32
      %mul3A_277 = arith.constant 5000 : i32
      %mul3A_278 = arith.muli %add3A_276, %mul3A_277 : i32
      %dma_wait3A_279 = arith.constant 0 : i32
      %dma_wait3A_280 = tpu.memref_slice %arg27[%dma_wait3A_279] : memref<5120xf32, #tpu.memory_space<vmem>> -> memref<5000xf32, #tpu.memory_space<vmem>>
      %dma_wait3A_281 = tpu.memref_slice %arg10[%mul3A_278] : memref<25000000xf32, #tpu.memory_space<hbm>> -> memref<5000xf32, #tpu.memory_space<hbm>>
      %dma_wait3A_282 = tpu.memref_slice %arg10[%mul3A_278] : memref<25000000xf32, #tpu.memory_space<hbm>> -> memref<5000xf32, #tpu.memory_space<hbm>>
      %dma_wait3A_283 = arith.constant 0 : i32
      %dma_wait3A_284 = tpu.memref_slice %arg27[%dma_wait3A_283] : memref<5120xf32, #tpu.memory_space<vmem>> -> memref<5000xf32, #tpu.memory_space<vmem>>
      tpu.wait_dma2 semaphore(%arg35 : memref<!tpu.dma_semaphore, #tpu.memory_space<semaphore_mem>>) src(%dma_wait3A_284 : memref<5000xf32, #tpu.memory_space<vmem>>) dst(%dma_wait3A_282 : memref<5000xf32, #tpu.memory_space<hbm>>)
    } else {
    }
    %add3A_242 = arith.constant 160 : i32
    %add3A_243 = arith.addi %mul3A_2, %add3A_242 : i32
    %sub3A_244 = arith.constant 4 : i32
    %sub3A_245 = arith.subi %add3A_243, %sub3A_244 : i32
    %add3A_246 = arith.constant 1 : i32
    %add3A_247 = arith.addi %sub3A_245, %add3A_246 : i32
    %lt3A_248 = arith.constant 5000 : i32
    %lt3A_249 = arith.cmpi slt, %add3A_247, %lt3A_248 : i32
    %convert_element_type3A_250 = arith.extui %lt3A_249 : i1 to i32
    %cond3A_251 = arith.constant 0 : i32
    %cond3A_252 = arith.cmpi ne, %convert_element_type3A_250, %cond3A_251 : i32
    scf.if %cond3A_252 {
      %add3A_275 = arith.constant 157 : i32
      %add3A_276 = arith.addi %mul3A_2, %add3A_275 : i32
      %mul3A_277 = arith.constant 5000 : i32
      %mul3A_278 = arith.muli %add3A_276, %mul3A_277 : i32
      %dma_wait3A_279 = arith.constant 0 : i32
      %dma_wait3A_280 = tpu.memref_slice %arg28[%dma_wait3A_279] : memref<5120xf32, #tpu.memory_space<vmem>> -> memref<5000xf32, #tpu.memory_space<vmem>>
      %dma_wait3A_281 = tpu.memref_slice %arg10[%mul3A_278] : memref<25000000xf32, #tpu.memory_space<hbm>> -> memref<5000xf32, #tpu.memory_space<hbm>>
      %dma_wait3A_282 = tpu.memref_slice %arg10[%mul3A_278] : memref<25000000xf32, #tpu.memory_space<hbm>> -> memref<5000xf32, #tpu.memory_space<hbm>>
      %dma_wait3A_283 = arith.constant 0 : i32
      %dma_wait3A_284 = tpu.memref_slice %arg28[%dma_wait3A_283] : memref<5120xf32, #tpu.memory_space<vmem>> -> memref<5000xf32, #tpu.memory_space<vmem>>
      tpu.wait_dma2 semaphore(%arg36 : memref<!tpu.dma_semaphore, #tpu.memory_space<semaphore_mem>>) src(%dma_wait3A_284 : memref<5000xf32, #tpu.memory_space<vmem>>) dst(%dma_wait3A_282 : memref<5000xf32, #tpu.memory_space<hbm>>)
    } else {
    }
    %add3A_253 = arith.constant 160 : i32
    %add3A_254 = arith.addi %mul3A_2, %add3A_253 : i32
    %sub3A_255 = arith.constant 4 : i32
    %sub3A_256 = arith.subi %add3A_254, %sub3A_255 : i32
    %add3A_257 = arith.constant 2 : i32
    %add3A_258 = arith.addi %sub3A_256, %add3A_257 : i32
    %lt3A_259 = arith.constant 5000 : i32
    %lt3A_260 = arith.cmpi slt, %add3A_258, %lt3A_259 : i32
    %convert_element_type3A_261 = arith.extui %lt3A_260 : i1 to i32
    %cond3A_262 = arith.constant 0 : i32
    %cond3A_263 = arith.cmpi ne, %convert_element_type3A_261, %cond3A_262 : i32
    scf.if %cond3A_263 {
      %add3A_275 = arith.constant 158 : i32
      %add3A_276 = arith.addi %mul3A_2, %add3A_275 : i32
      %mul3A_277 = arith.constant 5000 : i32
      %mul3A_278 = arith.muli %add3A_276, %mul3A_277 : i32
      %dma_wait3A_279 = arith.constant 0 : i32
      %dma_wait3A_280 = tpu.memref_slice %arg29[%dma_wait3A_279] : memref<5120xf32, #tpu.memory_space<vmem>> -> memref<5000xf32, #tpu.memory_space<vmem>>
      %dma_wait3A_281 = tpu.memref_slice %arg10[%mul3A_278] : memref<25000000xf32, #tpu.memory_space<hbm>> -> memref<5000xf32, #tpu.memory_space<hbm>>
      %dma_wait3A_282 = tpu.memref_slice %arg10[%mul3A_278] : memref<25000000xf32, #tpu.memory_space<hbm>> -> memref<5000xf32, #tpu.memory_space<hbm>>
      %dma_wait3A_283 = arith.constant 0 : i32
      %dma_wait3A_284 = tpu.memref_slice %arg29[%dma_wait3A_283] : memref<5120xf32, #tpu.memory_space<vmem>> -> memref<5000xf32, #tpu.memory_space<vmem>>
      tpu.wait_dma2 semaphore(%arg37 : memref<!tpu.dma_semaphore, #tpu.memory_space<semaphore_mem>>) src(%dma_wait3A_284 : memref<5000xf32, #tpu.memory_space<vmem>>) dst(%dma_wait3A_282 : memref<5000xf32, #tpu.memory_space<hbm>>)
    } else {
    }
    %add3A_264 = arith.constant 160 : i32
    %add3A_265 = arith.addi %mul3A_2, %add3A_264 : i32
    %sub3A_266 = arith.constant 4 : i32
    %sub3A_267 = arith.subi %add3A_265, %sub3A_266 : i32
    %add3A_268 = arith.constant 3 : i32
    %add3A_269 = arith.addi %sub3A_267, %add3A_268 : i32
    %lt3A_270 = arith.constant 5000 : i32
    %lt3A_271 = arith.cmpi slt, %add3A_269, %lt3A_270 : i32
    %convert_element_type3A_272 = arith.extui %lt3A_271 : i1 to i32
    %cond3A_273 = arith.constant 0 : i32
    %cond3A_274 = arith.cmpi ne, %convert_element_type3A_272, %cond3A_273 : i32
    scf.if %cond3A_274 {
      %add3A_275 = arith.constant 159 : i32
      %add3A_276 = arith.addi %mul3A_2, %add3A_275 : i32
      %mul3A_277 = arith.constant 5000 : i32
      %mul3A_278 = arith.muli %add3A_276, %mul3A_277 : i32
      %dma_wait3A_279 = arith.constant 0 : i32
      %dma_wait3A_280 = tpu.memref_slice %arg30[%dma_wait3A_279] : memref<5120xf32, #tpu.memory_space<vmem>> -> memref<5000xf32, #tpu.memory_space<vmem>>
      %dma_wait3A_281 = tpu.memref_slice %arg10[%mul3A_278] : memref<25000000xf32, #tpu.memory_space<hbm>> -> memref<5000xf32, #tpu.memory_space<hbm>>
      %dma_wait3A_282 = tpu.memref_slice %arg10[%mul3A_278] : memref<25000000xf32, #tpu.memory_space<hbm>> -> memref<5000xf32, #tpu.memory_space<hbm>>
      %dma_wait3A_283 = arith.constant 0 : i32
      %dma_wait3A_284 = tpu.memref_slice %arg30[%dma_wait3A_283] : memref<5120xf32, #tpu.memory_space<vmem>> -> memref<5000xf32, #tpu.memory_space<vmem>>
      tpu.wait_dma2 semaphore(%arg38 : memref<!tpu.dma_semaphore, #tpu.memory_space<semaphore_mem>>) src(%dma_wait3A_284 : memref<5000xf32, #tpu.memory_space<vmem>>) dst(%dma_wait3A_282 : memref<5000xf32, #tpu.memory_space<hbm>>)
    } else {
    }
    return
  }
}

#map = affine_map<(d0, d1) -> (0)>
module attributes {stable_mosaic.version = 14 : i64} {
  func.func @_compact_body(%arg0: i32, %arg1: i32, %arg2: memref<10240xf32, #tpu.memory_space<hbm>>, %arg3: memref<16xf32, #tpu.memory_space<hbm>>, %arg4: memref<10240xf32, #tpu.memory_space<hbm>>, %arg5: memref<10240xi32, #tpu.memory_space<hbm>>, %arg6: memref<10240xf32, #tpu.memory_space<vmem>>, %arg7: memref<16xf32, #tpu.memory_space<vmem>>, %arg8: memref<16xi32, #tpu.memory_space<vmem>>, %arg9: memref<10240xf32, #tpu.memory_space<vmem>>, %arg10: memref<10240xi32, #tpu.memory_space<vmem>>) attributes {dimension_semantics = [#tpu.dimension_semantics<core_parallel>, #tpu.dimension_semantics<subcore_parallel>], iteration_bounds = array<i64: 2, 16>, scalar_prefetch = 0 : i64, scratch_operands = 5 : i64, tpu.core_type = #tpu.core_type<sc_vector_subcore>, window_params = [{transform_indices = #map}, {transform_indices = #map}, {transform_indices = #map}, {transform_indices = #map}]} {
    %mul3A = arith.constant 2 : i32
    %mul3A_0 = arith.muli %arg1, %mul3A : i32
    %add3A = arith.addi %mul3A_0, %arg0 : i32
    %eq3A = arith.constant 0 : i32
    %eq3A_1 = arith.cmpi eq, %add3A, %eq3A : i32
    %convert_element_type3A = arith.extui %eq3A_1 : i1 to i32
    %cond3A = arith.constant 0 : i32
    %cond3A_2 = arith.cmpi ne, %convert_element_type3A, %cond3A : i32
    scf.if %cond3A_2 {
      "tpu.region"() ({
        %run_scoped3A = tpu.sem_alloc : memref<!tpu.dma_semaphore, #tpu.memory_space<semaphore_mem>>
        tpu.enqueue_dma source(%arg2 : memref<10240xf32, #tpu.memory_space<hbm>>) target(%arg6 : memref<10240xf32, #tpu.memory_space<vmem>>) target_semaphore(%run_scoped3A : memref<!tpu.dma_semaphore, #tpu.memory_space<semaphore_mem>>)
        tpu.wait_dma2 semaphore(%run_scoped3A : memref<!tpu.dma_semaphore, #tpu.memory_space<semaphore_mem>>) src(%arg2 : memref<10240xf32, #tpu.memory_space<hbm>>) dst(%arg6 : memref<10240xf32, #tpu.memory_space<vmem>>)
        tpu.yield
      }) : () -> ()
      "tpu.region"() ({
        %run_scoped3A = tpu.sem_alloc : memref<!tpu.dma_semaphore, #tpu.memory_space<semaphore_mem>>
        tpu.enqueue_dma source(%arg3 : memref<16xf32, #tpu.memory_space<hbm>>) target(%arg7 : memref<16xf32, #tpu.memory_space<vmem>>) target_semaphore(%run_scoped3A : memref<!tpu.dma_semaphore, #tpu.memory_space<semaphore_mem>>)
        tpu.wait_dma2 semaphore(%run_scoped3A : memref<!tpu.dma_semaphore, #tpu.memory_space<semaphore_mem>>) src(%arg3 : memref<16xf32, #tpu.memory_space<hbm>>) dst(%arg7 : memref<16xf32, #tpu.memory_space<vmem>>)
        tpu.yield
      }) : () -> ()
      %get3A = arith.constant 0 : index
      %get3A_3 = tpu.vector_load %arg7[%get3A] {strides = array<i32>} : memref<16xf32, #tpu.memory_space<vmem>>, vector<16xf32>,
      %broadcast_in_dim3A = arith.constant -2.000000e+00 : f32
      %broadcast_in_dim3A_4 = vector.broadcast %broadcast_in_dim3A : f32 to vector<16xf32>
      %broadcast_in_dim3A_5 = arith.constant 0 : i32
      %broadcast_in_dim3A_6 = vector.broadcast %broadcast_in_dim3A_5 : i32 to vector<16xi32>
      %scan3A = arith.constant 0 : i32
      %scan3A_7 = arith.constant 0 : i32
      %scan3A_8 = arith.constant 640 : i32
      %scan3A_9 = arith.addi %scan3A_7, %scan3A_8 : i32
      %scan3A_10 = arith.constant 1 : i32
      scf.for %scan3A_20 = %scan3A_7 to %scan3A_9 step %scan3A_10  : i32 {
        %mul3A_21 = arith.constant 16 : i32
        %mul3A_22 = arith.muli %scan3A_20, %mul3A_21 : i32
        %swap3A = arith.index_cast %mul3A_22 : i32 to index
        %swap3A_23 = tpu.vector_load %arg9[%swap3A] {strides = array<i32>} : memref<10240xf32, #tpu.memory_space<vmem>>, vector<16xf32>,
        tpu.vector_store %arg9[%swap3A], %broadcast_in_dim3A_4 {strides = array<i32>} : memref<10240xf32, #tpu.memory_space<vmem>>, vector<16xf32>,
        %mul3A_24 = arith.constant 16 : i32
        %mul3A_25 = arith.muli %scan3A_20, %mul3A_24 : i32
        %swap3A_26 = arith.index_cast %mul3A_25 : i32 to index
        %swap3A_27 = tpu.vector_load %arg10[%swap3A_26] {strides = array<i32>} : memref<10240xi32, #tpu.memory_space<vmem>>, vector<16xi32>,
        tpu.vector_store %arg10[%swap3A_26], %broadcast_in_dim3A_6 {strides = array<i32>} : memref<10240xi32, #tpu.memory_space<vmem>>, vector<16xi32>,
      }
      %scan3A_11 = arith.constant 640 : i32
      %iota3A = tpu.iota {dimensions = array<i32: 0>} : vector<16xi32>
      %broadcast_in_dim3A_12 = arith.constant 0 : i32
      %broadcast_in_dim3A_13 = vector.broadcast %broadcast_in_dim3A_12 : i32 to vector<16xi32>
      %scan3A_14 = arith.constant 0 : i32
      %scan3A_15 = arith.constant 640 : i32
      %scan3A_16 = arith.addi %scan3A_14, %scan3A_15 : i32
      %scan3A_17 = arith.constant 1 : i32
      %scan3A_18 = scf.for %scan3A_20 = %scan3A_14 to %scan3A_16 step %scan3A_17 iter_args(%scan3A_21 = %broadcast_in_dim3A_13) -> (vector<16xi32>)  : i32 {
        %mul3A_22 = arith.constant 16 : i32
        %mul3A_23 = arith.muli %scan3A_20, %mul3A_22 : i32
        %get3A_24 = arith.index_cast %mul3A_23 : i32 to index
        %get3A_25 = tpu.vector_load %arg6[%get3A_24] {strides = array<i32>} : memref<10240xf32, #tpu.memory_space<vmem>>, vector<16xf32>,
        %ge3A = arith.cmpf oge, %get3A_25, %get3A_3 : vector<16xf32>
        %jit3A = arith.constant 1 : i32
        %jit3A_26 = arith.constant 0 : i32
        %broadcast_in_dim3A_27 = vector.broadcast %jit3A : i32 to vector<16xi32>
        %broadcast_in_dim3A_28 = vector.broadcast %jit3A_26 : i32 to vector<16xi32>
        %select_n3A = arith.select %ge3A, %broadcast_in_dim3A_27, %broadcast_in_dim3A_28 : vector<16xi1>, vector<16xi32>
        %swap3A = arith.constant 0 : index
        %swap3A_29 = tpu.vector_load %arg8[%swap3A] {strides = array<i32>} : memref<16xi32, #tpu.memory_space<vmem>>, vector<16xi32>,
        tpu.vector_store %arg8[%swap3A], %select_n3A {strides = array<i32>} : memref<16xi32, #tpu.memory_space<vmem>>, vector<16xi32>,
        %sub3A = arith.constant 1 : i32
        %sub3A_30 = vector.broadcast %sub3A : i32 to vector<16xi32>
        %sub3A_31 = arith.subi %iota3A, %sub3A_30 : vector<16xi32>
        %max3A = arith.constant 0 : i32
        %max3A_32 = vector.broadcast %max3A : i32 to vector<16xi32>
        %max3A_33 = arith.maxsi %sub3A_31, %max3A_32 : vector<16xi32>
        %gather3A = tpu.vector_load_idx %arg8[%max3A_33] : memref<16xi32, #tpu.memory_space<vmem>>[vector<16xi32>], vector<16xi32>,
        %ge3A_34 = arith.constant 1 : i32
        %ge3A_35 = vector.broadcast %ge3A_34 : i32 to vector<16xi32>
        %ge3A_36 = arith.cmpi sge, %iota3A, %ge3A_35 : vector<16xi32>
        %jit3A_37 = arith.constant 0 : i32
        %broadcast_in_dim3A_38 = vector.broadcast %jit3A_37 : i32 to vector<16xi32>
        %select_n3A_39 = arith.select %ge3A_36, %gather3A, %broadcast_in_dim3A_38 : vector<16xi1>, vector<16xi32>
        %add3A_40 = arith.addi %select_n3A, %select_n3A_39 : vector<16xi32>
        %swap3A_41 = arith.constant 0 : index
        %swap3A_42 = tpu.vector_load %arg8[%swap3A_41] {strides = array<i32>} : memref<16xi32, #tpu.memory_space<vmem>>, vector<16xi32>,
        tpu.vector_store %arg8[%swap3A_41], %add3A_40 {strides = array<i32>} : memref<16xi32, #tpu.memory_space<vmem>>, vector<16xi32>,
        %sub3A_43 = arith.constant 2 : i32
        %sub3A_44 = vector.broadcast %sub3A_43 : i32 to vector<16xi32>
        %sub3A_45 = arith.subi %iota3A, %sub3A_44 : vector<16xi32>
        %max3A_46 = arith.constant 0 : i32
        %max3A_47 = vector.broadcast %max3A_46 : i32 to vector<16xi32>
        %max3A_48 = arith.maxsi %sub3A_45, %max3A_47 : vector<16xi32>
        %gather3A_49 = tpu.vector_load_idx %arg8[%max3A_48] : memref<16xi32, #tpu.memory_space<vmem>>[vector<16xi32>], vector<16xi32>,
        %ge3A_50 = arith.constant 2 : i32
        %ge3A_51 = vector.broadcast %ge3A_50 : i32 to vector<16xi32>
        %ge3A_52 = arith.cmpi sge, %iota3A, %ge3A_51 : vector<16xi32>
        %jit3A_53 = arith.constant 0 : i32
        %broadcast_in_dim3A_54 = vector.broadcast %jit3A_53 : i32 to vector<16xi32>
        %select_n3A_55 = arith.select %ge3A_52, %gather3A_49, %broadcast_in_dim3A_54 : vector<16xi1>, vector<16xi32>
        %add3A_56 = arith.addi %add3A_40, %select_n3A_55 : vector<16xi32>
        %swap3A_57 = arith.constant 0 : index
        %swap3A_58 = tpu.vector_load %arg8[%swap3A_57] {strides = array<i32>} : memref<16xi32, #tpu.memory_space<vmem>>, vector<16xi32>,
        tpu.vector_store %arg8[%swap3A_57], %add3A_56 {strides = array<i32>} : memref<16xi32, #tpu.memory_space<vmem>>, vector<16xi32>,
        %sub3A_59 = arith.constant 4 : i32
        %sub3A_60 = vector.broadcast %sub3A_59 : i32 to vector<16xi32>
        %sub3A_61 = arith.subi %iota3A, %sub3A_60 : vector<16xi32>
        %max3A_62 = arith.constant 0 : i32
        %max3A_63 = vector.broadcast %max3A_62 : i32 to vector<16xi32>
        %max3A_64 = arith.maxsi %sub3A_61, %max3A_63 : vector<16xi32>
        %gather3A_65 = tpu.vector_load_idx %arg8[%max3A_64] : memref<16xi32, #tpu.memory_space<vmem>>[vector<16xi32>], vector<16xi32>,
        %ge3A_66 = arith.constant 4 : i32
        %ge3A_67 = vector.broadcast %ge3A_66 : i32 to vector<16xi32>
        %ge3A_68 = arith.cmpi sge, %iota3A, %ge3A_67 : vector<16xi32>
        %jit3A_69 = arith.constant 0 : i32
        %broadcast_in_dim3A_70 = vector.broadcast %jit3A_69 : i32 to vector<16xi32>
        %select_n3A_71 = arith.select %ge3A_68, %gather3A_65, %broadcast_in_dim3A_70 : vector<16xi1>, vector<16xi32>
        %add3A_72 = arith.addi %add3A_56, %select_n3A_71 : vector<16xi32>
        %swap3A_73 = arith.constant 0 : index
        %swap3A_74 = tpu.vector_load %arg8[%swap3A_73] {strides = array<i32>} : memref<16xi32, #tpu.memory_space<vmem>>, vector<16xi32>,
        tpu.vector_store %arg8[%swap3A_73], %add3A_72 {strides = array<i32>} : memref<16xi32, #tpu.memory_space<vmem>>, vector<16xi32>,
        %sub3A_75 = arith.constant 8 : i32
        %sub3A_76 = vector.broadcast %sub3A_75 : i32 to vector<16xi32>
        %sub3A_77 = arith.subi %iota3A, %sub3A_76 : vector<16xi32>
        %max3A_78 = arith.constant 0 : i32
        %max3A_79 = vector.broadcast %max3A_78 : i32 to vector<16xi32>
        %max3A_80 = arith.maxsi %sub3A_77, %max3A_79 : vector<16xi32>
        %gather3A_81 = tpu.vector_load_idx %arg8[%max3A_80] : memref<16xi32, #tpu.memory_space<vmem>>[vector<16xi32>], vector<16xi32>,
        %ge3A_82 = arith.constant 8 : i32
        %ge3A_83 = vector.broadcast %ge3A_82 : i32 to vector<16xi32>
        %ge3A_84 = arith.cmpi sge, %iota3A, %ge3A_83 : vector<16xi32>
        %jit3A_85 = arith.constant 0 : i32
        %broadcast_in_dim3A_86 = vector.broadcast %jit3A_85 : i32 to vector<16xi32>
        %select_n3A_87 = arith.select %ge3A_84, %gather3A_81, %broadcast_in_dim3A_86 : vector<16xi1>, vector<16xi32>
        %add3A_88 = arith.addi %add3A_72, %select_n3A_87 : vector<16xi32>
        %swap3A_89 = arith.constant 0 : index
        %swap3A_90 = tpu.vector_load %arg8[%swap3A_89] {strides = array<i32>} : memref<16xi32, #tpu.memory_space<vmem>>, vector<16xi32>,
        tpu.vector_store %arg8[%swap3A_89], %add3A_88 {strides = array<i32>} : memref<16xi32, #tpu.memory_space<vmem>>, vector<16xi32>,
        %sub3A_91 = arith.subi %add3A_88, %select_n3A : vector<16xi32>
        %add3A_92 = arith.addi %scan3A_21, %sub3A_91 : vector<16xi32>
        %mul3A_93 = arith.constant 16 : i32
        %mul3A_94 = arith.muli %scan3A_20, %mul3A_93 : i32
        %add3A_95 = vector.broadcast %mul3A_94 : i32 to vector<16xi32>
        %add3A_96 = arith.addi %iota3A, %add3A_95 : vector<16xi32>
        tpu.vector_store_idx %arg9[%add3A_92], %get3A_25 masked %ge3A : memref<10240xf32, #tpu.memory_space<vmem>>[vector<16xi32>], vector<16xf32>, vector<16xi1>
        tpu.vector_store_idx %arg10[%add3A_92], %add3A_96 masked %ge3A : memref<10240xi32, #tpu.memory_space<vmem>>[vector<16xi32>], vector<16xi32>, vector<16xi1>
        %broadcast_in_dim3A_97 = arith.constant 15 : i32
        %broadcast_in_dim3A_98 = vector.broadcast %broadcast_in_dim3A_97 : i32 to vector<16xi32>
        %gather3A_99 = tpu.vector_load_idx %arg8[%broadcast_in_dim3A_98] : memref<16xi32, #tpu.memory_space<vmem>>[vector<16xi32>], vector<16xi32>,
        %add3A_100 = arith.addi %scan3A_21, %gather3A_99 : vector<16xi32>
        scf.yield %add3A_100 : vector<16xi32>
      }
      %scan3A_19 = arith.constant 640 : i32
      "tpu.region"() ({
        %run_scoped3A = tpu.sem_alloc : memref<!tpu.dma_semaphore, #tpu.memory_space<semaphore_mem>>
        tpu.enqueue_dma source(%arg9 : memref<10240xf32, #tpu.memory_space<vmem>>) target(%arg4 : memref<10240xf32, #tpu.memory_space<hbm>>) target_semaphore(%run_scoped3A : memref<!tpu.dma_semaphore, #tpu.memory_space<semaphore_mem>>)
        tpu.wait_dma2 semaphore(%run_scoped3A : memref<!tpu.dma_semaphore, #tpu.memory_space<semaphore_mem>>) src(%arg9 : memref<10240xf32, #tpu.memory_space<vmem>>) dst(%arg4 : memref<10240xf32, #tpu.memory_space<hbm>>)
        tpu.yield
      }) : () -> ()
      "tpu.region"() ({
        %run_scoped3A = tpu.sem_alloc : memref<!tpu.dma_semaphore, #tpu.memory_space<semaphore_mem>>
        tpu.enqueue_dma source(%arg10 : memref<10240xi32, #tpu.memory_space<vmem>>) target(%arg5 : memref<10240xi32, #tpu.memory_space<hbm>>) target_semaphore(%run_scoped3A : memref<!tpu.dma_semaphore, #tpu.memory_space<semaphore_mem>>)
        tpu.wait_dma2 semaphore(%run_scoped3A : memref<!tpu.dma_semaphore, #tpu.memory_space<semaphore_mem>>) src(%arg10 : memref<10240xi32, #tpu.memory_space<vmem>>) dst(%arg5 : memref<10240xi32, #tpu.memory_space<hbm>>)
        tpu.yield
      }) : () -> ()
    } else {
    }
    return
  }
}

module attributes {stable_mosaic.version = 14 : i64} {
  func.func @_rank_body(%arg0: i32, %arg1: memref<2xi32, #tpu.memory_space<smem>>, %arg2: memref<256x1xf32, #tpu.memory_space<vmem>>, %arg3: memref<80x128xf32, #tpu.memory_space<vmem>>, %arg4: memref<256x1xi32, #tpu.memory_space<vmem>>) attributes {dimension_semantics = [#tpu.dimension_semantics<arbitrary>], iteration_bounds = array<i64: 40>, scalar_prefetch = 1 : i64, scratch_operands = 0 : i64, tpu.core_type = #tpu.core_type<tc>, window_params = [{transform_indices = @transform_0, window_bounds = array<i64: 256, 1>}, {pipeline_mode = #tpu.pipeline_mode<synchronous>, transform_indices = @transform_1, window_bounds = array<i64: 80, 128>}, {transform_indices = @transform_2, window_bounds = array<i64: 256, 1>}]} {
    %get3A = arith.constant 0 : index
    %get3A_0 = memref.load %arg1[%get3A] : memref<2xi32, #tpu.memory_space<smem>>
    %get3A_1 = arith.constant 1 : index
    %get3A_2 = memref.load %arg1[%get3A_1] : memref<2xi32, #tpu.memory_space<smem>>
    %mul3A = arith.constant 256 : i32
    %mul3A_3 = arith.muli %arg0, %mul3A : i32
    %lt3A = arith.cmpi slt, %mul3A_3, %get3A_0 : i32
    %convert_element_type3A = arith.extui %lt3A : i1 to i32
    %cond3A = arith.constant 0 : i32
    %cond3A_4 = arith.cmpi ne, %convert_element_type3A, %cond3A : i32
    scf.if %cond3A_4 {
      %get3A_5 = arith.constant 0 : index
      %get3A_6 = arith.constant 0 : index
      %get3A_7 = vector.load %arg2[%get3A_5, %get3A_6] : memref<256x1xf32, #tpu.memory_space<vmem>>, vector<256x1xf32>
      %broadcast_in_dim3A = vector.shape_cast %get3A_7 : vector<256x1xf32> to vector<256x1xf32>
      %broadcast_in_dim3A_8 = vector.broadcast %broadcast_in_dim3A : vector<256x1xf32> to vector<256x128xf32>
      %iota3A = tpu.iota {dimensions = array<i32: 0>} : vector<256x128xi32>
      %mul3A_9 = arith.constant 256 : i32
      %mul3A_10 = arith.muli %arg0, %mul3A_9 : i32
      %add3A = vector.broadcast %mul3A_10 : i32 to vector<256x128xi32>
      %add3A_11 = arith.addi %iota3A, %add3A : vector<256x128xi32>
      %iota3A_12 = tpu.iota {dimensions = array<i32: 1>} : vector<256x128xi32>
      %mul3A_13 = arith.constant 2 : i32
      %mul3A_14 = arith.muli %arg0, %mul3A_13 : i32
      %add3A_15 = arith.constant 2 : i32
      %add3A_16 = arith.addi %mul3A_14, %add3A_15 : i32
      %min3A = arith.minsi %add3A_16, %get3A_2 : i32
      %broadcast_in_dim3A_17 = arith.constant 0 : i32
      %broadcast_in_dim3A_18 = vector.broadcast %broadcast_in_dim3A_17 : i32 to vector<256x128xi32>
      %while3A = arith.constant 0 : i32
      %while3A_19 = arith.subi %mul3A_14, %while3A : i32
      %while3A_20 = arith.addi %while3A, %while3A_19 : i32
      %while3A_21 = arith.constant 1 : i32
      %while3A_22 = arith.divsi %while3A_19, %while3A_21 : i32
      %while3A_23 = arith.muli %while3A_22, %while3A_21 : i32
      %while3A_24 = arith.addi %while3A, %while3A_23 : i32
      %while3A_25 = arith.constant 1 : i32
      %while3A_26 = scf.for %while3A_53 = %while3A to %while3A_24 step %while3A_25 iter_args(%while3A_54 = %broadcast_in_dim3A_18) -> (vector<256x128xi32>)  : i32 {
        %get3A_55 = arith.index_cast %while3A_53 : i32 to index
        %get3A_56 = arith.constant 0 : index
        %get3A_57 = vector.load %arg3[%get3A_55, %get3A_56] : memref<80x128xf32, #tpu.memory_space<vmem>>, vector<1x128xf32>
        %broadcast_in_dim3A_58 = vector.shape_cast %get3A_57 : vector<1x128xf32> to vector<1x128xf32>
        %broadcast_in_dim3A_59 = vector.broadcast %broadcast_in_dim3A_58 : vector<1x128xf32> to vector<256x128xf32>
        %ge3A = arith.cmpf oge, %broadcast_in_dim3A_59, %broadcast_in_dim3A_8 : vector<256x128xf32>
        %convert_element_type3A_60 = arith.extui %ge3A : vector<256x128xi1> to vector<256x128xi32>
        %add3A_61 = arith.addi %while3A_54, %convert_element_type3A_60 : vector<256x128xi32>
        scf.yield %add3A_61 : vector<256x128xi32>
      }
      %while3A_27 = arith.constant 1 : i32
      %while3A_28 = scf.for %while3A_53 = %while3A_24 to %while3A_20 step %while3A_27 iter_args(%while3A_54 = %while3A_26) -> (vector<256x128xi32>)  : i32 {
        %get3A_55 = arith.index_cast %while3A_53 : i32 to index
        %get3A_56 = arith.constant 0 : index
        %get3A_57 = vector.load %arg3[%get3A_55, %get3A_56] : memref<80x128xf32, #tpu.memory_space<vmem>>, vector<1x128xf32>
        %broadcast_in_dim3A_58 = vector.shape_cast %get3A_57 : vector<1x128xf32> to vector<1x128xf32>
        %broadcast_in_dim3A_59 = vector.broadcast %broadcast_in_dim3A_58 : vector<1x128xf32> to vector<256x128xf32>
        %ge3A = arith.cmpf oge, %broadcast_in_dim3A_59, %broadcast_in_dim3A_8 : vector<256x128xf32>
        %convert_element_type3A_60 = arith.extui %ge3A : vector<256x128xi1> to vector<256x128xi32>
        %add3A_61 = arith.addi %while3A_54, %convert_element_type3A_60 : vector<256x128xi32>
        scf.yield %add3A_61 : vector<256x128xi32>
      }
      %while3A_29 = arith.subi %min3A, %mul3A_14 : i32
      %while3A_30 = arith.addi %mul3A_14, %while3A_29 : i32
      %while3A_31 = arith.constant 1 : i32
      %while3A_32 = arith.divsi %while3A_29, %while3A_31 : i32
      %while3A_33 = arith.muli %while3A_32, %while3A_31 : i32
      %while3A_34 = arith.addi %mul3A_14, %while3A_33 : i32
      %while3A_35 = arith.constant 1 : i32
      %while3A_36 = scf.for %while3A_53 = %mul3A_14 to %while3A_34 step %while3A_35 iter_args(%while3A_54 = %while3A_28) -> (vector<256x128xi32>)  : i32 {
        %get3A_55 = arith.index_cast %while3A_53 : i32 to index
        %get3A_56 = arith.constant 0 : index
        %get3A_57 = vector.load %arg3[%get3A_55, %get3A_56] : memref<80x128xf32, #tpu.memory_space<vmem>>, vector<1x128xf32>
        %broadcast_in_dim3A_58 = vector.shape_cast %get3A_57 : vector<1x128xf32> to vector<1x128xf32>
        %broadcast_in_dim3A_59 = vector.broadcast %broadcast_in_dim3A_58 : vector<1x128xf32> to vector<256x128xf32>
        %mul3A_60 = arith.constant 128 : i32
        %mul3A_61 = arith.muli %while3A_53, %mul3A_60 : i32
        %add3A_62 = vector.broadcast %mul3A_61 : i32 to vector<256x128xi32>
        %add3A_63 = arith.addi %iota3A_12, %add3A_62 : vector<256x128xi32>
        %gt3A = arith.cmpf ogt, %broadcast_in_dim3A_59, %broadcast_in_dim3A_8 : vector<256x128xf32>
        %eq3A = arith.cmpf oeq, %broadcast_in_dim3A_59, %broadcast_in_dim3A_8 : vector<256x128xf32>
        %lt3A_64 = arith.cmpi slt, %add3A_63, %add3A_11 : vector<256x128xi32>
        %and3A = arith.andi %eq3A, %lt3A_64 : vector<256x128xi1>
        %or3A = arith.ori %gt3A, %and3A : vector<256x128xi1>
        %convert_element_type3A_65 = arith.extui %or3A : vector<256x128xi1> to vector<256x128xi32>
        %add3A_66 = arith.addi %while3A_54, %convert_element_type3A_65 : vector<256x128xi32>
        scf.yield %add3A_66 : vector<256x128xi32>
      }
      %while3A_37 = arith.constant 1 : i32
      %while3A_38 = scf.for %while3A_53 = %while3A_34 to %while3A_30 step %while3A_37 iter_args(%while3A_54 = %while3A_36) -> (vector<256x128xi32>)  : i32 {
        %get3A_55 = arith.index_cast %while3A_53 : i32 to index
        %get3A_56 = arith.constant 0 : index
        %get3A_57 = vector.load %arg3[%get3A_55, %get3A_56] : memref<80x128xf32, #tpu.memory_space<vmem>>, vector<1x128xf32>
        %broadcast_in_dim3A_58 = vector.shape_cast %get3A_57 : vector<1x128xf32> to vector<1x128xf32>
        %broadcast_in_dim3A_59 = vector.broadcast %broadcast_in_dim3A_58 : vector<1x128xf32> to vector<256x128xf32>
        %mul3A_60 = arith.constant 128 : i32
        %mul3A_61 = arith.muli %while3A_53, %mul3A_60 : i32
        %add3A_62 = vector.broadcast %mul3A_61 : i32 to vector<256x128xi32>
        %add3A_63 = arith.addi %iota3A_12, %add3A_62 : vector<256x128xi32>
        %gt3A = arith.cmpf ogt, %broadcast_in_dim3A_59, %broadcast_in_dim3A_8 : vector<256x128xf32>
        %eq3A = arith.cmpf oeq, %broadcast_in_dim3A_59, %broadcast_in_dim3A_8 : vector<256x128xf32>
        %lt3A_64 = arith.cmpi slt, %add3A_63, %add3A_11 : vector<256x128xi32>
        %and3A = arith.andi %eq3A, %lt3A_64 : vector<256x128xi1>
        %or3A = arith.ori %gt3A, %and3A : vector<256x128xi1>
        %convert_element_type3A_65 = arith.extui %or3A : vector<256x128xi1> to vector<256x128xi32>
        %add3A_66 = arith.addi %while3A_54, %convert_element_type3A_65 : vector<256x128xi32>
        scf.yield %add3A_66 : vector<256x128xi32>
      }
      %while3A_39 = arith.subi %get3A_2, %min3A : i32
      %while3A_40 = arith.addi %min3A, %while3A_39 : i32
      %while3A_41 = arith.constant 1 : i32
      %while3A_42 = arith.divsi %while3A_39, %while3A_41 : i32
      %while3A_43 = arith.muli %while3A_42, %while3A_41 : i32
      %while3A_44 = arith.addi %min3A, %while3A_43 : i32
      %while3A_45 = arith.constant 1 : i32
      %while3A_46 = scf.for %while3A_53 = %min3A to %while3A_44 step %while3A_45 iter_args(%while3A_54 = %while3A_38) -> (vector<256x128xi32>)  : i32 {
        %get3A_55 = arith.index_cast %while3A_53 : i32 to index
        %get3A_56 = arith.constant 0 : index
        %get3A_57 = vector.load %arg3[%get3A_55, %get3A_56] : memref<80x128xf32, #tpu.memory_space<vmem>>, vector<1x128xf32>
        %broadcast_in_dim3A_58 = vector.shape_cast %get3A_57 : vector<1x128xf32> to vector<1x128xf32>
        %broadcast_in_dim3A_59 = vector.broadcast %broadcast_in_dim3A_58 : vector<1x128xf32> to vector<256x128xf32>
        %gt3A = arith.cmpf ogt, %broadcast_in_dim3A_59, %broadcast_in_dim3A_8 : vector<256x128xf32>
        %convert_element_type3A_60 = arith.extui %gt3A : vector<256x128xi1> to vector<256x128xi32>
        %add3A_61 = arith.addi %while3A_54, %convert_element_type3A_60 : vector<256x128xi32>
        scf.yield %add3A_61 : vector<256x128xi32>
      }
      %while3A_47 = arith.constant 1 : i32
      %while3A_48 = scf.for %while3A_53 = %while3A_44 to %while3A_40 step %while3A_47 iter_args(%while3A_54 = %while3A_46) -> (vector<256x128xi32>)  : i32 {
        %get3A_55 = arith.index_cast %while3A_53 : i32 to index
        %get3A_56 = arith.constant 0 : index
        %get3A_57 = vector.load %arg3[%get3A_55, %get3A_56] : memref<80x128xf32, #tpu.memory_space<vmem>>, vector<1x128xf32>
        %broadcast_in_dim3A_58 = vector.shape_cast %get3A_57 : vector<1x128xf32> to vector<1x128xf32>
        %broadcast_in_dim3A_59 = vector.broadcast %broadcast_in_dim3A_58 : vector<1x128xf32> to vector<256x128xf32>
        %gt3A = arith.cmpf ogt, %broadcast_in_dim3A_59, %broadcast_in_dim3A_8 : vector<256x128xf32>
        %convert_element_type3A_60 = arith.extui %gt3A : vector<256x128xi1> to vector<256x128xi32>
        %add3A_61 = arith.addi %while3A_54, %convert_element_type3A_60 : vector<256x128xi32>
        scf.yield %add3A_61 : vector<256x128xi32>
      }
      %reduce_sum3A = arith.constant dense<0> : vector<256xi32>
      %reduce_sum3A_49 = vector.multi_reduction <add>, %while3A_48, %reduce_sum3A [1] : vector<256x128xi32> to vector<256xi32>
      %broadcast_in_dim3A_50 = vector.shape_cast %reduce_sum3A_49 : vector<256xi32> to vector<256x1xi32>
      %swap3A = arith.constant 0 : index
      %swap3A_51 = arith.constant 0 : index
      %swap3A_52 = vector.load %arg4[%swap3A, %swap3A_51] : memref<256x1xi32, #tpu.memory_space<vmem>>, vector<256x1xi32>
      tpu.vector_store %arg4[%swap3A, %swap3A_51], %broadcast_in_dim3A_50 {strides = array<i32>} : memref<256x1xi32, #tpu.memory_space<vmem>>, vector<256x1xi32>,
    } else {
    }
    return
  }
  func.func @transform_0(%arg0: i32, %arg1: memref<2xi32, #tpu.memory_space<smem>>) -> (i32, i32) {
    %c0_i32 = arith.constant 0 : i32
    %c0_i32_0 = arith.constant 0 : i32
    return %arg0, %c0_i32 : i32, i32
  }
  func.func @transform_1(%arg0: i32, %arg1: memref<2xi32, #tpu.memory_space<smem>>) -> (i32, i32) {
    %c0_i32 = arith.constant 0 : i32
    %c0_i32_0 = arith.constant 0 : i32
    %c0_i32_1 = arith.constant 0 : i32
    return %c0_i32, %c0_i32_0 : i32, i32
  }
  func.func @transform_2(%arg0: i32, %arg1: memref<2xi32, #tpu.memory_space<smem>>) -> (i32, i32) {
    %c0_i32 = arith.constant 0 : i32
    %c0_i32_0 = arith.constant 0 : i32
    return %arg0, %c0_i32 : i32, i32
  }
}

</mosaic_0001>

<sc_bundles>
// kernel: kernel.5.cloned.1.call-start
scs
__scs_entry_jumppad:
0x0: {  	(pc) =	sbr.rel $0x88, $3  }
0x1: {  	(tag) =	ssettag $0x0;
	lr =	simm.s32 $0x1  }
0x2: {  	[smem:$0x3F9E] =	sst lr;
	_ =	strace $0xD0000000  }
0x3: {  	_ = 	snop  }
0x4: {  	_ = 	snop  }
0x5: {  	_ = 	snop  }
0x6: {  	_ = 	snop  }
0x7: {  	_ = 	snop  }
__scs_overlays_trampoline_lowered:
0x8: {  	[smem:$0x3FAD] =	sst s0  }
0x9: {  	[smem:$0x3FAE] =	sst s1  }
0xa: {  	[smem:$0x3FAF] =	sst s2  }
0xb: {  	[smem:$0x3FB0] =	sst s3  }
0xc: {  	[smem:$0x3FB1] =	sst s4  }
0xd: {  	[smem:$0x3FB2] =	sst s5  }
0xe: {  	[smem:$0x3FB3] =	sst s6  }
0xf: {  	[smem:$0x3FB4] =	sst s7  }
0x10: {  	[smem:$0x3FB5] =	sst s8  }
0x11: {  	[smem:$0x3FB6] =	sst s9;
	s0 =	simm.s32 @!p0 $0x0  }
0x12: {  	s1 =	sld [smem:$0x3F9C];
	s0 =	simm.s32 @p0 $0x1  }
0x13: {  	[smem:$0x3FB7] =	sst s0;
	s0 =	simm.s32 @!p1 $0x0  }
0x14: {  	s2 =	sld [smem:$0x3F9B];
	s0 =	simm.s32 @p1 $0x1  }
0x15: {  	[smem:$0x3FB8] =	sst s0;
	s0 =	simm.s32 @!p2 $0x0  }
0x16: {  	s3 =	sld [smem:$0x3FDB];
	s0 =	simm.s32 @p2 $0x1  }
0x17: {  	s4 =	simm.s32 $0x1BF5;
	[smem:$0x3FBA] =	sst s0  }
0x18: {  	s0 =	sld [smem:$0x3F9D];
	_ =	swait.ge [sflag:s4], $0x0  }
0x19: {  	s7 =	sld [smem:$0x3F9E]  }
0x1a: {  	s8 =	sadd.s32 $0xFFFFE003, lr  }
0x1b: {  	s9 =	sadd.s32 $0xFFFFFEF7, lr;
	s5 =	simm.s32 $0xFFFFFFFF;
	p2 =	slt.u32 s8, $0xFFFFF086  }
0x1c: {  	p1 =	slt.u32 s9, $0xF7A;
	s5 =	simm.s32 @!p2 $0x0  }
0x1d: {  	s5 =	simm.s32 @p1 $0x1;
	p0 =	seq.s32 s7, s2  }
0x1e: {  	s7 =	smul.u32 @!p0 $0xF7A, s2;
	p2 =	seq.s32 @!p0 s5, $0x0  }
0x1f: {  	s9 =	smul.u32 $0xF7A, s1;
	s8 =	simm.s32 @!p0 $0x1BF5;
	p2 =	por !p2, p0  }
0x20: {  	[sflag:s8] =	ssyncset.s32 @!p0 $0xFFFFF086;
	s6 =	sadd.s32 @!p0 s3, s7;
	s7 =	simm.s32 @!p0 $0x108  }
0x21: {  	s3 =	sadd.s32 s3, s9;
	s6 =	sadd.s32 @!p0 $0x88, s6;
	s7 =	simm.s32 @p2 $0x1082  }
0x22: {  	[simem:s7], [sflag:s8] =	dma.local @!p0 [hbm:s6], $0xF7A  }
0x23: {  	s9 =	sor.u32 $0xD0000000, s2;
	s6 =	simm.s32 $0x108;
	_ =	swait.ge @!p0 [sflag:s8], $0x0  }
0x24: {  	s3 =	sadd.s32 $0x88, s3;
	s6 =	simm.s32 @!p1 $0x1082;
	[sflag:s4] =	ssyncset.s32 $0xFFFFF086  }
0x25: {  	[simem:s6], [sflag:s4] =	dma.local [hbm:s3], $0xF7A  }
0x26: {  	[smem:$0x3F9E] =	sst s1;
	(tag) =	ssettag s2;
	_ =	strace s9  }
0x27: {  	s1 =	sld [smem:$0x3FAE]  }
0x28: {  	s2 =	sld [smem:$0x3FAF]  }
0x29: {  	s4 =	sld [smem:$0x3FB1]  }
0x2a: {  	p0 =	seq.s32 s5, $0x0;
	s5 =	sld [smem:$0x3FB2]  }
0x2b: {  	s6 =	sld [smem:$0x3FB3]  }
0x2c: {  	s7 =	sld [smem:$0x3FB4]  }
0x2d: {  	s3 =	simm.s32 $0x108;
	s8 =	sld [smem:$0x3FB5]  }
0x2e: {  	s3 =	simm.s32 @!p0 $0x1082;
	s9 =	sld [smem:$0x3FB6]  }
0x2f: {  	lr =	sadd.s32 s0, s3;
	s0 =	sld [smem:$0x3FAD]  }
0x30: {  	s3 =	sld [smem:$0x3FB0]  }
0x31: {  	[smem:$0x3FB9] =	sst s10  }
0x32: {  	s10 =	sld [smem:$0x3FB7];
	_ =	sdelay $0x3  }
0x33: {  	p0 =	seq.s32 s10, $0x1;
	s10 =	sld [smem:$0x3FB9];
	_ =	sdelay $0x3  }
0x34: {  	[smem:$0x3FB9] =	sst s10  }
0x35: {  	s10 =	sld [smem:$0x3FB8];
	_ =	sdelay $0x3  }
0x36: {  	p1 =	seq.s32 s10, $0x1;
	s10 =	sld [smem:$0x3FB9];
	_ =	sdelay $0x3  }
0x37: {  	[smem:$0x3FB9] =	sst s10  }
0x38: {  	s10 =	sld [smem:$0x3FBA]  }
0x39: {  	_ = 	snop;
	(pc) =	sbr.ind lr, $3  }
0x3a: {  	_ = 	snop  }
0x3b: {  	_ = 	snop  }
0x3c: {  	p2 =	seq.s32 s10, $0x1;
	s10 =	sld [smem:$0x3FB9]  }
0x3d: {  	_ =	shalt  }
0x3e: {  	_ =	shalt  }
0x3f: {  	_ =	shalt  }
0x40: {  	_ =	shalt  }
0x41: {  	_ =	shalt  }
0x42: {  	_ =	shalt  }
0x43: {  	_ =	shalt  }
0x44: {  	_ =	shalt  }
0x45: {  	_ =	shalt  }
0x46: {  	_ =	shalt  }
0x47: {  	_ =	shalt  }
0x48: {  	_ =	shalt  }
0x49: {  	_ =	shalt  }
0x4a: {  	_ =	shalt  }
0x4b: {  	_ =	shalt  }
0x4c: {  	_ =	shalt  }
0x4d: {  	_ =	shalt  }
0x4e: {  	_ =	shalt  }
0x4f: {  	_ =	shalt  }
0x50: {  	_ =	shalt  }
0x51: {  	_ =	shalt  }
0x52: {  	_ =	shalt  }
0x53: {  	_ =	shalt  }
0x54: {  	_ =	shalt  }
0x55: {  	_ =	shalt  }
0x56: {  	_ =	shalt  }
0x57: {  	_ =	shalt  }
0x58: {  	_ =	shalt  }
0x59: {  	_ =	shalt  }
0x5a: {  	_ =	shalt  }
0x5b: {  	_ =	shalt  }
0x5c: {  	_ =	shalt  }
0x5d: {  	_ =	shalt  }
0x5e: {  	_ =	shalt  }
0x5f: {  	_ =	shalt  }
0x60: {  	_ =	shalt  }
0x61: {  	_ =	shalt  }
0x62: {  	_ =	shalt  }
0x63: {  	_ =	shalt  }
0x64: {  	_ =	shalt  }
0x65: {  	_ =	shalt  }
0x66: {  	_ =	shalt  }
0x67: {  	_ =	shalt  }
0x68: {  	_ =	shalt  }
0x69: {  	_ =	shalt  }
0x6a: {  	_ =	shalt  }
0x6b: {  	_ =	shalt  }
0x6c: {  	_ =	shalt  }
0x6d: {  	_ =	shalt  }
0x6e: {  	_ =	shalt  }
0x6f: {  	_ =	shalt  }
0x70: {  	_ =	shalt  }
0x71: {  	_ =	shalt  }
0x72: {  	_ =	shalt  }
0x73: {  	_ =	shalt  }
0x74: {  	_ =	shalt  }
0x75: {  	_ =	shalt  }
0x76: {  	_ =	shalt  }
0x77: {  	_ =	shalt  }
0x78: {  	_ =	shalt  }
0x79: {  	_ =	shalt  }
0x7a: {  	_ =	shalt  }
0x7b: {  	_ =	shalt  }
0x7c: {  	_ =	shalt  }
0x7d: {  	_ =	shalt  }
0x7e: {  	_ =	shalt  }
0x7f: {  	_ =	shalt  }
0x80: {  	_ =	shalt  }
0x81: {  	_ =	shalt  }
0x82: {  	_ =	shalt  }
0x83: {  	_ =	shalt  }
0x84: {  	_ =	shalt  }
0x85: {  	_ =	shalt  }
0x86: {  	_ =	shalt  }
0x87: {  	_ =	shalt  }
.Lfunc_end0:
.L_simem_size_0:
called_computation_lowered:
.L_overlay_start_0:
0x88: {  	s2 =	sld [smem:$0x3FD9]  }
0x89: {  	s3 =	sld [smem:$0x3FFE];
	_ =	sdelay $0x1  }
0x8a: {  	s1 =	srdreg.scid  }
0x8b: {  	s0 =	sand.u32 $0x1, s1  }
0x8c: {  	s14 =	sshll.u32 s0, $0xA;
	s2 =	sadd.s32 s3, s2  }
0x8d: {  	s2 =	sadd.s32 s2, s14  }
0x8e: {  	[smem:$0x3FC5] =	sst s2  }
0x8f: {  	_ = 	snop  }
0x90: {  	s2 =	sld [smem:$0x3FD0];
	_ =	sdelay $0x2  }
0x91: {  	s15 =	simm.s32 $0xA;
	s4 =	simm.s32 $0x10  }
0x92: {  	[smem:s4], [sflag:s15] =	dma.local [hbm:s2], $0x1  }
0x93: {  	_ =	swait.eq [sflag:s15], $0x1  }
0x94: {  	[sflag:s15] =	ssyncset.done $0x0  }
0x95: {  	[sflag:s15] =	ssyncadd.s32 $0xFFFFFFFF  }
0x96: {  	s16 =	sld [smem:$0x10];
	(tm) =	ssettm $0x1  }
0x97: {  	s17 =	sld [smem:$0x3FFB];
	_ =	sdelay $0x3  }
0x98: {  	_ =	strace s17  }
0x99: {  	s3 =	sld [smem:$0x3FFC];
	_ =	sdelay $0x3  }
0x9a: {  	_ =	strace s3  }
0x9b: {  	s3 =	sld [smem:$0x3FFD];
	_ =	sdelay $0x3  }
0x9c: {  	_ =	strace s3  }
0x9d: {  	_ =	strace $0x8FFFFFFF  }
0x9e: {  	s18 =	sld [smem:$0x3FDB];
	_ =	sdelay $0x1  }
0x9f: {  	s19 =	simm.s32 $_scs_section_size  }
0xa0: {  	s5 =	simm.s32 $_size__tile_overlayer_lowered;
	s6 =	simm.s32 $_tile_overlayer_lowered  }
0xa1: {  	s22 =	simm.s32 $0x1BFF;
	s21 =	sshll.u32 s6, $0x1;
	s3 =	sadd.s32 s19, s18  }
0xa2: {  	s7 =	simm.s32 $0x0;
	s20 =	sshll.u32 s5, $0x1;
	s5 =	sadd.s32 s21, s3  }
0xa3: {  	[timem:s7], [sflag:s22] =	dma.local [hbm:s5], s20  }
0xa4: {  	_ =	swait.ge [sflag:s22], s20  }
0xa5: {  	s4 =	ssub.s32 $0x0, s20;
	[sflag:s22] =	ssyncset.done $0x0  }
0xa6: {  	[sflag:s22] =	ssyncadd.s32 s4;
	_ =	sdelay $0x1  }
0xa7: {  	s23 =	simm.s32 $0x1B8B  }
0xa8: {  	_ =	swait.ge [sflag:s23], $0x1  }
0xa9: {  	[sflag:s23] =	ssyncset.done $0x0  }
0xaa: {  	s25 =	simm.s32 $0x1B8E;
	s24 =	sld [smem:$0x3FFE];
	[sflag:s23] =	ssyncadd.s32 $0xFFFFFFFF  }
0xab: {  	s26 =	simm.s32 $execute0_lowered;
	[smem:$0x3FD2] =	sst s25  }
0xac: {  	s5 =	sshll.u32 s26, $0x1;
	_ =	strace $0x80000046;
	[dreg:$0x1] =	wrdreg $0xFFFFFFFF  }
0xad: {  	s28 =	simm.s32 $_size_execute0_lowered;
	s3 =	sadd.s32 s3, s5;
	[dreg:$0x0] =	wrdreg $0x0  }
0xae: {  	s5 =	sshll.u32 s28, $0x1;
	[dreg:$0x2] =	wrdreg s3  }
0xaf: {  	[dreg:$0x3] =	wrdreg s5  }
0xb0: {  	[dreg:$0x4] =	wrdreg $0xC0  }
0xb1: {  	_ =	task [dreg:s7], $0x5FFFF  }
0xb2: {  	[dreg:$0x1] =	wrdreg $0xFFFFFFFF  }
0xb3: {  	[dreg:$0x0] =	wrdreg $0x60  }
0xb4: {  	[dreg:$0x2] =	wrdreg s16  }
0xb5: {  	[dreg:$0x3] =	wrdreg s24  }
0xb6: {  	[dreg:$0x4] =	wrdreg $0x9  }
0xb7: {  	_ =	task.clear_ibuf [dreg:s7], $0x5FFFF;
	_ =	strace $0x90000046  }
0xb8: {  	s29 =	simm.s32 $0x9;
	_ =	strace $0x80000048  }
0xb9: {  	_ =	swait.ge [sflag:s29], $0x1  }
0xba: {  	[sflag:s29] =	ssyncadd.s32 $0xFFFFFFFF  }
0xbb: {  	_ =	strace $0x90000048  }
0xbc: {  	_ =	sfence  }
0xbd: {  	s30 =	sld [smem:$0x0];
	_ =	sdelay $0x2  }
0xbe: {  	s31 =	sshll.u32 s1, $0xD;
	s1 =	sshrl.u32 s1, $0x2  }
0xbf: {  	s3 =	sand.u32 $0x4000, s31;
	s1 =	sadd.s32 s1, s30  }
0xc0: {  	s0 =	sor.u32 s3, s0;
	s1 =	sshll.u32 s1, $0x11  }
0xc1: {  	s0 =	sor.u32 s1, s0  }
0xc2: {  	s0 =	sadd.s32 $0x8F2B, s0  }
0xc3: {  	[sflag:s0] =	ssyncadd.remote.s32 $0x1  }
0xc4: {  	_ =	sfence.sel $0xFFFF  }
0xc5: {  	[dreg:$0x0] =	wrdreg $0xFFFFFFFF;
	(pc) =	sbr.abs _section_cstart, $3  }
0xc6: {  	[dreg:$0x1] =	wrdreg $0xFFFFFFFF  }
0xc7: {  	_ =	task.clear_ibuf [dreg:s7], $0x2FFFF;
	_ =	strace $0x9FFFFFFF  }
0xc8: {  	(tm) =	ssettm $0x7FFFFFFF  }
0xc9: {  	_ =	shalt  }
tec
execute0_lowered:
.L_overlay_start_1:
0x0: {  	(tag) =	ssettag $0x1  }
0x1: {  	s0 =	srdreg.scid  }
0x2: {  	s4 =	sand.u32 $0x1, s0;
	s0 =	stileid.u32  }
0x3: {  	s5 =	sshll.u32 s0, $0x1;
	s6 =	ssub.s32 $0x0, s4  }
0x4: {  	p0 =	sne.s32 s5, s6  }
.Ltmp0:
0x5: {  	_ = 	snop;
	(pc) =	sbr.rel @p0 .LBB2_7-.Ltmp0, $4  }
0x6: {  	_ = 	snop  }
0x7: {  	s2 =	rddreg [dreg:$0x0]  }
0x8: {  	s3 =	rddreg [dreg:$0x1]  }
0x9: {  	s1 =	rddreg [dreg:$0x2];
	_ =	strace $0x80000047  }
0xa: {  	v0 =	vimm.s32 $0xEDCBA987  }
0xb: {  	v1 =	vimm.s32 $0x65432100;
	v3 =	vimm.s32 $0x54321000;
	v4 =	vimm.s32 $0xDCBA9876  }
0xc: {  	v5 =	vimm.s32 $0xBA987654;
	v6 =	vimm.s32 $0x32100000;
	v7 =	vimm.s32 $0xE40000  }
0xd: {  	vm0 =	vmmov $0x3;
	vm1 =	vmmov $0xf;
	v0 =	vunpack.c.l.s4.s8 v0  }
0xe: {  	v1 =	vunpack.c.l.s4.s8 v1;
	v3 =	vunpack.c.l.s4.s8 v3;
	v4 =	vunpack.c.l.s4.s8 v4  }
0xf: {  	v5 =	vunpack.c.l.s4.s8 v5;
	v6 =	vunpack.c.l.s4.s8 v6;
	v7 =	vunpack.c.l.s2.s4 v7  }
0x10: {  	v2 =	vunpack.c.0.s8.s32 v0;
	v1 =	vunpack.c.0.s8.s32 v1;
	v4 =	vunpack.c.0.s8.s32 v4  }
0x11: {  	v3 =	vunpack.c.0.s8.s32 v3;
	v5 =	vunpack.c.0.s8.s32 v5;
	v7 =	vunpack.c.l.s4.s8 v7  }
0x12: {  	v6 =	vunpack.c.0.s8.s32 v6;
	v2 =	vand.u32 $0xF, v2;
	v4 =	vand.u32 $0xF, v4  }
0x13: {  	s5 =	ssub.s32 $0x2, s4;
	v7 =	vunpack.c.0.s8.s32 v7;
	v3 =	vcombine.low v3, v4;
	v4 =	vand.u32 $0xF, v5  }
0x14: {  	s4 =	sadd.s32 $0x200, s3;
	s7 =	simm.s32 $0x0;
	s8 =	simm.s32 $0x1;
	v1 =	vcombine.low v1, v2;
	v4 =	vcombine.low v6, v4;
	v6 =	vimm.s32 $0x7060504  }
0x15: {  	s9 =	simm.s32 $0x2800;
	s10 =	simm.s32 $0x2880;
	vm2 =	vcmask $0x3F30;
	s6 =	sshrl.u32 s5, $0x1;
	v0 =	vimm.f32 $-2.000000000e+00;
	v6 =	vunpack.c.0.s8.s32 v6  }
0x16: {  	s11 =	simm.s32 $0x2900;
	s12 =	simm.s32 $0x5100;
	s6 =	ssub.s32 s5, s6;
	v2 =	vimm.s32 $0x0;
	v5 =	vlaneseq.u32;
	v7 =	vand.u32 $0x3, v7  }
0x17: {  	s13 =	simm.s32 $0x0;
	s5 =	sadd.s32 $0x800, s3;
	s6 =	smax.u32 s6, $0x1;
	v6 =	vsel vm2, v6, v7;
	vm2 =	vmmov $0xff;
	v7 =	vimm.s32 $0xF  }
.LBB2_2:
0x18: {  	[tilespmem:s7], [sflag:$0x1] =	stream.linear.gather [hbm4b:s2+s7], $0x2800, $0x38;
	[tilespmem:$0x7900] =	vst v63  }
0x19: {  	_ =	swait.ge [sflag:s8], $0x2800  }
0x1a: {  	[sflag:s8] =	ssyncset.done $0x0  }
0x1b: {  	[sflag:s8] =	ssyncadd.s32 $0xFFFFD800  }
0x1c: {  	[tilespmem:s9], [sflag:$0x1] =	stream.linear.gather [hbm4b:s3+s7], $0x80, $0x38;
	[tilespmem:$0x7900] =	vst v63  }
0x1d: {  	_ =	swait.ge [sflag:s8], $0x80  }
0x1e: {  	[sflag:s8] =	ssyncset.done $0x0  }
0x1f: {  	[sflag:s8] =	ssyncadd.s32 $0xFFFFFF80  }
0x20: {  	s14 =	simm.s32 $0x0;
	v9 =	vld [tilespmem:$0x2800]  }
.LBB2_3:
0x21: {  	p0 =	sne.s32 s14, $0x9FC0  }
.Ltmp1:
0x22: {  	_ = 	snop;
	(pc) =	sbr.rel @p0 .LBB2_3-.Ltmp1, $4  }
0x23: {  	_ = 	snop  }
0x24: {  	s15 =	sshra.s32 s14, $0x2  }
0x25: {  	v8 =	vimm.s32 $0x0;
	[tilespmem:s15+$0x2900] =	vst v0  }
0x26: {  	s14 =	sadd.s32 $0x40, s14;
	[tilespmem:s15+$0x5100] =	vst v8  }
0x27: {  	s14 =	simm.s32 $0x0  }
0x28: {  	v10 =	vld [tilespmem:s14+$0x0];
	_ =	sdelay $0x4  }
0x29: {  	vm4 =	vge.f32 v10, v9  }
0x2a: {  	v11 =	vsel vm4, $0x1, v2  }
0x2b: {  	[tilespmem:$0x2880] =	vst v11  }
0x2c: {  	v12 =	vld.idx.msk [tilespmem:v1+s10+$0x0], $0xffff;
	_ =	sdelay $0x3  }
0x2d: {  	vm3 =	veq.s32 v5, $0x0  }
0x2e: {  	v12 =	vsel vm3, $0x0, v12  }
0x2f: {  	v12 =	vadd.s32 v11, v12  }
0x30: {  	[tilespmem:$0x2880] =	vst v12  }
0x31: {  	v13 =	vld.idx.msk [tilespmem:v3+s10+$0x0], $0xffff;
	_ =	sdelay $0x4  }
0x32: {  	v13 =	vsel vm0, $0x0, v13  }
0x33: {  	v12 =	vadd.s32 v12, v13  }
0x34: {  	[tilespmem:$0x2880] =	vst v12  }
0x35: {  	v61 =	vld.idx.msk [tilespmem:v4+s10+$0x0], $0xffff;
	_ =	sdelay $0x4  }
0x36: {  	v13 =	vsel vm1, $0x0, v61  }
0x37: {  	v12 =	vadd.s32 v12, v13  }
0x38: {  	[tilespmem:$0x2880] =	vst v12  }
0x39: {  	v62 =	vld.idx.msk [tilespmem:v6+s10+$0x0], $0xffff;
	_ =	sdelay $0x4  }
0x3a: {  	v13 =	vsel vm2, $0x0, v62  }
0x3b: {  	v12 =	vadd.s32 v12, v13  }
0x3c: {  	v11 =	vsub.s32 v12, v11  }
0x3d: {  	v11 =	vadd.s32 v8, v11;
	_ =	sdelay $0x3  }
0x3e: {  	[tilespmem:$0x2880] =	vst v12  }
0x3f: {  	v63 =	vor.u32 s14, v5;
	[tilespmem:v11+s11+$0x0] =	vst.idx.msk vm4, v10  }
0x40: {  	s14 =	simm.s32 $0x10;
	[tilespmem:v11+s12+$0x0] =	vst.idx.msk vm4, v63  }
0x41: {  	v10 =	vld [tilespmem:s14+$0x0];
	_ =	sdelay $0x1  }
0x42: {  	v11 =	vld.idx.msk [tilespmem:v7+s10+$0x0], $0xffff;
	_ =	sdelay $0x2  }
0x43: {  	s15 =	simm.s32 $0x20;
	s16 =	simm.s32 $0x10;
	vm4 =	vge.f32 v10, v9  }
.LBB2_5:
0x44: {  	p0 =	sne.s32 s15, $0x27F0;
	v12 =	vsel vm4, $0x1, v2;
	s17 =	smov.u32 s15;
	s15 =	sadd.s32 $0x10, s15  }
0x45: {  	v8 =	vadd.s32 v8, v11;
	[tilespmem:$0x2880] =	vst v12  }
0x46: {  	v11 =	vld.idx.msk [tilespmem:v1+s10+$0x0], $0xffff;
	_ =	sdelay $0x5  }
0x47: {  	v11 =	vsel vm3, $0x0, v11  }
0x48: {  	v11 =	vadd.s32 v12, v11  }
0x49: {  	[tilespmem:$0x2880] =	vst v11  }
0x4a: {  	v13 =	vld.idx.msk [tilespmem:v3+s10+$0x0], $0xffff;
	_ =	sdelay $0x5  }
0x4b: {  	v13 =	vsel vm0, $0x0, v13  }
0x4c: {  	v11 =	vadd.s32 v11, v13  }
0x4d: {  	[tilespmem:$0x2880] =	vst v11  }
0x4e: {  	v13 =	vld.idx.msk [tilespmem:v4+s10+$0x0], $0xffff;
	_ =	sdelay $0x5  }
0x4f: {  	v13 =	vsel vm1, $0x0, v13  }
0x50: {  	v11 =	vadd.s32 v11, v13  }
0x51: {  	[tilespmem:$0x2880] =	vst v11  }
0x52: {  	v13 =	vld.idx.msk [tilespmem:v6+s10+$0x0], $0xffff;
	_ =	sdelay $0x5  }
0x53: {  	v13 =	vsel vm2, $0x0, v13  }
0x54: {  	v11 =	vadd.s32 v11, v13  }
0x55: {  	[tilespmem:$0x2880] =	vst v11;
	v11 =	vsub.s32 v11, v12  }
0x56: {  	v11 =	vadd.s32 v8, v11;
	_ =	sdelay $0x4  }
0x57: {  	v12 =	vor.u32 s14, v5;
	s14 =	smov.u32 s17;
	[tilespmem:v11+s11+$0x0] =	vst.idx.msk vm4, v10  }
0x58: {  	s16 =	sadd.s32 $0x10, s16;
	[tilespmem:v11+s12+$0x0] =	vst.idx.msk vm4, v12  }
0x59: {  	v10 =	vld [tilespmem:s16+$0x0]  }
.Ltmp2:
0x5a: {  	v11 =	vld.idx.msk [tilespmem:v7+s10+$0x0], $0xffff;
	(pc) =	sbr.rel @p0 .LBB2_5-.Ltmp2, $2  }
0x5b: {  	_ =	sdelay $0x2  }
0x5c: {  	vm4 =	vge.f32 v10, v9  }
0x5d: {  	_ =	sdelay $0x1  }
0x5e: {  	v9 =	vsel vm4, $0x1, v2  }
0x5f: {  	[tilespmem:$0x2880] =	vst v9  }
0x60: {  	v12 =	vld.idx.msk [tilespmem:v1+s10+$0x0], $0xffff;
	_ =	sdelay $0x3  }
0x61: {  	vm3 =	veq.s32 v5, $0x0  }
0x62: {  	v12 =	vsel vm3, $0x0, v12  }
0x63: {  	v12 =	vadd.s32 v9, v12  }
0x64: {  	[tilespmem:$0x2880] =	vst v12  }
0x65: {  	v13 =	vld.idx.msk [tilespmem:v3+s10+$0x0], $0xffff;
	_ =	sdelay $0x4  }
0x66: {  	v13 =	vsel vm0, $0x0, v13  }
0x67: {  	v12 =	vadd.s32 v12, v13  }
0x68: {  	[tilespmem:$0x2880] =	vst v12  }
0x69: {  	v61 =	vld.idx.msk [tilespmem:v4+s10+$0x0], $0xffff;
	_ =	sdelay $0x4  }
0x6a: {  	v13 =	vsel vm1, $0x0, v61  }
0x6b: {  	v12 =	vadd.s32 v12, v13  }
0x6c: {  	[tilespmem:$0x2880] =	vst v12  }
0x6d: {  	v62 =	vld.idx.msk [tilespmem:v6+s10+$0x0], $0xffff;
	_ =	sdelay $0x4  }
0x6e: {  	v13 =	vsel vm2, $0x0, v62  }
0x6f: {  	v12 =	vadd.s32 v12, v13  }
0x70: {  	v8 =	vadd.s32 v8, v11;
	v9 =	vsub.s32 v12, v9  }
0x71: {  	v8 =	vadd.s32 v8, v9;
	_ =	sdelay $0x3  }
0x72: {  	[tilespmem:$0x2880] =	vst v12  }
0x73: {  	v63 =	vor.u32 s14, v5;
	[tilespmem:v8+s11+$0x0] =	vst.idx.msk vm4, v10  }
0x74: {  	[tilespmem:v8+s12+$0x0] =	vst.idx.msk vm4, v63  }
0x75: {  	[hbm4b:s4+s7] =	stream.linear.scatter [tilespmem:s11], [sflag:$0x1], $0x2800, $0x38;
	[tilespmem:$0x7900] =	vst v63  }
0x76: {  	s13 =	sadd.s32 $0x1, s13;
	_ =	swait.ge [sflag:s8], $0x2800  }
0x77: {  	p0 =	sne.s32 s13, s6;
	[sflag:s8] =	ssyncset.done $0x0  }
.Ltmp3:
0x78: {  	[sflag:s8] =	ssyncadd.s32 $0xFFFFD800;
	(pc) =	sbr.rel @p0 .LBB2_2-.Ltmp3, $4  }
0x79: {  	[hbm4b:s5+s7] =	stream.linear.scatter [tilespmem:s12], [sflag:$0x1], $0x2800, $0x38;
	[tilespmem:$0x7900] =	vst v63  }
0x7a: {  	_ =	swait.ge [sflag:s8], $0x2800  }
0x7b: {  	[sflag:s8] =	ssyncset.done $0x0  }
0x7c: {  	[sflag:s8] =	ssyncadd.s32 $0xFFFFD800  }
.LBB2_7:
0x7d: {  	_ =	sfence.sel $0x180000  }
0x7e: {  	[bflag:$0x0] =	sbarrier.arrive $0xFFFF  }
0x7f: {  	p0 =	sne.s32 s0, $0x0;
	_ =	strace $0x90000047  }
0x80: {  	s0 =	sadd.s32 @!p0 $0x100000, s1;
	[bflag:$0x2] =	sbarrier.arrive $0xFFFF  }
0x81: {  	[sflag:s0] =	ssyncadd.tile.s32 @!p0 $0x1;
	_ =	shalt  }
.Lfunc_end2:
_tile_overlayer_lowered:
.L_overlay_start_2:
0x82: {  	(tag) =	ssettag $0x2  }
0x83: {  	s0 =	rddreg [dreg:$0x0];
	s2 =	stileid.u32  }
0x84: {  	s1 =	rddreg [dreg:$0x1];
	p0 =	sne.s32 s2, $0x0  }
0x85: {  	s3 =	rddreg [dreg:$0x2];
	[bflag:$0x3] =	sbarrier.arrive $0xFFFF;
	s2 =	simm.s32 @!p0 $0x1C01  }
0x86: {  	[timem:s3], [sflag:s2] =	dma.local @!p0 [hbm:s0], s1  }
0x87: {  	s0 =	simm.s32 @!p0 $0x1  }
0x88: {  	_ =	swait.ge @!p0 [sflag:s0], s1  }
0x89: {  	s1 =	ssub.s32 @!p0 $0x0, s1;
	[sflag:s0] =	ssyncset.done @!p0 $0x0  }
0x8a: {  	[sflag:s0] =	ssyncadd.s32 @!p0 s1  }
0x8b: {  	[bflag:$0x3] =	sbarrier.arrive $0xFFFF  }
0x8c: {  	_ =	shalt  }

// kernel: kernel.8.cloned.1.call-start
scs
__scs_entry_jumppad:
0x0: {  	(pc) =	sbr.rel $0x88, $3  }
0x1: {  	(tag) =	ssettag $0x0;
	lr =	simm.s32 $0x1  }
0x2: {  	[smem:$0x3F9E] =	sst lr;
	_ =	strace $0xD0000000  }
0x3: {  	_ = 	snop  }
0x4: {  	_ = 	snop  }
0x5: {  	_ = 	snop  }
0x6: {  	_ = 	snop  }
0x7: {  	_ = 	snop  }
__scs_overlays_trampoline_lowered:
0x8: {  	[smem:$0x3FAD] =	sst s0  }
0x9: {  	[smem:$0x3FAE] =	sst s1  }
0xa: {  	[smem:$0x3FAF] =	sst s2  }
0xb: {  	[smem:$0x3FB0] =	sst s3  }
0xc: {  	[smem:$0x3FB1] =	sst s4  }
0xd: {  	[smem:$0x3FB2] =	sst s5  }
0xe: {  	[smem:$0x3FB3] =	sst s6  }
0xf: {  	[smem:$0x3FB4] =	sst s7  }
0x10: {  	[smem:$0x3FB5] =	sst s8  }
0x11: {  	[smem:$0x3FB6] =	sst s9;
	s0 =	simm.s32 @!p0 $0x0  }
0x12: {  	s1 =	sld [smem:$0x3F9C];
	s0 =	simm.s32 @p0 $0x1  }
0x13: {  	[smem:$0x3FB7] =	sst s0;
	s0 =	simm.s32 @!p1 $0x0  }
0x14: {  	s2 =	sld [smem:$0x3F9B];
	s0 =	simm.s32 @p1 $0x1  }
0x15: {  	[smem:$0x3FB8] =	sst s0;
	s0 =	simm.s32 @!p2 $0x0  }
0x16: {  	s3 =	sld [smem:$0x3FDB];
	s0 =	simm.s32 @p2 $0x1  }
0x17: {  	s4 =	simm.s32 $0x1BF5;
	[smem:$0x3FBA] =	sst s0  }
0x18: {  	s0 =	sld [smem:$0x3F9D];
	_ =	swait.ge [sflag:s4], $0x0  }
0x19: {  	s7 =	sld [smem:$0x3F9E]  }
0x1a: {  	s8 =	sadd.s32 $0xFFFFE003, lr  }
0x1b: {  	s9 =	sadd.s32 $0xFFFFFEF7, lr;
	s5 =	simm.s32 $0xFFFFFFFF;
	p2 =	slt.u32 s8, $0xFFFFF086  }
0x1c: {  	p1 =	slt.u32 s9, $0xF7A;
	s5 =	simm.s32 @!p2 $0x0  }
0x1d: {  	s5 =	simm.s32 @p1 $0x1;
	p0 =	seq.s32 s7, s2  }
0x1e: {  	s7 =	smul.u32 @!p0 $0xF7A, s2;
	p2 =	seq.s32 @!p0 s5, $0x0  }
0x1f: {  	s9 =	smul.u32 $0xF7A, s1;
	s8 =	simm.s32 @!p0 $0x1BF5;
	p2 =	por !p2, p0  }
0x20: {  	[sflag:s8] =	ssyncset.s32 @!p0 $0xFFFFF086;
	s6 =	sadd.s32 @!p0 s3, s7;
	s7 =	simm.s32 @!p0 $0x108  }
0x21: {  	s3 =	sadd.s32 s3, s9;
	s6 =	sadd.s32 @!p0 $0x88, s6;
	s7 =	simm.s32 @p2 $0x1082  }
0x22: {  	[simem:s7], [sflag:s8] =	dma.local @!p0 [hbm:s6], $0xF7A  }
0x23: {  	s9 =	sor.u32 $0xD0000000, s2;
	s6 =	simm.s32 $0x108;
	_ =	swait.ge @!p0 [sflag:s8], $0x0  }
0x24: {  	s3 =	sadd.s32 $0x88, s3;
	s6 =	simm.s32 @!p1 $0x1082;
	[sflag:s4] =	ssyncset.s32 $0xFFFFF086  }
0x25: {  	[simem:s6], [sflag:s4] =	dma.local [hbm:s3], $0xF7A  }
0x26: {  	[smem:$0x3F9E] =	sst s1;
	(tag) =	ssettag s2;
	_ =	strace s9  }
0x27: {  	s1 =	sld [smem:$0x3FAE]  }
0x28: {  	s2 =	sld [smem:$0x3FAF]  }
0x29: {  	s4 =	sld [smem:$0x3FB1]  }
0x2a: {  	p0 =	seq.s32 s5, $0x0;
	s5 =	sld [smem:$0x3FB2]  }
0x2b: {  	s6 =	sld [smem:$0x3FB3]  }
0x2c: {  	s7 =	sld [smem:$0x3FB4]  }
0x2d: {  	s3 =	simm.s32 $0x108;
	s8 =	sld [smem:$0x3FB5]  }
0x2e: {  	s3 =	simm.s32 @!p0 $0x1082;
	s9 =	sld [smem:$0x3FB6]  }
0x2f: {  	lr =	sadd.s32 s0, s3;
	s0 =	sld [smem:$0x3FAD]  }
0x30: {  	s3 =	sld [smem:$0x3FB0]  }
0x31: {  	[smem:$0x3FB9] =	sst s10  }
0x32: {  	s10 =	sld [smem:$0x3FB7];
	_ =	sdelay $0x3  }
0x33: {  	p0 =	seq.s32 s10, $0x1;
	s10 =	sld [smem:$0x3FB9];
	_ =	sdelay $0x3  }
0x34: {  	[smem:$0x3FB9] =	sst s10  }
0x35: {  	s10 =	sld [smem:$0x3FB8];
	_ =	sdelay $0x3  }
0x36: {  	p1 =	seq.s32 s10, $0x1;
	s10 =	sld [smem:$0x3FB9];
	_ =	sdelay $0x3  }
0x37: {  	[smem:$0x3FB9] =	sst s10  }
0x38: {  	s10 =	sld [smem:$0x3FBA]  }
0x39: {  	_ = 	snop;
	(pc) =	sbr.ind lr, $3  }
0x3a: {  	_ = 	snop  }
0x3b: {  	_ = 	snop  }
0x3c: {  	p2 =	seq.s32 s10, $0x1;
	s10 =	sld [smem:$0x3FB9]  }
0x3d: {  	_ =	shalt  }
0x3e: {  	_ =	shalt  }
0x3f: {  	_ =	shalt  }
0x40: {  	_ =	shalt  }
0x41: {  	_ =	shalt  }
0x42: {  	_ =	shalt  }
0x43: {  	_ =	shalt  }
0x44: {  	_ =	shalt  }
0x45: {  	_ =	shalt  }
0x46: {  	_ =	shalt  }
0x47: {  	_ =	shalt  }
0x48: {  	_ =	shalt  }
0x49: {  	_ =	shalt  }
0x4a: {  	_ =	shalt  }
0x4b: {  	_ =	shalt  }
0x4c: {  	_ =	shalt  }
0x4d: {  	_ =	shalt  }
0x4e: {  	_ =	shalt  }
0x4f: {  	_ =	shalt  }
0x50: {  	_ =	shalt  }
0x51: {  	_ =	shalt  }
0x52: {  	_ =	shalt  }
0x53: {  	_ =	shalt  }
0x54: {  	_ =	shalt  }
0x55: {  	_ =	shalt  }
0x56: {  	_ =	shalt  }
0x57: {  	_ =	shalt  }
0x58: {  	_ =	shalt  }
0x59: {  	_ =	shalt  }
0x5a: {  	_ =	shalt  }
0x5b: {  	_ =	shalt  }
0x5c: {  	_ =	shalt  }
0x5d: {  	_ =	shalt  }
0x5e: {  	_ =	shalt  }
0x5f: {  	_ =	shalt  }
0x60: {  	_ =	shalt  }
0x61: {  	_ =	shalt  }
0x62: {  	_ =	shalt  }
0x63: {  	_ =	shalt  }
0x64: {  	_ =	shalt  }
0x65: {  	_ =	shalt  }
0x66: {  	_ =	shalt  }
0x67: {  	_ =	shalt  }
0x68: {  	_ =	shalt  }
0x69: {  	_ =	shalt  }
0x6a: {  	_ =	shalt  }
0x6b: {  	_ =	shalt  }
0x6c: {  	_ =	shalt  }
0x6d: {  	_ =	shalt  }
0x6e: {  	_ =	shalt  }
0x6f: {  	_ =	shalt  }
0x70: {  	_ =	shalt  }
0x71: {  	_ =	shalt  }
0x72: {  	_ =	shalt  }
0x73: {  	_ =	shalt  }
0x74: {  	_ =	shalt  }
0x75: {  	_ =	shalt  }
0x76: {  	_ =	shalt  }
0x77: {  	_ =	shalt  }
0x78: {  	_ =	shalt  }
0x79: {  	_ =	shalt  }
0x7a: {  	_ =	shalt  }
0x7b: {  	_ =	shalt  }
0x7c: {  	_ =	shalt  }
0x7d: {  	_ =	shalt  }
0x7e: {  	_ =	shalt  }
0x7f: {  	_ =	shalt  }
0x80: {  	_ =	shalt  }
0x81: {  	_ =	shalt  }
0x82: {  	_ =	shalt  }
0x83: {  	_ =	shalt  }
0x84: {  	_ =	shalt  }
0x85: {  	_ =	shalt  }
0x86: {  	_ =	shalt  }
0x87: {  	_ =	shalt  }
.Lfunc_end0:
.L_simem_size_0:
called_computation.1_lowered:
.L_overlay_start_0:
0x88: {  	s2 =	sld [smem:$0x3FD9]  }
0x89: {  	s3 =	sld [smem:$0x3FFE];
	_ =	sdelay $0x1  }
0x8a: {  	s1 =	srdreg.scid  }
0x8b: {  	s0 =	sand.u32 $0x1, s1  }
0x8c: {  	s14 =	sshll.u32 s0, $0xA;
	s2 =	sadd.s32 s3, s2  }
0x8d: {  	s2 =	sadd.s32 s2, s14  }
0x8e: {  	[smem:$0x3FC5] =	sst s2  }
0x8f: {  	_ = 	snop  }
0x90: {  	s2 =	sld [smem:$0x3FD0];
	_ =	sdelay $0x1  }
0x91: {  	s15 =	sld [smem:$0x3FC9]  }
0x92: {  	s5 =	simm.s32 $0xA;
	s6 =	simm.s32 $0x10;
	s4 =	sld [smem:$0x3FC8]  }
0x93: {  	[smem:s6], [sflag:s5] =	dma.local [hbm:s2], $0x1  }
0x94: {  	_ =	swait.eq [sflag:s5], $0x1  }
0x95: {  	s16 =	sld [smem:$0x10];
	[sflag:s5] =	ssyncset.done $0x0  }
0x96: {  	s17 =	sld [smem:$0x11];
	[sflag:s5] =	ssyncadd.s32 $0xFFFFFFFF  }
0x97: {  	s18 =	sld [smem:$0x12];
	(tm) =	ssettm $0x1  }
0x98: {  	s7 =	sld [smem:$0x3FFB];
	_ =	sdelay $0x3  }
0x99: {  	_ =	strace s7  }
0x9a: {  	s7 =	sld [smem:$0x3FFC];
	_ =	sdelay $0x3  }
0x9b: {  	_ =	strace s7  }
0x9c: {  	s7 =	sld [smem:$0x3FFD];
	_ =	sdelay $0x3  }
0x9d: {  	_ =	strace s7  }
0x9e: {  	_ =	strace $0x8FFFFFFF  }
0x9f: {  	s19 =	sld [smem:$0x3FDB];
	_ =	sdelay $0x1  }
0xa0: {  	s8 =	simm.s32 $_scs_section_size  }
0xa1: {  	s9 =	simm.s32 $_size__tile_overlayer_lowered;
	s10 =	simm.s32 $_tile_overlayer_lowered  }
0xa2: {  	s22 =	simm.s32 $0x1BFF;
	s21 =	sshll.u32 s10, $0x1;
	s7 =	sadd.s32 s8, s19  }
0xa3: {  	s11 =	simm.s32 $0x0;
	s20 =	sshll.u32 s9, $0x1;
	s9 =	sadd.s32 s21, s7  }
0xa4: {  	[timem:s11], [sflag:s22] =	dma.local [hbm:s9], s20  }
0xa5: {  	_ =	swait.ge [sflag:s22], s20  }
0xa6: {  	s8 =	ssub.s32 $0x0, s20;
	[sflag:s22] =	ssyncset.done $0x0  }
0xa7: {  	[sflag:s22] =	ssyncadd.s32 s8;
	_ =	sdelay $0x1  }
0xa8: {  	s23 =	simm.s32 $0x1B8B  }
0xa9: {  	_ =	swait.ge [sflag:s23], $0x1  }
0xaa: {  	[sflag:s23] =	ssyncset.done $0x0  }
0xab: {  	s25 =	simm.s32 $0x1B8E;
	s24 =	sld [smem:$0x3FFE];
	[sflag:s23] =	ssyncadd.s32 $0xFFFFFFFF  }
0xac: {  	s26 =	simm.s32 $execute0_lowered;
	[smem:$0x3FD2] =	sst s25  }
0xad: {  	s9 =	sshll.u32 s26, $0x1;
	_ =	strace $0x80000049;
	[dreg:$0x1] =	wrdreg $0xFFFFFFFF  }
0xae: {  	s28 =	simm.s32 $_size_execute0_lowered;
	s7 =	sadd.s32 s7, s9;
	[dreg:$0x0] =	wrdreg $0x0  }
0xaf: {  	s9 =	sshll.u32 s28, $0x1;
	[dreg:$0x2] =	wrdreg s7  }
0xb0: {  	[dreg:$0x3] =	wrdreg s9  }
0xb1: {  	[dreg:$0x4] =	wrdreg $0xC0  }
0xb2: {  	_ =	task [dreg:s11], $0x5FFFF  }
0xb3: {  	[dreg:$0x1] =	wrdreg $0xFFFFFFFF  }
0xb4: {  	[dreg:$0x0] =	wrdreg $0x60  }
0xb5: {  	[dreg:$0x2] =	wrdreg s24  }
0xb6: {  	[dreg:$0x3] =	wrdreg s15  }
0xb7: {  	[dreg:$0x4] =	wrdreg s4  }
0xb8: {  	[dreg:$0x5] =	wrdreg s17  }
0xb9: {  	[dreg:$0x6] =	wrdreg s16  }
0xba: {  	[dreg:$0x7] =	wrdreg s18  }
0xbb: {  	[dreg:$0x8] =	wrdreg $0x9  }
0xbc: {  	_ =	task.clear_ibuf [dreg:s11], $0x9FFFF;
	_ =	strace $0x90000049  }
0xbd: {  	s29 =	simm.s32 $0x9;
	_ =	strace $0x8000004B  }
0xbe: {  	_ =	swait.ge [sflag:s29], $0x1  }
0xbf: {  	[sflag:s29] =	ssyncadd.s32 $0xFFFFFFFF  }
0xc0: {  	_ =	strace $0x9000004B  }
0xc1: {  	_ =	sfence  }
0xc2: {  	s30 =	sld [smem:$0x0];
	_ =	sdelay $0x2  }
0xc3: {  	s31 =	sshll.u32 s1, $0xD;
	s1 =	sshrl.u32 s1, $0x2  }
0xc4: {  	s3 =	sand.u32 $0x4000, s31;
	s1 =	sadd.s32 s1, s30  }
0xc5: {  	s0 =	sor.u32 s3, s0;
	s1 =	sshll.u32 s1, $0x11  }
0xc6: {  	s0 =	sor.u32 s1, s0  }
0xc7: {  	s0 =	sadd.s32 $0x8F2B, s0  }
0xc8: {  	[sflag:s0] =	ssyncadd.remote.s32 $0x1  }
0xc9: {  	_ =	sfence.sel $0xFFFF  }
0xca: {  	[dreg:$0x0] =	wrdreg $0xFFFFFFFF;
	(pc) =	sbr.abs _section_cstart, $3  }
0xcb: {  	[dreg:$0x1] =	wrdreg $0xFFFFFFFF  }
0xcc: {  	_ =	task.clear_ibuf [dreg:s11], $0x2FFFF;
	_ =	strace $0x9FFFFFFF  }
0xcd: {  	(tm) =	ssettm $0x7FFFFFFF  }
tec
execute0_lowered:
.L_overlay_start_1:
0x0: {  	(tag) =	ssettag $0x1  }
0x1: {  	s7 =	rddreg [dreg:$0x0]  }
0x2: {  	s3 =	rddreg [dreg:$0x2]  }
0x3: {  	s24 =	rddreg [dreg:$0x3]  }
0x4: {  	s0 =	rddreg [dreg:$0x4]  }
0x5: {  	s6 =	simm.s32 $0x0;
	s1 =	srdreg.scid;
	s4 =	stileid.u32  }
0x6: {  	s30 =	simm.s32 $0xA;
	s28 =	simm.s32 $0x6580;
	s31 =	simm.s32 $0x6A80  }
0x7: {  	s13 =	simm.s32 $0x16300;
	s15 =	simm.s32 $0x17B00;
	s16 =	simm.s32 $0x18300  }
0x8: {  	s17 =	simm.s32 $0x1;
	s29 =	simm.s32 $0x3;
	s9 =	simm.s32 $0x0  }
0x9: {  	[smem:$0x7FF] =	sst s6;
	s2 =	sadd.s32 $0x200, s7;
	s1 =	sand.u32 $0x1, s1  }
0xa: {  	s19 =	sadd.s32 $0xE00, s7;
	_ =	strace $0x8000004A;
	[dreg:$0x7] =	wrdreg s2  }
0xb: {  	s4 =	sshll.u32 s4, $0x1;
	s5 =	sadd.s32 $0x800, s7;
	[dreg:$0x8] =	wrdreg s19  }
0xc: {  	s11 =	sadd.s32 $0x1400, s7;
	s22 =	sadd.s32 $0x480, s7;
	[dreg:$0x9] =	wrdreg s5  }
0xd: {  	s23 =	sadd.s32 $0x1080, s7;
	s25 =	sadd.s32 $0xA80, s7;
	[dreg:$0xa] =	wrdreg s22  }
0xe: {  	s18 =	sadd.s32 $0x800, s3;
	s7 =	simm.s32 $0x2;
	[dreg:$0xb] =	wrdreg s23  }
0xf: {  	s20 =	ssub.s32 $0x2, s1;
	s1 =	sor.u32 s1, s4;
	[dreg:$0xc] =	wrdreg s25  }
0x10: {  	s19 =	sadd.s32 $0x1000, s3;
	s25 =	simm.s32 $0x3C80;
	s23 =	simm.s32 $0xBA80  }
0x11: {  	s5 =	simm.s32 $0xEC80;
	s22 =	simm.s32 $0xE280;
	s4 =	smul.u32 $0xA00, s1  }
0x12: {  	s21 =	sshrl.u32 s20, $0x1;
	s12 =	smul.u32 $0xA0, s1;
	p0 =	sne.s32 s1, $0x0  }
.Ltmp0:
0x13: {  	v0 =	vimm.s32 $0x0;
	v1 =	vlaneseq.u32;
	p1 =	seq.s32 s1, $0x1F;
	s1 =	simm.s32 $0x11400;
	(pc) =	sbr.rel .LBB2_1-.Ltmp0, $4  }
0x14: {  	v2 =	vimm.f32 $0.0e+00;
	vm0 =	vmmov $0xffff;
	vm1 =	vmmov $0x3fff;
	s2 =	ssub.s32 s20, s21;
	s20 =	sadd.s32 $0x1800, s3;
	s4 =	sadd.s32 s0, s4  }
0x15: {  	v3 =	vmul.u32 $0x8, v1;
	v4 =	vor.u32 $0x10, v1;
	v5 =	vor.u32 $0x20, v1;
	s21 =	sadd.s32 $0x2000, s3;
	s0 =	sadd.s32 $0x13600, s0;
	[dreg:$0xd] =	wrdreg s4  }
0x16: {  	v6 =	vor.u32 $0x30, v1;
	v7 =	vor.u32 $0x40, v1;
	v8 =	vor.u32 $0x50, v1;
	s26 =	smax.u32 s2, $0x1;
	s2 =	simm.s32 $0x13B80;
	[dreg:$0xe] =	wrdreg s0  }
0x17: {  	v9 =	vor.u32 $0x60, v1;
	v10 =	vor.u32 $0x70, v1;
	v11 =	vor.u32 $0x2700, v1;
	[dreg:$0xf] =	wrdreg s26;
	s26 =	simm.s32 $0x5080;
	s0 =	simm.s32 $0x4  }
.LBB2_20:
0x18: {  	s4 =	simm.s32 @!p1 $0x5  }
0x19: {  	_ =	swait.ge @!p1 [sflag:s4], $0x1388  }
0x1a: {  	[sflag:s4] =	ssyncset.done @!p1 $0x0  }
0x1b: {  	[sflag:s4] =	ssyncadd.s32 @!p1 $0xFFFFEC78;
	s4 =	simm.s32 @!p1 $0x6  }
0x1c: {  	_ =	swait.ge @!p1 [sflag:s4], $0x1388  }
0x1d: {  	[sflag:s4] =	ssyncset.done @!p1 $0x0  }
0x1e: {  	[sflag:s4] =	ssyncadd.s32 @!p1 $0xFFFFEC78;
	s4 =	simm.s32 @!p1 $0x7  }
0x1f: {  	_ =	swait.ge @!p1 [sflag:s4], $0x1388  }
0x20: {  	[sflag:s4] =	ssyncset.done @!p1 $0x0  }
0x21: {  	[sflag:s4] =	ssyncadd.s32 @!p1 $0xFFFFEC78;
	s4 =	simm.s32 @!p1 $0x8  }
0x22: {  	_ =	swait.ge @!p1 [sflag:s4], $0x1388  }
0x23: {  	s9 =	rddreg [dreg:$0x10]  }
0x24: {  	s8 =	rddreg [dreg:$0xf];
	s9 =	sadd.s32 $0x1, s9  }
0x25: {  	p2 =	sne.s32 s9, s8  }
.Ltmp1:
0x26: {  	_ = 	snop;
	(pc) =	sbr.rel @!p2 .LBB2_21-.Ltmp1, $4  }
0x27: {  	_ = 	snop  }
0x28: {  	[sflag:s4] =	ssyncset.done @!p1 $0x0  }
0x29: {  	[sflag:s4] =	ssyncadd.s32 @!p1 $0xFFFFEC78  }
0x2a: {  	s30 =	simm.s32 $0xA;
	s24 =	rddreg [dreg:$0x3]  }
.LBB2_1:
0x2b: {  	[dreg:$0x10] =	wrdreg s9  }
0x2c: {  	s4 =	rddreg [dreg:$0x0];
	s8 =	simm.s32 $0x3C00  }
0x2d: {  	[tilespmem:s8], [sflag:$0xA] =	stream.linear.gather [hbm4b:s4+s6], $0x80, $0x38;
	[tilespmem:$0x1DA80] =	vst v63  }
0x2e: {  	_ =	swait.ge [sflag:s30], $0x80  }
0x2f: {  	[sflag:s30] =	ssyncset.done $0x0  }
0x30: {  	[sflag:s30] =	ssyncadd.s32 $0xFFFFFF80  }
0x31: {  	[tilespmem:$0x5000] =	vst v0  }
0x32: {  	[tilespmem:$0x6400] =	vst v2  }
0x33: {  	[tilespmem:$0x5010] =	vst v0  }
0x34: {  	[tilespmem:$0x6410] =	vst v2  }
0x35: {  	[tilespmem:$0x5020] =	vst v0  }
0x36: {  	[tilespmem:$0x6420] =	vst v2  }
0x37: {  	[tilespmem:$0x5030] =	vst v0  }
0x38: {  	[tilespmem:$0x6430] =	vst v2  }
0x39: {  	[tilespmem:$0x5040] =	vst v0  }
0x3a: {  	[tilespmem:$0x6440] =	vst v2  }
0x3b: {  	[tilespmem:$0x5050] =	vst v0  }
0x3c: {  	[tilespmem:$0x6450] =	vst v2  }
0x3d: {  	[tilespmem:$0x5060] =	vst v0  }
0x3e: {  	[tilespmem:$0x6460] =	vst v2  }
0x3f: {  	[tilespmem:$0x5070] =	vst v0  }
0x40: {  	s9 =	rddreg [dreg:$0x7];
	[tilespmem:$0x6470] =	vst v2  }
0x41: {  	v12 =	vld [tilespmem:$0x3C00];
	[tilespmem:s6], [sflag:$0xA] =	stream.linear.gather [hbm4b:s9+s6], $0x1400, $0x38  }
0x42: {  	_ =	swait.ge [sflag:s30], $0x1400  }
0x43: {  	[sflag:s30] =	ssyncset.done $0x0  }
0x44: {  	s8 =	simm.s32 $0x1400;
	s10 =	rddreg [dreg:$0x8];
	[sflag:s30] =	ssyncadd.s32 $0xFFFFEC00  }
0x45: {  	[tilespmem:s8], [sflag:$0xA] =	stream.linear.gather [hbm4b:s10+s6], $0x1400, $0x38;
	[tilespmem:$0x1DA80] =	vst v63  }
0x46: {  	_ =	swait.ge [sflag:s30], $0x1400  }
0x47: {  	[sflag:s30] =	ssyncset.done $0x0  }
0x48: {  	s4 =	simm.s32 $0x2800;
	s14 =	rddreg [dreg:$0x9];
	[sflag:s30] =	ssyncadd.s32 $0xFFFFEC00  }
0x49: {  	[tilespmem:s4], [sflag:$0xA] =	stream.linear.gather [hbm4b:s14+s6], $0x1400, $0x38;
	[tilespmem:$0x1DA80] =	vst v63  }
0x4a: {  	_ =	swait.ge [sflag:s30], $0x1400  }
0x4b: {  	[sflag:s30] =	ssyncset.done $0x0  }
0x4c: {  	[sflag:s30] =	ssyncadd.s32 $0xFFFFEC00  }
0x4d: {  	v13 =	vld [tilespmem:s8+$0x0];
	_ =	sdelay $0x3  }
0x4e: {  	v14 =	vor.u32 s6, v1  }
0x4f: {  	vm3 =	vlt.s32 v14, v12;
	vm2 =	vlt.s32 v13, $0x1388;
	vm4 =	vgt.s32 v13, $0x0  }
0x50: {  	vm2 =	vmand vm3, vm2;
	v13 =	vnsel vm4, $0x0, v13  }
0x51: {  	v14 =	vld [tilespmem:s4+$0x0];
	v13 =	vmin.u32 v13, $0x13FF  }
0x52: {  	v15 =	vld [tilespmem:s6+$0x0];
	_ =	sdelay $0x3  }
0x53: {  	[tilespmem:v13+s25+$0x0] =	vst.idx.msk vm2, v14  }
0x54: {  	s9 =	simm.s32 $0x1410;
	[tilespmem:v13+s26+$0x0] =	vst.idx.msk vm2, v15  }
0x55: {  	v13 =	vld [tilespmem:s9+$0x0]  }
0x56: {  	s10 =	simm.s32 $0x10;
	s14 =	simm.s32 $0x20;
	s8 =	simm.s32 $0x0  }
.LBB2_2:
0x57: {  	p2 =	sne.s32 s14, $0x13F0;
	_ =	sdelay $0x1  }
0x58: {  	v14 =	vor.u32 s10, v1;
	s10 =	smov.u32 s14  }
0x59: {  	vm3 =	vlt.s32 v14, v12;
	vm2 =	vlt.s32 v13, $0x1388;
	vm4 =	vgt.s32 v13, $0x0  }
0x5a: {  	s4 =	sadd.s32 $0x10, s4;
	vm2 =	vmand vm3, vm2;
	v13 =	vnsel vm4, $0x0, v13  }
0x5b: {  	s8 =	sadd.s32 $0x10, s8;
	v14 =	vld [tilespmem:s4+$0x0];
	v13 =	vmin.u32 v13, $0x13FF  }
0x5c: {  	v15 =	vld [tilespmem:s8+$0x0];
	_ =	sdelay $0x2  }
.Ltmp2:
0x5d: {  	(pc) =	sbr.rel @p2 .LBB2_2-.Ltmp2, $4  }
0x5e: {  	[tilespmem:v13+s25+$0x0] =	vst.idx.msk vm2, v14  }
0x5f: {  	s9 =	sadd.s32 $0x10, s9;
	[tilespmem:v13+s26+$0x0] =	vst.idx.msk vm2, v15  }
0x60: {  	v13 =	vld [tilespmem:s9+$0x0]  }
0x61: {  	s14 =	sadd.s32 $0x10, s14  }
0x62: {  	_ =	sdelay $0x1  }
0x63: {  	v14 =	vor.u32 s10, v1  }
0x64: {  	vm3 =	vlt.s32 v14, v12;
	vm2 =	vlt.s32 v13, $0x1388;
	vm4 =	vgt.s32 v13, $0x0  }
0x65: {  	s4 =	sadd.s32 $0x10, s4;
	vm2 =	vmand vm3, vm2;
	v13 =	vnsel vm4, $0x0, v13  }
0x66: {  	s8 =	sadd.s32 $0x10, s8;
	v14 =	vld [tilespmem:s4+$0x0];
	v13 =	vmin.u32 v13, $0x13FF  }
0x67: {  	v15 =	vld [tilespmem:s8+$0x0];
	_ =	sdelay $0x3  }
0x68: {  	[tilespmem:v13+s25+$0x0] =	vst.idx.msk vm2, v14  }
0x69: {  	s9 =	rddreg [dreg:$0xa];
	s4 =	simm.s32 $0x0;
	[tilespmem:v13+s26+$0x0] =	vst.idx.msk vm2, v15  }
0x6a: {  	[tilespmem:s4], [sflag:$0xA] =	stream.linear.gather [hbm4b:s9+s4], $0x1400, $0x38;
	[tilespmem:$0x1DA80] =	vst v63  }
0x6b: {  	_ =	swait.ge [sflag:s30], $0x1400  }
0x6c: {  	[sflag:s30] =	ssyncset.done $0x0  }
0x6d: {  	s9 =	simm.s32 $0x1400;
	s10 =	rddreg [dreg:$0xb];
	[sflag:s30] =	ssyncadd.s32 $0xFFFFEC00  }
0x6e: {  	[tilespmem:s9], [sflag:$0xA] =	stream.linear.gather [hbm4b:s10+s4], $0x1400, $0x38;
	[tilespmem:$0x1DA80] =	vst v63  }
0x6f: {  	_ =	swait.ge [sflag:s30], $0x1400  }
0x70: {  	[sflag:s30] =	ssyncset.done $0x0  }
0x71: {  	s8 =	simm.s32 $0x2800;
	s14 =	rddreg [dreg:$0xc];
	[sflag:s30] =	ssyncadd.s32 $0xFFFFEC00  }
0x72: {  	[tilespmem:s8], [sflag:$0xA] =	stream.linear.gather [hbm4b:s14+s4], $0x1400, $0x38;
	[tilespmem:$0x1DA80] =	vst v63  }
0x73: {  	_ =	swait.ge [sflag:s30], $0x1400  }
0x74: {  	[sflag:s30] =	ssyncset.done $0x0  }
0x75: {  	[sflag:s30] =	ssyncadd.s32 $0xFFFFEC00  }
0x76: {  	v13 =	vld [tilespmem:s9+$0x0];
	_ =	sdelay $0x3  }
0x77: {  	v14 =	vor.u32 s9, v1  }
0x78: {  	vm3 =	vlt.s32 v14, v12;
	vm2 =	vlt.s32 v13, $0x1388;
	vm15 =	vgt.s32 v13, $0x0  }
0x79: {  	vm2 =	vmand vm3, vm2;
	v13 =	vnsel vm15, $0x0, v13  }
0x7a: {  	v14 =	vld [tilespmem:s8+$0x0];
	v13 =	vmin.u32 v13, $0x13FF  }
0x7b: {  	v15 =	vld [tilespmem:s4+$0x0];
	_ =	sdelay $0x3  }
0x7c: {  	[tilespmem:v13+s25+$0x0] =	vst.idx.msk vm2, v14  }
0x7d: {  	s9 =	simm.s32 $0x1410;
	[tilespmem:v13+s26+$0x0] =	vst.idx.msk vm2, v15  }
0x7e: {  	v13 =	vld [tilespmem:s9+$0x0]  }
0x7f: {  	s10 =	simm.s32 $0x1420;
	s14 =	simm.s32 $0x1410  }
.LBB2_4:
0x80: {  	p2 =	sne.s32 s10, $0x27F0;
	_ =	sdelay $0x1  }
0x81: {  	v14 =	vor.u32 s9, v1;
	s9 =	smov.u32 s10  }
0x82: {  	vm3 =	vlt.s32 v14, v12;
	vm2 =	vlt.s32 v13, $0x1388;
	vm4 =	vgt.s32 v13, $0x0  }
0x83: {  	s8 =	sadd.s32 $0x10, s8;
	vm2 =	vmand vm3, vm2;
	v13 =	vnsel vm4, $0x0, v13  }
0x84: {  	s4 =	sadd.s32 $0x10, s4;
	v14 =	vld [tilespmem:s8+$0x0];
	v13 =	vmin.u32 v13, $0x13FF  }
0x85: {  	v15 =	vld [tilespmem:s4+$0x0];
	_ =	sdelay $0x2  }
.Ltmp3:
0x86: {  	(pc) =	sbr.rel @p2 .LBB2_4-.Ltmp3, $4  }
0x87: {  	[tilespmem:v13+s25+$0x0] =	vst.idx.msk vm2, v14  }
0x88: {  	s14 =	sadd.s32 $0x10, s14;
	[tilespmem:v13+s26+$0x0] =	vst.idx.msk vm2, v15  }
0x89: {  	v13 =	vld [tilespmem:s14+$0x0]  }
0x8a: {  	s10 =	sadd.s32 $0x10, s10  }
0x8b: {  	_ =	sdelay $0x1  }
0x8c: {  	v14 =	vor.u32 s9, v1  }
0x8d: {  	vm3 =	vlt.s32 v14, v12;
	vm2 =	vlt.s32 v13, $0x1388;
	vm4 =	vgt.s32 v13, $0x0  }
0x8e: {  	s8 =	sadd.s32 $0x10, s8;
	vm2 =	vmand vm3, vm2;
	v12 =	vnsel vm4, $0x0, v13  }
0x8f: {  	s4 =	sadd.s32 $0x10, s4;
	v13 =	vld [tilespmem:s8+$0x0];
	v12 =	vmin.u32 v12, $0x13FF  }
0x90: {  	v14 =	vld [tilespmem:s4+$0x0];
	_ =	sdelay $0x3  }
0x91: {  	[tilespmem:v12+s25+$0x0] =	vst.idx.msk vm2, v13  }
0x92: {  	s9 =	rddreg [dreg:$0x5];
	s4 =	simm.s32 @!p0 $0x0;
	s8 =	simm.s32 @!p0 $0x3C80;
	[tilespmem:v12+s26+$0x0] =	vst.idx.msk vm2, v14  }
0x93: {  	[hbm4b:s9+s4] =	stream.linear.scatter @!p0 [tilespmem:s8], [sflag:$0xA], $0x1388, $0x38;
	[tilespmem:$0x1DA80] =	vst v63  }
0x94: {  	s4 =	simm.s32 @!p0 $0xA  }
0x95: {  	_ =	swait.ge @!p0 [sflag:s4], $0x1388  }
0x96: {  	[sflag:s4] =	ssyncset.done @!p0 $0x0  }
0x97: {  	[sflag:s4] =	ssyncadd.s32 @!p0 $0xFFFFEC78  }
0x98: {  	v12 =	vld [tilespmem:s12+$0x3C80];
	_ =	sdelay $0x4  }
0x99: {  	[tilespmem:$0x6480] =	vst v12  }
0x9a: {  	v12 =	vld [tilespmem:s12+$0x3C90];
	_ =	sdelay $0x4  }
0x9b: {  	[tilespmem:$0x6490] =	vst v12  }
0x9c: {  	v12 =	vld [tilespmem:s12+$0x3CA0];
	_ =	sdelay $0x4  }
0x9d: {  	[tilespmem:$0x64A0] =	vst v12  }
0x9e: {  	v12 =	vld [tilespmem:s12+$0x3CB0];
	_ =	sdelay $0x4  }
0x9f: {  	[tilespmem:$0x64B0] =	vst v12  }
0xa0: {  	v12 =	vld [tilespmem:s12+$0x3CC0];
	_ =	sdelay $0x4  }
0xa1: {  	[tilespmem:$0x64C0] =	vst v12  }
0xa2: {  	v12 =	vld [tilespmem:s12+$0x3CD0];
	_ =	sdelay $0x4  }
0xa3: {  	[tilespmem:$0x64D0] =	vst v12  }
0xa4: {  	v12 =	vld [tilespmem:s12+$0x3CE0];
	_ =	sdelay $0x4  }
0xa5: {  	[tilespmem:$0x64E0] =	vst v12  }
0xa6: {  	v12 =	vld [tilespmem:s12+$0x3CF0];
	_ =	sdelay $0x4  }
0xa7: {  	[tilespmem:$0x64F0] =	vst v12  }
0xa8: {  	v12 =	vld [tilespmem:s12+$0x3D00];
	_ =	sdelay $0x4  }
0xa9: {  	[tilespmem:$0x6500] =	vst v12  }
0xaa: {  	v12 =	vld [tilespmem:s12+$0x3D10];
	_ =	sdelay $0x2  }
0xab: {  	s30 =	simm.s32 $0x0  }
0xac: {  	v13 =	vmov s30  }
0xad: {  	v13 =	vshll.u32 v13, $0x3;
	s4 =	simm.s32 $0x6480;
	[tilespmem:$0x6510] =	vst v12  }
0xae: {  	s8 =	simm.s32 $0x10;
	v13 =	vor.u32 v3, v13;
	v12 =	vld [tilespmem:s4+$0x0]  }
.LBB2_6:
0xaf: {  	p2 =	sne.s32 s8, $0x90  }
.Ltmp4:
0xb0: {  	_ = 	snop;
	(pc) =	sbr.rel @p2 .LBB2_6-.Ltmp4, $4  }
0xb1: {  	_ = 	snop  }
0xb2: {  	v14 =	vmov s8;
	s8 =	sadd.s32 $0x10, s8  }
0xb3: {  	s4 =	sadd.s32 $0x10, s4;
	v14 =	vshll.u32 v14, $0x3;
	[tilespmem:v13+s28+$0x0] =	vst.idx.msk $0xffff, v12  }
0xb4: {  	v13 =	vor.u32 v3, v14;
	v12 =	vld [tilespmem:s4+$0x0]  }
0xb5: {  	_ =	sdelay $0x2  }
0xb6: {  	s4 =	rddreg [dreg:$0x1]  }
0xb7: {  	s8 =	simm.s32 $0x50;
	s9 =	simm.s32 $0x6480;
	s14 =	simm.s32 $0x9;
	[tilespmem:v13+s28+$0x0] =	vst.idx.msk $0xffff, v12  }
0xb8: {  	[tilespmem:s31], [sflag:$0x9] =	stream.indirect.gather [hbm4b:s4+s8], $0x80, s9, s8, $0xb8;
	[tilespmem:$0x1DA80] =	vst v63  }
0xb9: {  	_ =	swait.ge [sflag:s14], $0x2800  }
0xba: {  	[sflag:s14] =	ssyncset.done $0x0  }
0xbb: {  	s10 =	simm.s32 $0x64D0;
	s30 =	simm.s32 $0x9280;
	[sflag:s14] =	ssyncadd.s32 $0xFFFFD800  }
0xbc: {  	[tilespmem:s30], [sflag:$0x9] =	stream.indirect.gather [hbm4b:s4+s8], $0x80, s10, s8, $0xb8;
	[tilespmem:$0x1DA80] =	vst v63  }
0xbd: {  	_ =	swait.ge [sflag:s14], $0x2800  }
0xbe: {  	s10 =	simm.s32 $0x0;
	[sflag:s14] =	ssyncset.done $0x0  }
0xbf: {  	v12 =	vor.u32 s10, v1;
	[sflag:s14] =	ssyncadd.s32 $0xFFFFD800  }
0xc0: {  	[tilespmem:s23], [sflag:$0x9] =	stream.indirect.gather [hbm4b:s24+s8], $0x80, s9, s8, $0xb8;
	[tilespmem:$0x1DA80] =	vst v63  }
0xc1: {  	_ =	swait.ge [sflag:s14], $0x2800  }
0xc2: {  	[sflag:s14] =	ssyncset.done $0x0  }
0xc3: {  	[sflag:s14] =	ssyncadd.s32 $0xFFFFD800  }
0xc4: {  	s30 =	simm.s32 $0x80;
	v12 =	vld.idx.msk [tilespmem:v12+s23+$0x0], $0xffff  }
0xc5: {  	v13 =	vor.u32 s30, v1;
	_ =	sdelay $0x2  }
0xc6: {  	s4 =	simm.s32 $0xE280  }
0xc7: {  	[tilespmem:s4+$0x0] =	vst v12  }
0xc8: {  	s10 =	simm.s32 $0x50;
	s9 =	simm.s32 $0x100;
	s8 =	simm.s32 $0x3;
	v12 =	vld.idx.msk [tilespmem:v13+s23+$0x0], $0xffff  }
.LBB2_8:
0xc9: {  	p2 =	sne.s32 s8, $0x4F;
	v13 =	vor.u32 s9, v1;
	_ =	sdelay $0x1  }
.Ltmp5:
0xca: {  	(pc) =	sbr.rel @p2 .LBB2_8-.Ltmp5, $4  }
0xcb: {  	s4 =	sadd.s32 $0x10, s4  }
0xcc: {  	[tilespmem:s4+$0x0] =	vst v12  }
0xcd: {  	v12 =	vld.idx.msk [tilespmem:v13+s23+$0x0], $0xffff  }
0xce: {  	s9 =	sshll.u32 s8, $0x7;
	s8 =	sadd.s32 $0x1, s8  }
0xcf: {  	v13 =	vor.u32 s9, v1;
	_ =	sdelay $0x2  }
0xd0: {  	s4 =	sadd.s32 $0x10, s4  }
0xd1: {  	[tilespmem:s4+$0x0] =	vst v12  }
0xd2: {  	v12 =	vld.idx.msk [tilespmem:v13+s23+$0x0], $0xffff;
	_ =	sdelay $0x3  }
0xd3: {  	s8 =	simm.s32 $0x0;
	s4 =	sadd.s32 $0x10, s4  }
0xd4: {  	s9 =	simm.s32 $0x64D0;
	s14 =	simm.s32 $0x9;
	[tilespmem:s4+$0x0] =	vst v12;
	v12 =	vor.u32 s8, v1  }
0xd5: {  	[tilespmem:s23], [sflag:$0x9] =	stream.indirect.gather [hbm4b:s24+s10], $0x80, s9, s10, $0xb8;
	[tilespmem:$0x1DA80] =	vst v63  }
0xd6: {  	_ =	swait.ge [sflag:s14], $0x2800  }
0xd7: {  	[sflag:s14] =	ssyncset.done $0x0  }
0xd8: {  	[sflag:s14] =	ssyncadd.s32 $0xFFFFD800  }
0xd9: {  	s24 =	simm.s32 $0x80;
	v12 =	vld.idx.msk [tilespmem:v12+s23+$0x0], $0xffff  }
0xda: {  	v13 =	vor.u32 s24, v1;
	_ =	sdelay $0x1  }
0xdb: {  	s4 =	simm.s32 $0x0  }
0xdc: {  	s30 =	sand.u32 $0x7F0, s4  }
0xdd: {  	[tilespmem:s30+$0xE780] =	vst v12  }
0xde: {  	s8 =	simm.s32 $0x3;
	s9 =	simm.s32 $0x100;
	s24 =	simm.s32 $0x2;
	v12 =	vld.idx.msk [tilespmem:v13+s23+$0x0], $0xffff  }
.LBB2_10:
0xdf: {  	p2 =	sne.s32 s8, $0x4F;
	v13 =	vor.u32 s9, v1;
	_ =	sdelay $0x1  }
.Ltmp6:
0xe0: {  	s4 =	sadd.s32 $0x10, s4;
	(pc) =	sbr.rel @p2 .LBB2_10-.Ltmp6, $4  }
0xe1: {  	s9 =	sand.u32 $0x7F0, s4  }
0xe2: {  	[tilespmem:s9+$0xE780] =	vst v12  }
0xe3: {  	v12 =	vld.idx.msk [tilespmem:v13+s23+$0x0], $0xffff  }
0xe4: {  	s9 =	sshll.u32 s8, $0x7;
	s8 =	sadd.s32 $0x1, s8  }
0xe5: {  	v13 =	vor.u32 s9, v1;
	_ =	sdelay $0x1  }
0xe6: {  	s4 =	sadd.s32 $0x10, s4  }
0xe7: {  	s8 =	sand.u32 $0x7F0, s4  }
0xe8: {  	[tilespmem:s8+$0xE780] =	vst v12  }
0xe9: {  	s10 =	sadd.s32 $0x0, s12;
	v12 =	vld.idx.msk [tilespmem:v13+s23+$0x0], $0xffff  }
0xea: {  	s14 =	simm.s32 $0x0;
	v13 =	vmov s10  }
0xeb: {  	v14 =	vor.u32 s14, v1  }
0xec: {  	s4 =	sadd.s32 $0x10, s4  }
0xed: {  	s4 =	sand.u32 $0x7F0, s4  }
0xee: {  	[tilespmem:s4+$0xE780] =	vst v12  }
0xef: {  	v15 =	vld.idx.msk [tilespmem:v13+s26+$0x0], $0xffff  }
0xf0: {  	v12 =	vld.idx.msk [tilespmem:v14+s31+$0x0], $0xffff;
	_ =	sdelay $0x2  }
0xf1: {  	v13 =	vor.u32 s14, v4;
	_ =	sdelay $0x1  }
0xf2: {  	v12 =	vmul.f32 v12, v15;
	_ =	sdelay $0x1  }
0xf3: {  	[tilespmem:v14+s31+$0x0] =	vst.idx.msk $0xffff, v12  }
0xf4: {  	v12 =	vld.idx.msk [tilespmem:v13+s31+$0x0], $0xffff;
	_ =	sdelay $0x2  }
0xf5: {  	v14 =	vor.u32 s14, v5;
	_ =	sdelay $0x1  }
0xf6: {  	v12 =	vmul.f32 v12, v15;
	_ =	sdelay $0x1  }
0xf7: {  	[tilespmem:v13+s31+$0x0] =	vst.idx.msk $0xffff, v12  }
0xf8: {  	v12 =	vld.idx.msk [tilespmem:v14+s31+$0x0], $0xffff;
	_ =	sdelay $0x2  }
0xf9: {  	v13 =	vor.u32 s14, v6;
	_ =	sdelay $0x1  }
0xfa: {  	v12 =	vmul.f32 v12, v15;
	_ =	sdelay $0x1  }
0xfb: {  	[tilespmem:v14+s31+$0x0] =	vst.idx.msk $0xffff, v12  }
0xfc: {  	v12 =	vld.idx.msk [tilespmem:v13+s31+$0x0], $0xffff;
	_ =	sdelay $0x2  }
0xfd: {  	v14 =	vor.u32 s14, v7;
	_ =	sdelay $0x1  }
0xfe: {  	v12 =	vmul.f32 v12, v15;
	_ =	sdelay $0x1  }
0xff: {  	[tilespmem:v13+s31+$0x0] =	vst.idx.msk $0xffff, v12  }
0x100: {  	v12 =	vld.idx.msk [tilespmem:v14+s31+$0x0], $0xffff;
	_ =	sdelay $0x2  }
0x101: {  	v13 =	vor.u32 s14, v8;
	_ =	sdelay $0x1  }
0x102: {  	v12 =	vmul.f32 v12, v15;
	_ =	sdelay $0x1  }
0x103: {  	[tilespmem:v14+s31+$0x0] =	vst.idx.msk $0xffff, v12  }
0x104: {  	v12 =	vld.idx.msk [tilespmem:v13+s31+$0x0], $0xffff;
	_ =	sdelay $0x2  }
0x105: {  	v14 =	vor.u32 s14, v9;
	_ =	sdelay $0x1  }
0x106: {  	v12 =	vmul.f32 v12, v15;
	_ =	sdelay $0x1  }
0x107: {  	[tilespmem:v13+s31+$0x0] =	vst.idx.msk $0xffff, v12  }
0x108: {  	v13 =	vld.idx.msk [tilespmem:v14+s31+$0x0], $0xffff;
	_ =	sdelay $0x2  }
0x109: {  	v12 =	vor.u32 s14, v10;
	_ =	sdelay $0x1  }
0x10a: {  	v13 =	vmul.f32 v13, v15;
	_ =	sdelay $0x1  }
0x10b: {  	[tilespmem:v14+s31+$0x0] =	vst.idx.msk $0xffff, v13  }
0x10c: {  	v16 =	vld.idx.msk [tilespmem:v12+s31+$0x0], $0xffff;
	_ =	sdelay $0x1  }
0x10d: {  	s30 =	sadd.s32 $0x1, s12  }
0x10e: {  	s4 =	simm.s32 $0x80;
	v14 =	vmov s30  }
0x10f: {  	v13 =	vor.u32 s4, v1  }
0x110: {  	v15 =	vmul.f32 v16, v15  }
.LBB2_12:
0x111: {  	_ = 	snop  }
0x112: {  	p2 =	sne.s32 s24, $0x9F;
	s8 =	smov.u32 s24;
	s24 =	sadd.s32 $0x1, s24;
	[tilespmem:v12+s31+$0x0] =	vst.idx.msk $0xffff, v15  }
0x113: {  	v15 =	vld.idx.msk [tilespmem:v14+s26+$0x0], $0xffff  }
0x114: {  	v12 =	vld.idx.msk [tilespmem:v13+s31+$0x0], $0xffff;
	_ =	sdelay $0x3  }
0x115: {  	v14 =	vor.u32 s4, v4;
	_ =	sdelay $0x1  }
0x116: {  	v12 =	vmul.f32 v12, v15;
	_ =	sdelay $0x1  }
0x117: {  	[tilespmem:v13+s31+$0x0] =	vst.idx.msk $0xffff, v12  }
0x118: {  	v12 =	vld.idx.msk [tilespmem:v14+s31+$0x0], $0xffff;
	_ =	sdelay $0x3  }
0x119: {  	v13 =	vor.u32 s4, v5;
	_ =	sdelay $0x1  }
0x11a: {  	v12 =	vmul.f32 v12, v15;
	_ =	sdelay $0x1  }
0x11b: {  	[tilespmem:v14+s31+$0x0] =	vst.idx.msk $0xffff, v12  }
0x11c: {  	v12 =	vld.idx.msk [tilespmem:v13+s31+$0x0], $0xffff;
	_ =	sdelay $0x3  }
0x11d: {  	v14 =	vor.u32 s4, v6;
	_ =	sdelay $0x1  }
0x11e: {  	v12 =	vmul.f32 v12, v15;
	_ =	sdelay $0x1  }
0x11f: {  	[tilespmem:v13+s31+$0x0] =	vst.idx.msk $0xffff, v12  }
0x120: {  	v12 =	vld.idx.msk [tilespmem:v14+s31+$0x0], $0xffff;
	_ =	sdelay $0x3  }
0x121: {  	v13 =	vor.u32 s4, v7;
	_ =	sdelay $0x1  }
0x122: {  	v12 =	vmul.f32 v12, v15;
	_ =	sdelay $0x1  }
0x123: {  	[tilespmem:v14+s31+$0x0] =	vst.idx.msk $0xffff, v12  }
0x124: {  	v12 =	vld.idx.msk [tilespmem:v13+s31+$0x0], $0xffff;
	_ =	sdelay $0x3  }
0x125: {  	v14 =	vor.u32 s4, v8;
	_ =	sdelay $0x1  }
0x126: {  	v12 =	vmul.f32 v12, v15;
	_ =	sdelay $0x1  }
0x127: {  	[tilespmem:v13+s31+$0x0] =	vst.idx.msk $0xffff, v12  }
0x128: {  	v12 =	vld.idx.msk [tilespmem:v14+s31+$0x0], $0xffff;
	_ =	sdelay $0x3  }
0x129: {  	v13 =	vor.u32 s4, v9;
	_ =	sdelay $0x1  }
0x12a: {  	v12 =	vmul.f32 v12, v15;
	_ =	sdelay $0x1  }
0x12b: {  	[tilespmem:v14+s31+$0x0] =	vst.idx.msk $0xffff, v12  }
0x12c: {  	v14 =	vld.idx.msk [tilespmem:v13+s31+$0x0], $0xffff;
	_ =	sdelay $0x3  }
0x12d: {  	v12 =	vor.u32 s4, v10;
	_ =	sdelay $0x1  }
0x12e: {  	v14 =	vmul.f32 v14, v15;
	_ =	sdelay $0x1  }
0x12f: {  	[tilespmem:v13+s31+$0x0] =	vst.idx.msk $0xffff, v14  }
0x130: {  	v16 =	vld.idx.msk [tilespmem:v12+s31+$0x0], $0xffff;
	_ =	sdelay $0x1  }
.Ltmp7:
0x131: {  	(pc) =	sbr.rel @p2 .LBB2_12-.Ltmp7, $4  }
0x132: {  	s4 =	sadd.s32 s12, s8  }
0x133: {  	v14 =	vmov s4;
	s4 =	sshll.u32 s8, $0x7  }
0x134: {  	v13 =	vor.u32 s4, v1  }
0x135: {  	v15 =	vmul.f32 v16, v15  }
0x136: {  	_ =	sdelay $0x3  }
0x137: {  	[tilespmem:v12+s31+$0x0] =	vst.idx.msk $0xffff, v15  }
0x138: {  	v12 =	vld.idx.msk [tilespmem:v14+s26+$0x0], $0xffff  }
0x139: {  	v51 =	vld.idx.msk [tilespmem:v13+s31+$0x0], $0xffff;
	_ =	sdelay $0x2  }
0x13a: {  	v52 =	vor.u32 s4, v4;
	_ =	sdelay $0x1  }
0x13b: {  	v14 =	vmul.f32 v51, v12;
	_ =	sdelay $0x1  }
0x13c: {  	[tilespmem:v13+s31+$0x0] =	vst.idx.msk $0xffff, v14  }
0x13d: {  	v13 =	vld.idx.msk [tilespmem:v52+s31+$0x0], $0xffff;
	_ =	sdelay $0x2  }
0x13e: {  	v53 =	vor.u32 s4, v5;
	_ =	sdelay $0x1  }
0x13f: {  	v13 =	vmul.f32 v13, v12;
	_ =	sdelay $0x1  }
0x140: {  	[tilespmem:v52+s31+$0x0] =	vst.idx.msk $0xffff, v13  }
0x141: {  	v13 =	vld.idx.msk [tilespmem:v53+s31+$0x0], $0xffff;
	_ =	sdelay $0x2  }
0x142: {  	v54 =	vor.u32 s4, v6;
	_ =	sdelay $0x1  }
0x143: {  	v13 =	vmul.f32 v13, v12;
	_ =	sdelay $0x1  }
0x144: {  	[tilespmem:v53+s31+$0x0] =	vst.idx.msk $0xffff, v13  }
0x145: {  	v13 =	vld.idx.msk [tilespmem:v54+s31+$0x0], $0xffff;
	_ =	sdelay $0x2  }
0x146: {  	v55 =	vor.u32 s4, v7;
	_ =	sdelay $0x1  }
0x147: {  	v13 =	vmul.f32 v13, v12;
	_ =	sdelay $0x1  }
0x148: {  	[tilespmem:v54+s31+$0x0] =	vst.idx.msk $0xffff, v13  }
0x149: {  	v13 =	vld.idx.msk [tilespmem:v55+s31+$0x0], $0xffff;
	_ =	sdelay $0x2  }
0x14a: {  	v56 =	vor.u32 s4, v8;
	_ =	sdelay $0x1  }
0x14b: {  	v13 =	vmul.f32 v13, v12;
	_ =	sdelay $0x1  }
0x14c: {  	[tilespmem:v55+s31+$0x0] =	vst.idx.msk $0xffff, v13  }
0x14d: {  	v13 =	vld.idx.msk [tilespmem:v56+s31+$0x0], $0xffff;
	_ =	sdelay $0x2  }
0x14e: {  	v57 =	vor.u32 s4, v9;
	_ =	sdelay $0x1  }
0x14f: {  	v13 =	vmul.f32 v13, v12;
	_ =	sdelay $0x1  }
0x150: {  	[tilespmem:v56+s31+$0x0] =	vst.idx.msk $0xffff, v13  }
0x151: {  	v13 =	vld.idx.msk [tilespmem:v57+s31+$0x0], $0xffff;
	_ =	sdelay $0x2  }
0x152: {  	v58 =	vor.u32 s4, v10;
	_ =	sdelay $0x1  }
0x153: {  	v13 =	vmul.f32 v13, v12;
	_ =	sdelay $0x1  }
0x154: {  	[tilespmem:v57+s31+$0x0] =	vst.idx.msk $0xffff, v13  }
0x155: {  	v13 =	vld.idx.msk [tilespmem:v58+s31+$0x0], $0xffff;
	_ =	sdelay $0x4  }
0x156: {  	v12 =	vmul.f32 v13, v12;
	_ =	sdelay $0x1  }
0x157: {  	s4 =	simm.s32 @p1 $0x0;
	s8 =	simm.s32 @p1 $0x6A80;
	s9 =	rddreg [dreg:$0xe];
	[tilespmem:v58+s31+$0x0] =	vst.idx.msk $0xffff, v12  }
0x158: {  	[hbm4b:s9+s4] =	stream.linear.scatter @p1 [tilespmem:s8], [sflag:$0xA], $0x1400, $0x38;
	[tilespmem:$0x1DA80] =	vst v63  }
0x159: {  	s4 =	simm.s32 @p1 $0xA  }
0x15a: {  	_ =	swait.ge @p1 [sflag:s4], $0x1400  }
0x15b: {  	s8 =	simm.s32 @!p1 $0x6A80;
	[sflag:s4] =	ssyncset.done @p1 $0x0  }
0x15c: {  	s9 =	rddreg [dreg:$0xd];
	[sflag:s4] =	ssyncadd.s32 @p1 $0xFFFFEC00;
	s4 =	simm.s32 @!p1 $0x0  }
0x15d: {  	[hbm4b:s9+s4] =	stream.linear.scatter @!p1 [tilespmem:s8], [sflag:$0xA], $0x5000, $0x38;
	[tilespmem:$0x1DA80] =	vst v63  }
0x15e: {  	s4 =	simm.s32 @!p1 $0xA  }
0x15f: {  	_ =	swait.ge @!p1 [sflag:s4], $0x5000  }
0x160: {  	[sflag:s4] =	ssyncset.done @!p1 $0x0  }
0x161: {  	[sflag:s4] =	ssyncadd.s32 @!p1 $0xFFFFB000  }
0x162: {  	v59 =	vld.msk [tilespmem:$0x6580], $0x1;
	_ =	sdelay $0x4  }
0x163: {  	v60 =	vshrl.u32 v59, $0x3  }
0x164: {  	v13 =	vmul.u32 $0x278, v60  }
0x165: {  	v12 =	vand.u32 $0x7, v59  }
0x166: {  	v12 =	vor.u32 v12, v13  }
0x167: {  	v12 =	vperm.xlane v12, v0;
	_ =	sdelay $0x1  }
0x168: {  	v12 =	vadd.s32 v3, v12;
	_ =	sdelay $0x3  }
0x169: {  	s24 =	simm.s32 $0x0  }
0x16a: {  	[tilespmem:s5], [sflag:$0x1] =	stream.indirect_vreg.gather [hbm4b:s3+s24], $0x80, v12, vm0, $0xb8;
	[tilespmem:$0x1DA80] =	vst v63  }
0x16b: {  	s9 =	simm.s32 $0xF480  }
0x16c: {  	[tilespmem:s9], [sflag:$0x1] =	stream.indirect_vreg.gather [hbm4b:s18+s24], $0x80, v12, vm0, $0xb8;
	[tilespmem:$0x1DA80] =	vst v63  }
0x16d: {  	s10 =	simm.s32 $0xFC80  }
0x16e: {  	[tilespmem:s10], [sflag:$0x1] =	stream.indirect_vreg.gather [hbm4b:s19+s24], $0x80, v12, vm0, $0xb8;
	[tilespmem:$0x1DA80] =	vst v63  }
0x16f: {  	s14 =	simm.s32 $0x10480  }
0x170: {  	[tilespmem:s14], [sflag:$0x1] =	stream.indirect_vreg.gather [hbm4b:s20+s24], $0x80, v12, vm0, $0xb8;
	[tilespmem:$0x1DA80] =	vst v63  }
0x171: {  	s30 =	simm.s32 $0x10C80  }
0x172: {  	[tilespmem:s30], [sflag:$0x1] =	stream.indirect_vreg.gather [hbm4b:s21+s24], $0x80, v12, vm1, $0xb8;
	[tilespmem:$0x1DA80] =	vst v63  }
0x173: {  	v12 =	vld.msk [tilespmem:$0x6588], $0x1;
	_ =	sdelay $0x4  }
0x174: {  	v61 =	vshrl.u32 v12, $0x3  }
0x175: {  	v13 =	vmul.u32 $0x278, v61  }
0x176: {  	v12 =	vand.u32 $0x7, v12  }
0x177: {  	v12 =	vor.u32 v12, v13  }
0x178: {  	v12 =	vperm.xlane v12, v0;
	_ =	sdelay $0x1  }
0x179: {  	v12 =	vadd.s32 v3, v12;
	_ =	sdelay $0x4  }
0x17a: {  	[tilespmem:s1], [sflag:$0x2] =	stream.indirect_vreg.gather [hbm4b:s3+s24], $0x80, v12, vm0, $0xb8;
	[tilespmem:$0x1DA80] =	vst v63  }
0x17b: {  	s8 =	simm.s32 $0x11C00  }
0x17c: {  	[tilespmem:s8], [sflag:$0x2] =	stream.indirect_vreg.gather [hbm4b:s18+s24], $0x80, v12, vm0, $0xb8;
	[tilespmem:$0x1DA80] =	vst v63  }
0x17d: {  	s9 =	simm.s32 $0x12400  }
0x17e: {  	[tilespmem:s9], [sflag:$0x2] =	stream.indirect_vreg.gather [hbm4b:s19+s24], $0x80, v12, vm0, $0xb8;
	[tilespmem:$0x1DA80] =	vst v63  }
0x17f: {  	s10 =	simm.s32 $0x12C00  }
0x180: {  	[tilespmem:s10], [sflag:$0x2] =	stream.indirect_vreg.gather [hbm4b:s20+s24], $0x80, v12, vm0, $0xb8;
	[tilespmem:$0x1DA80] =	vst v63  }
0x181: {  	s14 =	simm.s32 $0x13400  }
0x182: {  	[tilespmem:s14], [sflag:$0x2] =	stream.indirect_vreg.gather [hbm4b:s21+s24], $0x80, v12, vm1, $0xb8;
	[tilespmem:$0x1DA80] =	vst v63  }
0x183: {  	v12 =	vld.msk [tilespmem:$0x6590], $0x1;
	_ =	sdelay $0x4  }
0x184: {  	v62 =	vshrl.u32 v12, $0x3  }
0x185: {  	v13 =	vmul.u32 $0x278, v62  }
0x186: {  	v12 =	vand.u32 $0x7, v12  }
0x187: {  	v12 =	vor.u32 v12, v13  }
0x188: {  	v12 =	vperm.xlane v12, v0;
	_ =	sdelay $0x1  }
0x189: {  	v12 =	vadd.s32 v3, v12;
	_ =	sdelay $0x4  }
0x18a: {  	[tilespmem:s2], [sflag:$0x3] =	stream.indirect_vreg.gather [hbm4b:s3+s24], $0x80, v12, vm0, $0xb8;
	[tilespmem:$0x1DA80] =	vst v63  }
0x18b: {  	s30 =	simm.s32 $0x14380  }
0x18c: {  	[tilespmem:s30], [sflag:$0x3] =	stream.indirect_vreg.gather [hbm4b:s18+s24], $0x80, v12, vm0, $0xb8;
	[tilespmem:$0x1DA80] =	vst v63  }
0x18d: {  	s8 =	simm.s32 $0x14B80  }
0x18e: {  	[tilespmem:s8], [sflag:$0x3] =	stream.indirect_vreg.gather [hbm4b:s19+s24], $0x80, v12, vm0, $0xb8;
	[tilespmem:$0x1DA80] =	vst v63  }
0x18f: {  	s9 =	simm.s32 $0x15380  }
0x190: {  	[tilespmem:s9], [sflag:$0x3] =	stream.indirect_vreg.gather [hbm4b:s20+s24], $0x80, v12, vm0, $0xb8;
	[tilespmem:$0x1DA80] =	vst v63  }
0x191: {  	s10 =	simm.s32 $0x15B80  }
0x192: {  	[tilespmem:s10], [sflag:$0x3] =	stream.indirect_vreg.gather [hbm4b:s21+s24], $0x80, v12, vm1, $0xb8;
	[tilespmem:$0x1DA80] =	vst v63  }
0x193: {  	v12 =	vld.msk [tilespmem:$0x6598], $0x1;
	_ =	sdelay $0x4  }
0x194: {  	v63 =	vshrl.u32 v12, $0x3  }
0x195: {  	v13 =	vmul.u32 $0x278, v63  }
0x196: {  	v12 =	vand.u32 $0x7, v12  }
0x197: {  	v12 =	vor.u32 v12, v13  }
0x198: {  	v12 =	vperm.xlane v12, v0;
	_ =	sdelay $0x1  }
0x199: {  	v12 =	vadd.s32 v3, v12;
	_ =	sdelay $0x4  }
0x19a: {  	[tilespmem:s13], [sflag:$0x4] =	stream.indirect_vreg.gather [hbm4b:s3+s24], $0x80, v12, vm0, $0xb8;
	[tilespmem:$0x1DA80] =	vst v63  }
0x19b: {  	s14 =	simm.s32 $0x16B00  }
0x19c: {  	[tilespmem:s14], [sflag:$0x4] =	stream.indirect_vreg.gather [hbm4b:s18+s24], $0x80, v12, vm0, $0xb8;
	[tilespmem:$0x1DA80] =	vst v63  }
0x19d: {  	s30 =	simm.s32 $0x17300  }
0x19e: {  	[tilespmem:s30], [sflag:$0x4] =	stream.indirect_vreg.gather [hbm4b:s19+s24], $0x80, v12, vm0, $0xb8;
	[tilespmem:$0x1DA80] =	vst v63  }
0x19f: {  	_ = 	snop  }
0x1a0: {  	[tilespmem:s15], [sflag:$0x4] =	stream.indirect_vreg.gather [hbm4b:s20+s24], $0x80, v12, vm0, $0xb8;
	[tilespmem:$0x1DA80] =	vst v63  }
0x1a1: {  	_ = 	snop  }
0x1a2: {  	[tilespmem:s16], [sflag:$0x4] =	stream.indirect_vreg.gather [hbm4b:s21+s24], $0x80, v12, vm1, $0xb8;
	[tilespmem:$0x1DA80] =	vst v63  }
.LBB2_14:
0x1a3: {  	_ =	swait.ge [sflag:s17], $0x2700  }
0x1a4: {  	s4 =	sshll.u32 s24, $0x2;
	[sflag:s17] =	ssyncset.done $0x0  }
0x1a5: {  	p2 =	seq.s32 s24, $0x0;
	s8 =	sadd.s32 s12, s4;
	[sflag:s17] =	ssyncadd.s32 $0xFFFFD900  }
0x1a6: {  	p3 =	sgt.u32 @!p2 s8, $0x1388;
	_ =	swait.ge [sflag:s7], $0x2700  }
0x1a7: {  	s4 =	sor.u32 $0x1, s4;
	p3 =	por p3, p2;
	[sflag:s7] =	ssyncset.done $0x0  }
0x1a8: {  	s9 =	sadd.s32 s12, s4;
	s10 =	simm.s32 @!p3 $0x5;
	[sflag:s7] =	ssyncadd.s32 $0xFFFFD900  }
0x1a9: {  	s14 =	sshll.u32 s24, $0x6;
	p4 =	sgt.u32 @!p2 s9, $0x138B;
	_ =	swait.ge @!p3 [sflag:s10], $0x1388  }
0x1aa: {  	v12 =	vor.u32 s14, v1;
	p4 =	por p4, p2;
	[sflag:s10] =	ssyncset.done @!p3 $0x0  }
0x1ab: {  	[sflag:s10] =	ssyncadd.s32 @!p3 $0xFFFFEC78;
	s10 =	simm.s32 @!p4 $0x6  }
0x1ac: {  	_ =	swait.ge @!p4 [sflag:s10], $0x1388  }
0x1ad: {  	[sflag:s10] =	ssyncset.done @!p4 $0x0  }
0x1ae: {  	[sflag:s10] =	ssyncadd.s32 @!p4 $0xFFFFEC78  }
0x1af: {  	s4 =	sshll.u32 s4, $0x4;
	v12 =	vld.idx.msk [tilespmem:v12+s22+$0x0], $0xffff  }
0x1b0: {  	v13 =	vor.u32 s4, v1;
	_ =	sdelay $0x3  }
0x1b1: {  	[tilespmem:v11+s5+$0x0] =	vst.idx.msk $0xffff, v12  }
0x1b2: {  	v12 =	vld.idx.msk [tilespmem:v13+s22+$0x0], $0xffff;
	_ =	sdelay $0x4  }
0x1b3: {  	s10 =	simm.s32 $0x0;
	[tilespmem:v11+s1+$0x0] =	vst.idx.msk $0xffff, v12  }
0x1b4: {  	v12 =	vld [tilespmem:s10+$0x3C80];
	_ =	sdelay $0x7  }
0x1b5: {  	v13 =	vld.idx.msk [tilespmem:v12+s5+$0x0], $0xffff;
	_ =	sdelay $0x4  }
0x1b6: {  	[tilespmem:s10+$0x18A80] =	vst v13;
	v13 =	vld [tilespmem:s10+$0x3C90];
	_ =	sdelay $0x1  }
0x1b7: {  	v12 =	vld.idx.msk [tilespmem:v12+s1+$0x0], $0xffff;
	_ =	sdelay $0x4  }
0x1b8: {  	[tilespmem:s10+$0x19E80] =	vst v12  }
0x1b9: {  	v12 =	vld.idx.msk [tilespmem:v13+s5+$0x0], $0xffff;
	_ =	sdelay $0x3  }
0x1ba: {  	v14 =	vld [tilespmem:s10+$0x3CA0]  }
0x1bb: {  	[tilespmem:s10+$0x18A90] =	vst v12  }
0x1bc: {  	v12 =	vld.idx.msk [tilespmem:v13+s1+$0x0], $0xffff;
	_ =	sdelay $0x4  }
0x1bd: {  	[tilespmem:s10+$0x19E90] =	vst v12  }
0x1be: {  	v12 =	vld.idx.msk [tilespmem:v14+s5+$0x0], $0xffff;
	_ =	sdelay $0x4  }
0x1bf: {  	[tilespmem:s10+$0x18AA0] =	vst v12;
	v12 =	vld [tilespmem:s10+$0x3CB0];
	_ =	sdelay $0x1  }
0x1c0: {  	v13 =	vld.idx.msk [tilespmem:v14+s1+$0x0], $0xffff;
	_ =	sdelay $0x4  }
0x1c1: {  	[tilespmem:s10+$0x19EA0] =	vst v13  }
0x1c2: {  	v13 =	vld.idx.msk [tilespmem:v12+s5+$0x0], $0xffff;
	_ =	sdelay $0x3  }
0x1c3: {  	s30 =	simm.s32 $0x40;
	s14 =	simm.s32 $0x200;
	s4 =	sshll.u32 s24, $0x1  }
.LBB2_15:
0x1c4: {  	p3 =	sne.s32 s14, $0x4F00;
	v14 =	vld [tilespmem:s30+$0x3C80];
	[tilespmem:s10+$0x18AB0] =	vst v13  }
0x1c5: {  	v12 =	vld.idx.msk [tilespmem:v12+s1+$0x0], $0xffff;
	_ =	sdelay $0x5  }
0x1c6: {  	[tilespmem:s10+$0x19EB0] =	vst v12;
	s10 =	smov.u32 s30  }
0x1c7: {  	v12 =	vld.idx.msk [tilespmem:v14+s5+$0x0], $0xffff;
	_ =	sdelay $0x5  }
0x1c8: {  	[tilespmem:s10+$0x18A80] =	vst v12;
	v12 =	vld [tilespmem:s10+$0x3C90]  }
0x1c9: {  	v13 =	vld.idx.msk [tilespmem:v14+s1+$0x0], $0xffff;
	_ =	sdelay $0x5  }
0x1ca: {  	[tilespmem:s10+$0x19E80] =	vst v13  }
0x1cb: {  	v13 =	vld.idx.msk [tilespmem:v12+s5+$0x0], $0xffff;
	_ =	sdelay $0x5  }
0x1cc: {  	[tilespmem:s10+$0x18A90] =	vst v13;
	v13 =	vld [tilespmem:s10+$0x3CA0]  }
0x1cd: {  	v12 =	vld.idx.msk [tilespmem:v12+s1+$0x0], $0xffff;
	_ =	sdelay $0x5  }
0x1ce: {  	[tilespmem:s10+$0x19E90] =	vst v12  }
0x1cf: {  	v12 =	vld.idx.msk [tilespmem:v13+s5+$0x0], $0xffff;
	_ =	sdelay $0x5  }
0x1d0: {  	[tilespmem:s10+$0x18AA0] =	vst v12;
	v12 =	vld [tilespmem:s10+$0x3CB0]  }
0x1d1: {  	v13 =	vld.idx.msk [tilespmem:v13+s1+$0x0], $0xffff;
	_ =	sdelay $0x5  }
0x1d2: {  	[tilespmem:s10+$0x19EA0] =	vst v13  }
0x1d3: {  	v13 =	vld.idx.msk [tilespmem:v12+s5+$0x0], $0xffff  }
.Ltmp8:
0x1d4: {  	(pc) =	sbr.rel @p3 .LBB2_15-.Ltmp8, $2  }
0x1d5: {  	_ =	sdelay $0x2  }
0x1d6: {  	s30 =	sshra.s32 s14, $0x2;
	s14 =	sadd.s32 $0x100, s14  }
0x1d7: {  	_ =	sdelay $0x1  }
0x1d8: {  	v14 =	vld [tilespmem:s30+$0x3C80]  }
0x1d9: {  	[tilespmem:s10+$0x18AB0] =	vst v13  }
0x1da: {  	v12 =	vld.idx.msk [tilespmem:v12+s1+$0x0], $0xffff;
	_ =	sdelay $0x4  }
0x1db: {  	[tilespmem:s10+$0x19EB0] =	vst v12  }
0x1dc: {  	v12 =	vld.idx.msk [tilespmem:v14+s5+$0x0], $0xffff;
	_ =	sdelay $0x4  }
0x1dd: {  	[tilespmem:s30+$0x18A80] =	vst v12;
	v12 =	vld [tilespmem:s30+$0x3C90];
	_ =	sdelay $0x1  }
0x1de: {  	v13 =	vld.idx.msk [tilespmem:v14+s1+$0x0], $0xffff;
	_ =	sdelay $0x4  }
0x1df: {  	[tilespmem:s30+$0x19E80] =	vst v13  }
0x1e0: {  	v13 =	vld.idx.msk [tilespmem:v12+s5+$0x0], $0xffff;
	_ =	sdelay $0x4  }
0x1e1: {  	[tilespmem:s30+$0x18A90] =	vst v13;
	v13 =	vld [tilespmem:s30+$0x3CA0];
	_ =	sdelay $0x1  }
0x1e2: {  	v12 =	vld.idx.msk [tilespmem:v12+s1+$0x0], $0xffff;
	_ =	sdelay $0x4  }
0x1e3: {  	[tilespmem:s30+$0x19E90] =	vst v12  }
0x1e4: {  	v12 =	vld.idx.msk [tilespmem:v13+s5+$0x0], $0xffff;
	_ =	sdelay $0x4  }
0x1e5: {  	[tilespmem:s30+$0x18AA0] =	vst v12;
	v12 =	vld [tilespmem:s30+$0x3CB0];
	_ =	sdelay $0x1  }
0x1e6: {  	v13 =	vld.idx.msk [tilespmem:v13+s1+$0x0], $0xffff;
	_ =	sdelay $0x4  }
0x1e7: {  	[tilespmem:s30+$0x19EA0] =	vst v13  }
0x1e8: {  	v13 =	vld.idx.msk [tilespmem:v12+s5+$0x0], $0xffff;
	_ =	sdelay $0x4  }
0x1e9: {  	[tilespmem:s30+$0x18AB0] =	vst v13  }
0x1ea: {  	v12 =	vld.idx.msk [tilespmem:v12+s1+$0x0], $0xffff;
	_ =	sdelay $0x1  }
0x1eb: {  	p3 =	sgt.u32 s8, $0x1387  }
0x1ec: {  	s8 =	smul.u32 @!p3 $0x271, s8  }
0x1ed: {  	p4 =	sgt.u32 s9, $0x1387;
	s14 =	simm.s32 @!p3 $0x18A80  }
0x1ee: {  	s9 =	smul.u32 @!p4 $0x271, s9;
	s8 =	sadd.s32 @!p3 s11, s8;
	s10 =	simm.s32 @!p3 $0x0;
	[tilespmem:s30+$0x19EB0] =	vst v12  }
0x1ef: {  	[hbm4b:s8+s10] =	stream.linear.scatter @!p3 [tilespmem:s14], [sflag:$0x5], $0x1388, $0x38;
	[tilespmem:$0x1DA80] =	vst v63  }
0x1f0: {  	s8 =	sadd.s32 @!p4 s11, s9  }
0x1f1: {  	s9 =	simm.s32 @!p4 $0x0;
	s10 =	simm.s32 @!p4 $0x19E80;
	p3 =	seq.s32 s24, $0x27  }
0x1f2: {  	[hbm4b:s8+s9] =	stream.linear.scatter @!p4 [tilespmem:s10], [sflag:$0x6], $0x1388, $0x38;
	[tilespmem:$0x1DA80] =	vst v63  }
0x1f3: {  	s8 =	sshll.u32 @!p3 s24, $0x5  }
0x1f4: {  	s8 =	sand.u32 @!p3 $0x3FFFFFE0, s8  }
0x1f5: {  	v12 =	vld.msk @!p3 [tilespmem:s8+$0x65A0], $0x1;
	_ =	sdelay $0x4  }
0x1f6: {  	v13 =	vshrl.u32 @!p3 v12, $0x3  }
0x1f7: {  	v13 =	vmul.u32 @!p3 $0x278, v13  }
0x1f8: {  	v12 =	vand.u32 @!p3 $0x7, v12  }
0x1f9: {  	v14 =	vlaneseq.u32 @!p3;
	v12 =	vor.u32 @!p3 v12, v13;
	v13 =	vimm.s32 @!p3 $0x0  }
0x1fa: {  	v14 =	vmul.u32 @!p3 $0x8, v14;
	v12 =	vperm.xlane @!p3 v12, v13;
	_ =	sdelay $0x1  }
0x1fb: {  	v12 =	vadd.s32 @!p3 v14, v12;
	_ =	sdelay $0x3  }
0x1fc: {  	vm2 =	vmmov @!p3 $0xffff;
	s9 =	simm.s32 @!p3 $0x0;
	s10 =	simm.s32 @!p3 $0xEC80  }
0x1fd: {  	[tilespmem:s10], [sflag:$0x1] =	stream.indirect_vreg.gather @!p3 [hbm4b:s3+s9], $0x80, v12, vm2, $0xb8;
	[tilespmem:$0x1DA80] =	vst v63  }
0x1fe: {  	s10 =	simm.s32 @!p3 $0xF480  }
0x1ff: {  	[tilespmem:s10], [sflag:$0x1] =	stream.indirect_vreg.gather @!p3 [hbm4b:s18+s9], $0x80, v12, vm2, $0xb8;
	[tilespmem:$0x1DA80] =	vst v63  }
0x200: {  	s10 =	simm.s32 @!p3 $0xFC80  }
0x201: {  	[tilespmem:s10], [sflag:$0x1] =	stream.indirect_vreg.gather @!p3 [hbm4b:s19+s9], $0x80, v12, vm2, $0xb8;
	[tilespmem:$0x1DA80] =	vst v63  }
0x202: {  	s10 =	simm.s32 @!p3 $0x10480  }
0x203: {  	[tilespmem:s10], [sflag:$0x1] =	stream.indirect_vreg.gather @!p3 [hbm4b:s20+s9], $0x80, v12, vm2, $0xb8;
	[tilespmem:$0x1DA80] =	vst v63  }
0x204: {  	vm3 =	vmmov @!p3 $0x3fff;
	s10 =	simm.s32 @!p3 $0x10C80  }
0x205: {  	[tilespmem:s10], [sflag:$0x1] =	stream.indirect_vreg.gather @!p3 [hbm4b:s21+s9], $0x80, v12, vm3, $0xb8;
	[tilespmem:$0x1DA80] =	vst v63  }
0x206: {  	v12 =	vld.msk @!p3 [tilespmem:s8+$0x65A8], $0x1;
	_ =	sdelay $0x4  }
0x207: {  	v15 =	vshrl.u32 @!p3 v12, $0x3  }
0x208: {  	v15 =	vmul.u32 @!p3 $0x278, v15  }
0x209: {  	v12 =	vand.u32 @!p3 $0x7, v12  }
0x20a: {  	v12 =	vor.u32 @!p3 v12, v15  }
0x20b: {  	v12 =	vperm.xlane @!p3 v12, v13;
	_ =	sdelay $0x1  }
0x20c: {  	v12 =	vadd.s32 @!p3 v14, v12;
	_ =	sdelay $0x3  }
0x20d: {  	s8 =	simm.s32 @!p3 $0x11400  }
0x20e: {  	[tilespmem:s8], [sflag:$0x2] =	stream.indirect_vreg.gather @!p3 [hbm4b:s3+s9], $0x80, v12, vm2, $0xb8;
	[tilespmem:$0x1DA80] =	vst v63  }
0x20f: {  	s8 =	simm.s32 @!p3 $0x11C00  }
0x210: {  	[tilespmem:s8], [sflag:$0x2] =	stream.indirect_vreg.gather @!p3 [hbm4b:s18+s9], $0x80, v12, vm2, $0xb8;
	[tilespmem:$0x1DA80] =	vst v63  }
0x211: {  	s8 =	simm.s32 @!p3 $0x12400  }
0x212: {  	[tilespmem:s8], [sflag:$0x2] =	stream.indirect_vreg.gather @!p3 [hbm4b:s19+s9], $0x80, v12, vm2, $0xb8;
	[tilespmem:$0x1DA80] =	vst v63  }
0x213: {  	s8 =	simm.s32 @!p3 $0x12C00  }
0x214: {  	[tilespmem:s8], [sflag:$0x2] =	stream.indirect_vreg.gather @!p3 [hbm4b:s20+s9], $0x80, v12, vm2, $0xb8;
	[tilespmem:$0x1DA80] =	vst v63  }
0x215: {  	s8 =	simm.s32 @!p3 $0x13400  }
0x216: {  	[tilespmem:s8], [sflag:$0x2] =	stream.indirect_vreg.gather @!p3 [hbm4b:s21+s9], $0x80, v12, vm3, $0xb8;
	[tilespmem:$0x1DA80] =	vst v63  }
0x217: {  	s4 =	sor.u32 $0x1, s4;
	_ =	swait.ge [sflag:s29], $0x2700  }
0x218: {  	s14 =	sshll.u32 s4, $0x1;
	[sflag:s29] =	ssyncset.done $0x0  }
0x219: {  	s8 =	sadd.s32 s12, s14;
	[sflag:s29] =	ssyncadd.s32 $0xFFFFD900  }
0x21a: {  	p4 =	sgt.u32 @!p2 s8, $0x138B;
	_ =	swait.ge [sflag:s0], $0x2700  }
0x21b: {  	s10 =	sshllo.u32 s4, $0x1;
	p4 =	por p4, p2;
	[sflag:s0] =	ssyncset.done $0x0  }
0x21c: {  	s9 =	sadd.s32 s12, s10;
	s14 =	simm.s32 @!p4 $0x7;
	[sflag:s0] =	ssyncadd.s32 $0xFFFFD900  }
0x21d: {  	s30 =	sshll.u32 s4, $0x5;
	p5 =	sgt.u32 @!p2 s9, $0x138B;
	_ =	swait.ge @!p4 [sflag:s14], $0x1388  }
0x21e: {  	v12 =	vor.u32 s30, v1;
	p2 =	por p5, p2;
	[sflag:s14] =	ssyncset.done @!p4 $0x0  }
0x21f: {  	[sflag:s14] =	ssyncadd.s32 @!p4 $0xFFFFEC78;
	s14 =	simm.s32 @!p2 $0x8  }
0x220: {  	_ =	swait.ge @!p2 [sflag:s14], $0x1388  }
0x221: {  	[sflag:s14] =	ssyncset.done @!p2 $0x0  }
0x222: {  	[sflag:s14] =	ssyncadd.s32 @!p2 $0xFFFFEC78  }
0x223: {  	s10 =	sshll.u32 s10, $0x4;
	v12 =	vld.idx.msk [tilespmem:v12+s22+$0x0], $0xffff  }
0x224: {  	v13 =	vor.u32 s10, v1;
	_ =	sdelay $0x3  }
0x225: {  	[tilespmem:v11+s2+$0x0] =	vst.idx.msk $0xffff, v12  }
0x226: {  	v12 =	vld.idx.msk [tilespmem:v13+s22+$0x0], $0xffff;
	_ =	sdelay $0x4  }
0x227: {  	s10 =	simm.s32 $0x0;
	[tilespmem:v11+s13+$0x0] =	vst.idx.msk $0xffff, v12  }
0x228: {  	v12 =	vld [tilespmem:s10+$0x3C80];
	_ =	sdelay $0x7  }
0x229: {  	v13 =	vld.idx.msk [tilespmem:v12+s2+$0x0], $0xffff;
	_ =	sdelay $0x4  }
0x22a: {  	[tilespmem:s10+$0x1B280] =	vst v13;
	v13 =	vld [tilespmem:s10+$0x3C90];
	_ =	sdelay $0x1  }
0x22b: {  	v12 =	vld.idx.msk [tilespmem:v12+s13+$0x0], $0xffff;
	_ =	sdelay $0x4  }
0x22c: {  	[tilespmem:s10+$0x1C680] =	vst v12  }
0x22d: {  	v12 =	vld.idx.msk [tilespmem:v13+s2+$0x0], $0xffff;
	_ =	sdelay $0x3  }
0x22e: {  	v14 =	vld [tilespmem:s10+$0x3CA0]  }
0x22f: {  	[tilespmem:s10+$0x1B290] =	vst v12  }
0x230: {  	v12 =	vld.idx.msk [tilespmem:v13+s13+$0x0], $0xffff;
	_ =	sdelay $0x4  }
0x231: {  	[tilespmem:s10+$0x1C690] =	vst v12  }
0x232: {  	v12 =	vld.idx.msk [tilespmem:v14+s2+$0x0], $0xffff;
	_ =	sdelay $0x4  }
0x233: {  	[tilespmem:s10+$0x1B2A0] =	vst v12;
	v12 =	vld [tilespmem:s10+$0x3CB0];
	_ =	sdelay $0x1  }
0x234: {  	v13 =	vld.idx.msk [tilespmem:v14+s13+$0x0], $0xffff;
	_ =	sdelay $0x4  }
0x235: {  	[tilespmem:s10+$0x1C6A0] =	vst v13  }
0x236: {  	v13 =	vld.idx.msk [tilespmem:v12+s2+$0x0], $0xffff;
	_ =	sdelay $0x3  }
0x237: {  	s30 =	simm.s32 $0x40;
	s14 =	simm.s32 $0x200  }
.LBB2_17:
0x238: {  	p2 =	sne.s32 s14, $0x4F00;
	v14 =	vld [tilespmem:s30+$0x3C80];
	[tilespmem:s10+$0x1B2B0] =	vst v13  }
0x239: {  	v12 =	vld.idx.msk [tilespmem:v12+s13+$0x0], $0xffff;
	_ =	sdelay $0x5  }
0x23a: {  	[tilespmem:s10+$0x1C6B0] =	vst v12;
	s10 =	smov.u32 s30  }
0x23b: {  	v12 =	vld.idx.msk [tilespmem:v14+s2+$0x0], $0xffff;
	_ =	sdelay $0x5  }
0x23c: {  	[tilespmem:s10+$0x1B280] =	vst v12;
	v12 =	vld [tilespmem:s10+$0x3C90]  }
0x23d: {  	v13 =	vld.idx.msk [tilespmem:v14+s13+$0x0], $0xffff;
	_ =	sdelay $0x5  }
0x23e: {  	[tilespmem:s10+$0x1C680] =	vst v13  }
0x23f: {  	v13 =	vld.idx.msk [tilespmem:v12+s2+$0x0], $0xffff;
	_ =	sdelay $0x5  }
0x240: {  	[tilespmem:s10+$0x1B290] =	vst v13;
	v13 =	vld [tilespmem:s10+$0x3CA0]  }
0x241: {  	v12 =	vld.idx.msk [tilespmem:v12+s13+$0x0], $0xffff;
	_ =	sdelay $0x5  }
0x242: {  	[tilespmem:s10+$0x1C690] =	vst v12  }
0x243: {  	v12 =	vld.idx.msk [tilespmem:v13+s2+$0x0], $0xffff;
	_ =	sdelay $0x5  }
0x244: {  	[tilespmem:s10+$0x1B2A0] =	vst v12;
	v12 =	vld [tilespmem:s10+$0x3CB0]  }
0x245: {  	v13 =	vld.idx.msk [tilespmem:v13+s13+$0x0], $0xffff;
	_ =	sdelay $0x5  }
0x246: {  	[tilespmem:s10+$0x1C6A0] =	vst v13  }
0x247: {  	v13 =	vld.idx.msk [tilespmem:v12+s2+$0x0], $0xffff  }
.Ltmp9:
0x248: {  	(pc) =	sbr.rel @p2 .LBB2_17-.Ltmp9, $2  }
0x249: {  	_ =	sdelay $0x2  }
0x24a: {  	s30 =	sshra.s32 s14, $0x2;
	s14 =	sadd.s32 $0x100, s14  }
0x24b: {  	_ =	sdelay $0x1  }
0x24c: {  	v14 =	vld [tilespmem:s30+$0x3C80]  }
0x24d: {  	[tilespmem:s10+$0x1B2B0] =	vst v13  }
0x24e: {  	v12 =	vld.idx.msk [tilespmem:v12+s13+$0x0], $0xffff;
	_ =	sdelay $0x4  }
0x24f: {  	[tilespmem:s10+$0x1C6B0] =	vst v12  }
0x250: {  	v12 =	vld.idx.msk [tilespmem:v14+s2+$0x0], $0xffff;
	_ =	sdelay $0x3  }
0x251: {  	v61 =	vld [tilespmem:s30+$0x3C90]  }
0x252: {  	[tilespmem:s30+$0x1B280] =	vst v12  }
0x253: {  	v13 =	vld.idx.msk [tilespmem:v14+s13+$0x0], $0xffff;
	_ =	sdelay $0x4  }
0x254: {  	[tilespmem:s30+$0x1C680] =	vst v13  }
0x255: {  	v13 =	vld.idx.msk [tilespmem:v61+s2+$0x0], $0xffff;
	_ =	sdelay $0x3  }
0x256: {  	v62 =	vld [tilespmem:s30+$0x3CA0]  }
0x257: {  	[tilespmem:s30+$0x1B290] =	vst v13  }
0x258: {  	v12 =	vld.idx.msk [tilespmem:v61+s13+$0x0], $0xffff;
	_ =	sdelay $0x4  }
0x259: {  	[tilespmem:s30+$0x1C690] =	vst v12  }
0x25a: {  	v12 =	vld.idx.msk [tilespmem:v62+s2+$0x0], $0xffff;
	_ =	sdelay $0x3  }
0x25b: {  	v63 =	vld [tilespmem:s30+$0x3CB0]  }
0x25c: {  	[tilespmem:s30+$0x1B2A0] =	vst v12  }
0x25d: {  	v13 =	vld.idx.msk [tilespmem:v62+s13+$0x0], $0xffff;
	_ =	sdelay $0x4  }
0x25e: {  	[tilespmem:s30+$0x1C6A0] =	vst v13  }
0x25f: {  	v13 =	vld.idx.msk [tilespmem:v63+s2+$0x0], $0xffff;
	_ =	sdelay $0x4  }
0x260: {  	[tilespmem:s30+$0x1B2B0] =	vst v13  }
0x261: {  	v12 =	vld.idx.msk [tilespmem:v63+s13+$0x0], $0xffff;
	_ =	sdelay $0x1  }
0x262: {  	p2 =	sgt.u32 s8, $0x1387  }
0x263: {  	s8 =	smul.u32 @!p2 $0x271, s8  }
.Ltmp10:
0x264: {  	p4 =	sgt.u32 s9, $0x1387;
	s14 =	simm.s32 @!p2 $0x1B280;
	(pc) =	sbr.rel @p3 .LBB2_20-.Ltmp10, $4  }
0x265: {  	s9 =	smul.u32 @!p4 $0x271, s9;
	s8 =	sadd.s32 @!p2 s11, s8;
	s10 =	simm.s32 @!p2 $0x0;
	[tilespmem:s30+$0x1C6B0] =	vst v12  }
0x266: {  	[hbm4b:s8+s10] =	stream.linear.scatter @!p2 [tilespmem:s14], [sflag:$0x7], $0x1388, $0x38;
	[tilespmem:$0x1DA80] =	vst v63  }
0x267: {  	s8 =	sadd.s32 @!p4 s11, s9;
	s9 =	simm.s32 @!p4 $0x0;
	s10 =	simm.s32 @!p4 $0x1C680  }
0x268: {  	[hbm4b:s8+s9] =	stream.linear.scatter @!p4 [tilespmem:s10], [sflag:$0x8], $0x1388, $0x38;
	[tilespmem:$0x1DA80] =	vst v63  }
0x269: {  	s4 =	sshll.u32 s4, $0x4  }
0x26a: {  	s4 =	sand.u32 $0x3FFFFFF0, s4  }
0x26b: {  	v12 =	vld.msk [tilespmem:s4+$0x65A0], $0x1;
	_ =	sdelay $0x4  }
0x26c: {  	v13 =	vshrl.u32 v12, $0x3  }
0x26d: {  	v13 =	vmul.u32 $0x278, v13  }
0x26e: {  	v12 =	vand.u32 $0x7, v12  }
0x26f: {  	v12 =	vor.u32 v12, v13  }
0x270: {  	v12 =	vperm.xlane v12, v0;
	_ =	sdelay $0x1  }
0x271: {  	v12 =	vadd.s32 v3, v12;
	_ =	sdelay $0x4  }
0x272: {  	[tilespmem:s2], [sflag:$0x3] =	stream.indirect_vreg.gather [hbm4b:s3+s6], $0x80, v12, vm0, $0xb8;
	[tilespmem:$0x1DA80] =	vst v63  }
0x273: {  	s8 =	simm.s32 $0x14380  }
0x274: {  	[tilespmem:s8], [sflag:$0x3] =	stream.indirect_vreg.gather [hbm4b:s18+s6], $0x80, v12, vm0, $0xb8;
	[tilespmem:$0x1DA80] =	vst v63  }
0x275: {  	s30 =	simm.s32 $0x14B80  }
0x276: {  	[tilespmem:s30], [sflag:$0x3] =	stream.indirect_vreg.gather [hbm4b:s19+s6], $0x80, v12, vm0, $0xb8;
	[tilespmem:$0x1DA80] =	vst v63  }
0x277: {  	s9 =	simm.s32 $0x15380  }
0x278: {  	[tilespmem:s9], [sflag:$0x3] =	stream.indirect_vreg.gather [hbm4b:s20+s6], $0x80, v12, vm0, $0xb8;
	[tilespmem:$0x1DA80] =	vst v63  }
0x279: {  	s10 =	simm.s32 $0x15B80  }
0x27a: {  	[tilespmem:s10], [sflag:$0x3] =	stream.indirect_vreg.gather [hbm4b:s21+s6], $0x80, v12, vm1, $0xb8;
	[tilespmem:$0x1DA80] =	vst v63  }
0x27b: {  	v12 =	vld.msk [tilespmem:s4+$0x65A8], $0x1;
	_ =	sdelay $0x4  }
0x27c: {  	v63 =	vshrl.u32 v12, $0x3  }
0x27d: {  	v13 =	vmul.u32 $0x278, v63  }
0x27e: {  	v12 =	vand.u32 $0x7, v12  }
0x27f: {  	v12 =	vor.u32 v12, v13  }
0x280: {  	v12 =	vperm.xlane v12, v0;
	_ =	sdelay $0x1  }
0x281: {  	v12 =	vadd.s32 v3, v12;
	_ =	sdelay $0x4  }
0x282: {  	[tilespmem:s13], [sflag:$0x4] =	stream.indirect_vreg.gather [hbm4b:s3+s6], $0x80, v12, vm0, $0xb8;
	[tilespmem:$0x1DA80] =	vst v63  }
0x283: {  	s14 =	simm.s32 $0x16B00  }
0x284: {  	[tilespmem:s14], [sflag:$0x4] =	stream.indirect_vreg.gather [hbm4b:s18+s6], $0x80, v12, vm0, $0xb8;
	[tilespmem:$0x1DA80] =	vst v63  }
0x285: {  	s30 =	simm.s32 $0x17300  }
0x286: {  	[tilespmem:s30], [sflag:$0x4] =	stream.indirect_vreg.gather [hbm4b:s19+s6], $0x80, v12, vm0, $0xb8;
	[tilespmem:$0x1DA80] =	vst v63  }
.Ltmp11:
0x287: {  	_ = 	snop;
	(pc) =	sbr.rel .LBB2_14-.Ltmp11, $4  }
0x288: {  	_ = 	snop  }
0x289: {  	[tilespmem:s15], [sflag:$0x4] =	stream.indirect_vreg.gather [hbm4b:s20+s6], $0x80, v12, vm0, $0xb8;
	[tilespmem:$0x1DA80] =	vst v63  }
0x28a: {  	s24 =	sadd.s32 $0x1, s24  }
0x28b: {  	[tilespmem:s16], [sflag:$0x4] =	stream.indirect_vreg.gather [hbm4b:s21+s6], $0x80, v12, vm1, $0xb8;
	[tilespmem:$0x1DA80] =	vst v63  }
.LBB2_21:
0x28c: {  	_ =	sfence.sel $0x180000  }
0x28d: {  	[bflag:$0x0] =	sbarrier.arrive $0xFFFF  }
0x28e: {  	_ =	strace $0x9000004A  }
0x28f: {  	s0 =	stileid.u32;
	[bflag:$0x2] =	sbarrier.arrive $0xFFFF  }
0x290: {  	p0 =	sne.s32 s0, $0x0;
	s0 =	rddreg [dreg:$0x6]  }
0x291: {  	s0 =	sadd.s32 @!p0 $0x100000, s0  }
0x292: {  	[sflag:s0] =	ssyncadd.tile.s32 @!p0 $0x1;
	_ =	shalt  }
.Lfunc_end2:
_tile_overlayer_lowered:
.L_overlay_start_2:
0x293: {  	(tag) =	ssettag $0x2  }
0x294: {  	s0 =	rddreg [dreg:$0x0];
	s2 =	stileid.u32  }
0x295: {  	s1 =	rddreg [dreg:$0x1];
	p0 =	sne.s32 s2, $0x0  }
0x296: {  	s3 =	rddreg [dreg:$0x2];
	[bflag:$0x3] =	sbarrier.arrive $0xFFFF;
	s2 =	simm.s32 @!p0 $0x1C0A  }
0x297: {  	[timem:s3], [sflag:s2] =	dma.local @!p0 [hbm:s0], s1  }
0x298: {  	s0 =	simm.s32 @!p0 $0xA  }
0x299: {  	_ =	swait.ge @!p0 [sflag:s0], s1  }
0x29a: {  	s1 =	ssub.s32 @!p0 $0x0, s1;
	[sflag:s0] =	ssyncset.done @!p0 $0x0  }
0x29b: {  	[sflag:s0] =	ssyncadd.s32 @!p0 s1  }
0x29c: {  	[bflag:$0x3] =	sbarrier.arrive $0xFFFF  }
0x29d: {  	_ =	shalt  }

</sc_bundles>
